<compile_context>
chip_gen: v7x
topology: tpu7x:2x2x1
jax: 0.10.2.dev20260603
libtpu: 0.0.44.dev20260713+nightly
codegen_flags: <defaults>
</compile_context>

<pallas_src>
import functools

import jax
import jax.numpy as jnp
from jax import lax
from jax.experimental import pallas as pl
from jax.experimental.pallas import tpu as pltpu
from jax.experimental.pallas import tpu_sc as plsc

N = 10000
E = 320000
D = 128

NC = 2
NS = 16
NW = NC * NS
EPW = E // NW
CH = 80
NCH = EPW // CH
RPT = N // NS
ZR = 125

_mesh = plsc.VectorSubcoreMesh(core_axis_name="c", subcore_axis_name="s")
_sc_params = pltpu.CompilerParams(
    needs_layout_passes=False, use_tc_tiling_on_sc=False
)



@functools.partial(
    pl.kernel,
    mesh=_mesh,
    out_type=jax.ShapeDtypeStruct((NW, N), jnp.float32),
    compiler_params=_sc_params,
    scratch_types=[
        pltpu.VMEM((N,), jnp.float32),
        pltpu.VMEM((NCH, CH), jnp.int32),
    ],
)
def _deg_pass(e4_hbm, out_hbm, deg_l, idx_b):
    cid = lax.axis_index("c")
    sid = lax.axis_index("s")
    w = sid * NC + cid
    z16 = jnp.zeros((16,), jnp.float32)
    ones16 = jnp.ones((16,), jnp.float32)

    def zloop(i, c):
        deg_l[pl.ds(i * 16, 16)] = z16
        return c

    lax.fori_loop(0, N // 16, zloop, 0)
    pltpu.sync_copy(e4_hbm.at[1, w], idx_b)

    def cloop(i, c):
        for j in range(CH // 16):
            idx = idx_b[i, pl.ds(j * 16, 16)]
            plsc.addupdate_scatter(deg_l, [idx], ones16)
        return c

    lax.fori_loop(0, NCH, cloop, 0)
    pltpu.sync_copy(deg_l, out_hbm.at[w])



NB = 3
PK = 2


@functools.partial(
    pl.kernel,
    mesh=_mesh,
    out_type=jax.ShapeDtypeStruct((NC, N, D), jnp.float32),
    compiler_params=_sc_params,
    scratch_types=[
        pltpu.VMEM((NCH, CH), jnp.int32),
        pltpu.VMEM((NCH, CH), jnp.int32),
        pltpu.VMEM((NB, CH, D), jnp.float32),
        pltpu.VMEM_SHARED((N, D), jnp.float32),
        pltpu.SemaphoreType.DMA((NB,)),
        pltpu.SemaphoreType.DMA((NB,)),
    ],
)
def _edge_pass(g_hbm, e4_hbm, out_hbm, sidx, didx, rows, acc,
               sem_g, sem_s):
    cid = lax.axis_index("c")
    sid = lax.axis_index("s")
    w = sid * NC + cid
    z16 = jnp.zeros((16,), jnp.float32)

    pltpu.sync_copy(e4_hbm.at[0, w], sidx)
    pltpu.sync_copy(e4_hbm.at[1, w], didx)

    def zrow(i, c):
        def zcol(j, c2):
            rows[NB - 1, i, pl.ds(j * 16, 16)] = z16
            return c2
        return lax.fori_loop(0, D // 16, zcol, c)

    lax.fori_loop(0, CH, zrow, 0)
    nfill = RPT // CH
    rem = RPT - nfill * CH
    for r in range(nfill):
        pltpu.async_copy(rows.at[NB - 1],
                         acc.at[pl.ds(sid * RPT + r * CH, CH)],
                         sem_s.at[NB - 1])
    if rem:
        pltpu.async_copy(
            rows.at[NB - 1, pl.ds(0, rem)],
            acc.at[pl.ds(sid * RPT + nfill * CH, rem)],
            sem_s.at[NB - 1],
        )

    for j in range(PK):
        pltpu.async_copy(g_hbm.at[sidx.at[j]], rows.at[j], sem_g.at[j])

    for r in range(nfill):
        pltpu.make_async_copy(rows.at[NB - 1],
                              acc.at[pl.ds(0, CH)],
                              sem_s.at[NB - 1]).wait()
    if rem:
        pltpu.make_async_copy(rows.at[NB - 1, pl.ds(0, rem)],
                              acc.at[pl.ds(0, rem)],
                              sem_s.at[NB - 1]).wait()
    plsc.subcore_barrier()

    def eloop(i, c):
        b = lax.rem(i, NB)
        pltpu.make_async_copy(g_hbm.at[pl.ds(0, CH)], rows.at[b],
                              sem_g.at[b]).wait()
        pltpu.async_copy(rows.at[b], acc.at[didx.at[i]], sem_s.at[b], add=True)

        nxt = i + PK
        bn = lax.rem(nxt, NB)

        @pl.when(nxt < NCH)
        def _():
            @pl.when(nxt >= NB)
            def _():
                pltpu.make_async_copy(rows.at[bn], acc.at[pl.ds(0, CH)],
                                      sem_s.at[bn]).wait()
            pltpu.async_copy(g_hbm.at[sidx.at[nxt]], rows.at[bn],
                             sem_g.at[bn])
        return c

    lax.fori_loop(0, NCH, eloop, 0)
    for j in range(NB):
        pltpu.make_async_copy(rows.at[j], acc.at[pl.ds(0, CH)],
                              sem_s.at[j]).wait()
    plsc.subcore_barrier()
    pltpu.sync_copy(
        acc.at[pl.ds(sid * RPT, RPT)],
        out_hbm.at[cid, pl.ds(sid * RPT, RPT)],
    )



_BLK = 2000
_GRID = N // _BLK


def _tc1_body(degs_ref, x_ref, w_ref, g_ref, dinv_ref):
    dinv = lax.rsqrt(jnp.sum(degs_ref[...], axis=1, keepdims=True) + 1.0)
    h = jnp.dot(x_ref[...], w_ref[...], preferred_element_type=jnp.float32)
    g_ref[...] = h * dinv
    dinv_ref[...] = dinv


def _tc2_body(dinv_ref, s_ref, g1_ref, b1_ref, w2_ref, g2_ref):
    dinv = dinv_ref[...]
    s = s_ref[0] + s_ref[1] + g1_ref[...]
    h = jnp.maximum(s * dinv + b1_ref[...], 0.0)
    g2_ref[...] = jnp.dot(h, w2_ref[...], preferred_element_type=jnp.float32) * dinv


def _tc3_body(dinv_ref, s_ref, g2_ref, b2_ref, o_ref):
    z = (s_ref[0] + s_ref[1] + g2_ref[...]) * dinv_ref[...] + b2_ref[...]
    m = jnp.max(z, axis=1, keepdims=True)
    zs = z - m
    o_ref[...] = zs - jnp.log(jnp.sum(jnp.exp(zs), axis=1, keepdims=True))


_deg_spec = pl.BlockSpec((_BLK, NW), lambda i: (i, 0))
_dinv_spec = pl.BlockSpec((_BLK, 1), lambda i: (i, 0))
_row_spec = pl.BlockSpec((_BLK, D), lambda i: (i, 0))
_s_spec = pl.BlockSpec((NC, _BLK, D), lambda i: (0, i, 0))
_w_spec = pl.BlockSpec((D, D), lambda i: (0, 0))
_b_spec = pl.BlockSpec((1, D), lambda i: (0, 0))

_tc1 = pl.pallas_call(
    _tc1_body,
    grid=(_GRID,),
    in_specs=[_deg_spec, _row_spec, _w_spec],
    out_specs=[_row_spec, _dinv_spec],
    out_shape=[
        jax.ShapeDtypeStruct((N, D), jnp.float32),
        jax.ShapeDtypeStruct((N, 1), jnp.float32),
    ],
)

_tc2 = pl.pallas_call(
    _tc2_body,
    grid=(_GRID,),
    in_specs=[_dinv_spec, _s_spec, _row_spec, _b_spec, _w_spec],
    out_specs=_row_spec,
    out_shape=jax.ShapeDtypeStruct((N, D), jnp.float32),
)

_tc3 = pl.pallas_call(
    _tc3_body,
    grid=(_GRID,),
    in_specs=[_dinv_spec, _s_spec, _row_spec, _b_spec],
    out_specs=_row_spec,
    out_shape=jax.ShapeDtypeStruct((N, D), jnp.float32),
)


def kernel(x, edge_index, batch, W1, b1, W2, b2):
    e4 = edge_index.reshape(2, NW, NCH, CH)
    degs = _deg_pass(e4)
    g1, dinv = _tc1(degs.T, x, W1)
    s1 = _edge_pass(g1, e4)
    g2 = _tc2(dinv, s1, g1, b1.reshape(1, D), W2)
    s2 = _edge_pass(g2, e4)
    return _tc3(dinv, s2, g2, b2.reshape(1, D))

# --- scband reference (transcript-rebuilt; emitter-appended) ---
"""Pipeline reference for scband-gcn-35845797052945 (READ-ONLY COPY).

The authoritative reference and input builder live on the scoring server;
editing this copy changes nothing except your own understanding.
"""

import jax, jax.numpy as jnp
import numpy as np

N = 10000
E = 320000
D_IN = 128
D_HID = 128
D_OUT = 128


def setup_inputs(seed: int = 0) -> dict:
    key = jax.random.key(seed)
    k1, k2, k3, k4, k5, k6 = jax.random.split(key, 6)
    x = jax.random.normal(k1, (N, D_IN), dtype=jnp.float32)
    edge_index = jax.random.randint(k2, (2, E), 0, N, dtype=jnp.int32)
    batch = jnp.zeros((N,), dtype=jnp.int32)
    # Glorot-initialized linear weights per GCNConv (lin: in->out), plus bias
    s1 = (6.0 / (D_IN + D_HID)) ** 0.5
    s2 = (6.0 / (D_HID + D_OUT)) ** 0.5
    W1 = jax.random.uniform(k3, (D_IN, D_HID), dtype=jnp.float32, minval=-s1, maxval=s1)
    b1 = jnp.zeros((D_HID,), dtype=jnp.float32)
    W2 = jax.random.uniform(k4, (D_HID, D_OUT), dtype=jnp.float32, minval=-s2, maxval=s2)
    b2 = jnp.zeros((D_OUT,), dtype=jnp.float32)
    return {"x": x, "edge_index": edge_index, "batch": batch, "W1": W1, "b1": b1, "W2": W2, "b2": b2}


def _gcn_conv(x, edge_index, W, b):
    n = x.shape[0]
    # PyG GCNConv: add self-loops, symmetric normalization, linear transform, scatter-add aggregate
    loop = jnp.arange(n, dtype=edge_index.dtype)
    src = jnp.concatenate([edge_index[0], loop])
    dst = jnp.concatenate([edge_index[1], loop])
    h = x @ W
    deg = jnp.zeros((n,), dtype=h.dtype).at[dst].add(1.0)
    dinv = jnp.where(deg > 0, deg ** -0.5, 0.0)
    norm = dinv[src] * dinv[dst]
    msg = h[src] * norm[:, None]
    out = jnp.zeros((n, h.shape[1]), dtype=h.dtype).at[dst].add(msg)
    return out + b


def reference(x, edge_index, batch, W1, b1, W2, b2):
    h = _gcn_conv(x, edge_index, W1, b1)
    h = jax.nn.relu(h)
    # F.dropout(training=self.training): identity in eval mode (deterministic reference)
    h = _gcn_conv(h, edge_index, W2, b2)
    return jax.nn.log_softmax(h, axis=1)

if __name__ == "__main__":
    import jax
    _d = setup_inputs()
    print(jax.jit(kernel)(*tuple(_d.values())))

</pallas_src>

<mosaic_0001>
#map = affine_map<(d0, d1) -> (0, 0)>
#map1 = affine_map<(d0, d1) -> (0, 0, 0, 0)>
#map2 = affine_map<(d0, d1) -> (0, 0, 0)>
module attributes {stable_mosaic.version = 14 : i64} {
  func.func @_edge_pass(%arg0: i32, %arg1: i32, %arg2: memref<10000x128xf32, #tpu.memory_space<hbm>>, %arg3: memref<2x32x125x80xi32, #tpu.memory_space<hbm>>, %arg4: memref<2x10000x128xf32, #tpu.memory_space<hbm>>, %arg5: memref<125x80xi32, #tpu.memory_space<vmem>>, %arg6: memref<125x80xi32, #tpu.memory_space<vmem>>, %arg7: memref<3x80x128xf32, #tpu.memory_space<vmem>>, %arg8: memref<10000x128xf32, #tpu.memory_space<vmem_shared>>, %arg9: memref<3x!tpu.dma_semaphore, #tpu.memory_space<semaphore_mem>>, %arg10: memref<3x!tpu.dma_semaphore, #tpu.memory_space<semaphore_mem>>) attributes {dimension_semantics = [#tpu.dimension_semantics<core_parallel>, #tpu.dimension_semantics<subcore_parallel>], iteration_bounds = array<i64: 2, 16>, scalar_prefetch = 0 : i64, scratch_operands = 6 : i64, tpu.core_type = #tpu.core_type<sc_vector_subcore>, window_params = [{transform_indices = #map}, {transform_indices = #map1}, {transform_indices = #map2}]} {
    %mul3A = arith.constant 2 : i32
    %mul3A_0 = arith.muli %arg1, %mul3A : i32
    %add3A = arith.addi %mul3A_0, %arg0 : i32
    %broadcast_in_dim3A = arith.constant 0.000000e+00 : f32
    %broadcast_in_dim3A_1 = vector.broadcast %broadcast_in_dim3A : f32 to vector<16xf32>
    %run_scoped3A = arith.constant 0 : i32
    "tpu.region"() ({
      %run_scoped3A_405 = tpu.sem_alloc : memref<!tpu.dma_semaphore, #tpu.memory_space<semaphore_mem>>
      %dma_start3A_406 = arith.constant 0 : i32
      %dma_start3A_407 = arith.constant 0 : i32
      %dma_start3A_408 = tpu.memref_slice %arg3[%run_scoped3A, %add3A, %dma_start3A_406, %dma_start3A_407] : memref<2x32x125x80xi32, #tpu.memory_space<hbm>> -> memref<1x1x125x80xi32, #tpu.memory_space<hbm>>
      %dma_start3A_409 = tpu.memref_squeeze %dma_start3A_408 : memref<1x1x125x80xi32, #tpu.memory_space<hbm>> -> memref<125x80xi32, #tpu.memory_space<hbm>>
      %dma_start3A_410 = arith.constant 0 : i32
      %dma_start3A_411 = arith.constant 0 : i32
      %dma_start3A_412 = tpu.memref_slice %arg3[%run_scoped3A, %add3A, %dma_start3A_410, %dma_start3A_411] : memref<2x32x125x80xi32, #tpu.memory_space<hbm>> -> memref<1x1x125x80xi32, #tpu.memory_space<hbm>>
      %dma_start3A_413 = tpu.memref_squeeze %dma_start3A_412 : memref<1x1x125x80xi32, #tpu.memory_space<hbm>> -> memref<125x80xi32, #tpu.memory_space<hbm>>
      tpu.enqueue_dma source(%dma_start3A_413 : memref<125x80xi32, #tpu.memory_space<hbm>>) target(%arg5 : memref<125x80xi32, #tpu.memory_space<vmem>>) target_semaphore(%run_scoped3A_405 : memref<!tpu.dma_semaphore, #tpu.memory_space<semaphore_mem>>)
      %dma_wait3A_414 = arith.constant 0 : i32
      %dma_wait3A_415 = arith.constant 0 : i32
      %dma_wait3A_416 = tpu.memref_slice %arg3[%run_scoped3A, %add3A, %dma_wait3A_414, %dma_wait3A_415] : memref<2x32x125x80xi32, #tpu.memory_space<hbm>> -> memref<1x1x125x80xi32, #tpu.memory_space<hbm>>
      %dma_wait3A_417 = tpu.memref_squeeze %dma_wait3A_416 : memref<1x1x125x80xi32, #tpu.memory_space<hbm>> -> memref<125x80xi32, #tpu.memory_space<hbm>>
      %dma_wait3A_418 = arith.constant 0 : i32
      %dma_wait3A_419 = arith.constant 0 : i32
      %dma_wait3A_420 = tpu.memref_slice %arg3[%run_scoped3A, %add3A, %dma_wait3A_418, %dma_wait3A_419] : memref<2x32x125x80xi32, #tpu.memory_space<hbm>> -> memref<1x1x125x80xi32, #tpu.memory_space<hbm>>
      %dma_wait3A_421 = tpu.memref_squeeze %dma_wait3A_420 : memref<1x1x125x80xi32, #tpu.memory_space<hbm>> -> memref<125x80xi32, #tpu.memory_space<hbm>>
      tpu.wait_dma2 semaphore(%run_scoped3A_405 : memref<!tpu.dma_semaphore, #tpu.memory_space<semaphore_mem>>) src(%dma_wait3A_421 : memref<125x80xi32, #tpu.memory_space<hbm>>) dst(%arg5 : memref<125x80xi32, #tpu.memory_space<vmem>>)
      tpu.yield
    }) : () -> ()
    %run_scoped3A_2 = arith.constant 1 : i32
    "tpu.region"() ({
      %run_scoped3A_405 = tpu.sem_alloc : memref<!tpu.dma_semaphore, #tpu.memory_space<semaphore_mem>>
      %dma_start3A_406 = arith.constant 0 : i32
      %dma_start3A_407 = arith.constant 0 : i32
      %dma_start3A_408 = tpu.memref_slice %arg3[%run_scoped3A_2, %add3A, %dma_start3A_406, %dma_start3A_407] : memref<2x32x125x80xi32, #tpu.memory_space<hbm>> -> memref<1x1x125x80xi32, #tpu.memory_space<hbm>>
      %dma_start3A_409 = tpu.memref_squeeze %dma_start3A_408 : memref<1x1x125x80xi32, #tpu.memory_space<hbm>> -> memref<125x80xi32, #tpu.memory_space<hbm>>
      %dma_start3A_410 = arith.constant 0 : i32
      %dma_start3A_411 = arith.constant 0 : i32
      %dma_start3A_412 = tpu.memref_slice %arg3[%run_scoped3A_2, %add3A, %dma_start3A_410, %dma_start3A_411] : memref<2x32x125x80xi32, #tpu.memory_space<hbm>> -> memref<1x1x125x80xi32, #tpu.memory_space<hbm>>
      %dma_start3A_413 = tpu.memref_squeeze %dma_start3A_412 : memref<1x1x125x80xi32, #tpu.memory_space<hbm>> -> memref<125x80xi32, #tpu.memory_space<hbm>>
      tpu.enqueue_dma source(%dma_start3A_413 : memref<125x80xi32, #tpu.memory_space<hbm>>) target(%arg6 : memref<125x80xi32, #tpu.memory_space<vmem>>) target_semaphore(%run_scoped3A_405 : memref<!tpu.dma_semaphore, #tpu.memory_space<semaphore_mem>>)
      %dma_wait3A_414 = arith.constant 0 : i32
      %dma_wait3A_415 = arith.constant 0 : i32
      %dma_wait3A_416 = tpu.memref_slice %arg3[%run_scoped3A_2, %add3A, %dma_wait3A_414, %dma_wait3A_415] : memref<2x32x125x80xi32, #tpu.memory_space<hbm>> -> memref<1x1x125x80xi32, #tpu.memory_space<hbm>>
      %dma_wait3A_417 = tpu.memref_squeeze %dma_wait3A_416 : memref<1x1x125x80xi32, #tpu.memory_space<hbm>> -> memref<125x80xi32, #tpu.memory_space<hbm>>
      %dma_wait3A_418 = arith.constant 0 : i32
      %dma_wait3A_419 = arith.constant 0 : i32
      %dma_wait3A_420 = tpu.memref_slice %arg3[%run_scoped3A_2, %add3A, %dma_wait3A_418, %dma_wait3A_419] : memref<2x32x125x80xi32, #tpu.memory_space<hbm>> -> memref<1x1x125x80xi32, #tpu.memory_space<hbm>>
      %dma_wait3A_421 = tpu.memref_squeeze %dma_wait3A_420 : memref<1x1x125x80xi32, #tpu.memory_space<hbm>> -> memref<125x80xi32, #tpu.memory_space<hbm>>
      tpu.wait_dma2 semaphore(%run_scoped3A_405 : memref<!tpu.dma_semaphore, #tpu.memory_space<semaphore_mem>>) src(%dma_wait3A_421 : memref<125x80xi32, #tpu.memory_space<hbm>>) dst(%arg6 : memref<125x80xi32, #tpu.memory_space<vmem>>)
      tpu.yield
    }) : () -> ()
    %scan3A = arith.constant 0 : i32
    %scan3A_3 = arith.constant 0 : i32
    %scan3A_4 = arith.constant 80 : i32
    %scan3A_5 = arith.addi %scan3A_3, %scan3A_4 : i32
    %scan3A_6 = arith.constant 1 : i32
    scf.for %scan3A_405 = %scan3A_3 to %scan3A_5 step %scan3A_6  : i32 {
      %scan3A_406 = arith.constant 0 : i32
      %scan3A_407 = arith.constant 8 : i32
      %scan3A_408 = arith.addi %scan3A_406, %scan3A_407 : i32
      %scan3A_409 = arith.constant 1 : i32
      scf.for %scan3A_411 = %scan3A_406 to %scan3A_408 step %scan3A_409  : i32 {
        %mul3A_412 = arith.constant 16 : i32
        %mul3A_413 = arith.muli %scan3A_411, %mul3A_412 : i32
        %swap3A = arith.constant 2 : i32
        %swap3A_414 = arith.index_cast %swap3A : i32 to index
        %swap3A_415 = arith.index_cast %scan3A_405 : i32 to index
        %swap3A_416 = arith.index_cast %mul3A_413 : i32 to index
        %swap3A_417 = tpu.vector_load %arg7[%swap3A_414, %swap3A_415, %swap3A_416] {strides = array<i32>} : memref<3x80x128xf32, #tpu.memory_space<vmem>>, vector<16xf32>,
        tpu.vector_store %arg7[%swap3A_414, %swap3A_415, %swap3A_416], %broadcast_in_dim3A_1 {strides = array<i32>} : memref<3x80x128xf32, #tpu.memory_space<vmem>>, vector<16xf32>,
      }
      %scan3A_410 = arith.constant 8 : i32
    }
    %scan3A_7 = arith.constant 80 : i32
    %mul3A_8 = arith.constant 625 : i32
    %mul3A_9 = arith.muli %arg1, %mul3A_8 : i32
    %add3A_10 = arith.constant 0 : i32
    %add3A_11 = arith.addi %mul3A_9, %add3A_10 : i32
    %dma_start3A = arith.constant 2 : i32
    %dma_start3A_12 = arith.constant 2 : i32
    %dma_start3A_13 = arith.constant 0 : i32
    %dma_start3A_14 = arith.constant 0 : i32
    %dma_start3A_15 = tpu.memref_slice %arg7[%dma_start3A, %dma_start3A_13, %dma_start3A_14] : memref<3x80x128xf32, #tpu.memory_space<vmem>> -> memref<1x80x128xf32, #tpu.memory_space<vmem>>
    %dma_start3A_16 = tpu.memref_squeeze %dma_start3A_15 : memref<1x80x128xf32, #tpu.memory_space<vmem>> -> memref<80x128xf32, #tpu.memory_space<vmem>>
    %dma_start3A_17 = arith.constant 0 : i32
    %dma_start3A_18 = tpu.memref_slice %arg8[%add3A_11, %dma_start3A_17] : memref<10000x128xf32, #tpu.memory_space<vmem_shared>> -> memref<80x128xf32, #tpu.memory_space<vmem_shared>>
    %dma_start3A_19 = tpu.memref_slice %arg10[%dma_start3A_12] : memref<3x!tpu.dma_semaphore, #tpu.memory_space<semaphore_mem>> -> memref<1x!tpu.dma_semaphore, #tpu.memory_space<semaphore_mem>>
    %dma_start3A_20 = tpu.memref_squeeze %dma_start3A_19 : memref<1x!tpu.dma_semaphore, #tpu.memory_space<semaphore_mem>> -> memref<!tpu.dma_semaphore, #tpu.memory_space<semaphore_mem>>
    %dma_start3A_21 = arith.constant 0 : i32
    %dma_start3A_22 = tpu.memref_slice %arg8[%add3A_11, %dma_start3A_21] : memref<10000x128xf32, #tpu.memory_space<vmem_shared>> -> memref<80x128xf32, #tpu.memory_space<vmem_shared>>
    %dma_start3A_23 = arith.constant 0 : i32
    %dma_start3A_24 = arith.constant 0 : i32
    %dma_start3A_25 = tpu.memref_slice %arg7[%dma_start3A, %dma_start3A_23, %dma_start3A_24] : memref<3x80x128xf32, #tpu.memory_space<vmem>> -> memref<1x80x128xf32, #tpu.memory_space<vmem>>
    %dma_start3A_26 = tpu.memref_squeeze %dma_start3A_25 : memref<1x80x128xf32, #tpu.memory_space<vmem>> -> memref<80x128xf32, #tpu.memory_space<vmem>>
    tpu.enqueue_dma source(%dma_start3A_26 : memref<80x128xf32, #tpu.memory_space<vmem>>) target(%dma_start3A_22 : memref<80x128xf32, #tpu.memory_space<vmem_shared>>) target_semaphore(%dma_start3A_20 : memref<!tpu.dma_semaphore, #tpu.memory_space<semaphore_mem>>)
    %mul3A_27 = arith.constant 625 : i32
    %mul3A_28 = arith.muli %arg1, %mul3A_27 : i32
    %add3A_29 = arith.constant 80 : i32
    %add3A_30 = arith.addi %mul3A_28, %add3A_29 : i32
    %dma_start3A_31 = arith.constant 2 : i32
    %dma_start3A_32 = arith.constant 2 : i32
    %dma_start3A_33 = arith.constant 0 : i32
    %dma_start3A_34 = arith.constant 0 : i32
    %dma_start3A_35 = tpu.memref_slice %arg7[%dma_start3A_31, %dma_start3A_33, %dma_start3A_34] : memref<3x80x128xf32, #tpu.memory_space<vmem>> -> memref<1x80x128xf32, #tpu.memory_space<vmem>>
    %dma_start3A_36 = tpu.memref_squeeze %dma_start3A_35 : memref<1x80x128xf32, #tpu.memory_space<vmem>> -> memref<80x128xf32, #tpu.memory_space<vmem>>
    %dma_start3A_37 = arith.constant 0 : i32
    %dma_start3A_38 = tpu.memref_slice %arg8[%add3A_30, %dma_start3A_37] : memref<10000x128xf32, #tpu.memory_space<vmem_shared>> -> memref<80x128xf32, #tpu.memory_space<vmem_shared>>
    %dma_start3A_39 = tpu.memref_slice %arg10[%dma_start3A_32] : memref<3x!tpu.dma_semaphore, #tpu.memory_space<semaphore_mem>> -> memref<1x!tpu.dma_semaphore, #tpu.memory_space<semaphore_mem>>
    %dma_start3A_40 = tpu.memref_squeeze %dma_start3A_39 : memref<1x!tpu.dma_semaphore, #tpu.memory_space<semaphore_mem>> -> memref<!tpu.dma_semaphore, #tpu.memory_space<semaphore_mem>>
    %dma_start3A_41 = arith.constant 0 : i32
    %dma_start3A_42 = tpu.memref_slice %arg8[%add3A_30, %dma_start3A_41] : memref<10000x128xf32, #tpu.memory_space<vmem_shared>> -> memref<80x128xf32, #tpu.memory_space<vmem_shared>>
    %dma_start3A_43 = arith.constant 0 : i32
    %dma_start3A_44 = arith.constant 0 : i32
    %dma_start3A_45 = tpu.memref_slice %arg7[%dma_start3A_31, %dma_start3A_43, %dma_start3A_44] : memref<3x80x128xf32, #tpu.memory_space<vmem>> -> memref<1x80x128xf32, #tpu.memory_space<vmem>>
    %dma_start3A_46 = tpu.memref_squeeze %dma_start3A_45 : memref<1x80x128xf32, #tpu.memory_space<vmem>> -> memref<80x128xf32, #tpu.memory_space<vmem>>
    tpu.enqueue_dma source(%dma_start3A_46 : memref<80x128xf32, #tpu.memory_space<vmem>>) target(%dma_start3A_42 : memref<80x128xf32, #tpu.memory_space<vmem_shared>>) target_semaphore(%dma_start3A_40 : memref<!tpu.dma_semaphore, #tpu.memory_space<semaphore_mem>>)
    %mul3A_47 = arith.constant 625 : i32
    %mul3A_48 = arith.muli %arg1, %mul3A_47 : i32
    %add3A_49 = arith.constant 160 : i32
    %add3A_50 = arith.addi %mul3A_48, %add3A_49 : i32
    %dma_start3A_51 = arith.constant 2 : i32
    %dma_start3A_52 = arith.constant 2 : i32
    %dma_start3A_53 = arith.constant 0 : i32
    %dma_start3A_54 = arith.constant 0 : i32
    %dma_start3A_55 = tpu.memref_slice %arg7[%dma_start3A_51, %dma_start3A_53, %dma_start3A_54] : memref<3x80x128xf32, #tpu.memory_space<vmem>> -> memref<1x80x128xf32, #tpu.memory_space<vmem>>
    %dma_start3A_56 = tpu.memref_squeeze %dma_start3A_55 : memref<1x80x128xf32, #tpu.memory_space<vmem>> -> memref<80x128xf32, #tpu.memory_space<vmem>>
    %dma_start3A_57 = arith.constant 0 : i32
    %dma_start3A_58 = tpu.memref_slice %arg8[%add3A_50, %dma_start3A_57] : memref<10000x128xf32, #tpu.memory_space<vmem_shared>> -> memref<80x128xf32, #tpu.memory_space<vmem_shared>>
    %dma_start3A_59 = tpu.memref_slice %arg10[%dma_start3A_52] : memref<3x!tpu.dma_semaphore, #tpu.memory_space<semaphore_mem>> -> memref<1x!tpu.dma_semaphore, #tpu.memory_space<semaphore_mem>>
    %dma_start3A_60 = tpu.memref_squeeze %dma_start3A_59 : memref<1x!tpu.dma_semaphore, #tpu.memory_space<semaphore_mem>> -> memref<!tpu.dma_semaphore, #tpu.memory_space<semaphore_mem>>
    %dma_start3A_61 = arith.constant 0 : i32
    %dma_start3A_62 = tpu.memref_slice %arg8[%add3A_50, %dma_start3A_61] : memref<10000x128xf32, #tpu.memory_space<vmem_shared>> -> memref<80x128xf32, #tpu.memory_space<vmem_shared>>
    %dma_start3A_63 = arith.constant 0 : i32
    %dma_start3A_64 = arith.constant 0 : i32
    %dma_start3A_65 = tpu.memref_slice %arg7[%dma_start3A_51, %dma_start3A_63, %dma_start3A_64] : memref<3x80x128xf32, #tpu.memory_space<vmem>> -> memref<1x80x128xf32, #tpu.memory_space<vmem>>
    %dma_start3A_66 = tpu.memref_squeeze %dma_start3A_65 : memref<1x80x128xf32, #tpu.memory_space<vmem>> -> memref<80x128xf32, #tpu.memory_space<vmem>>
    tpu.enqueue_dma source(%dma_start3A_66 : memref<80x128xf32, #tpu.memory_space<vmem>>) target(%dma_start3A_62 : memref<80x128xf32, #tpu.memory_space<vmem_shared>>) target_semaphore(%dma_start3A_60 : memref<!tpu.dma_semaphore, #tpu.memory_space<semaphore_mem>>)
    %mul3A_67 = arith.constant 625 : i32
    %mul3A_68 = arith.muli %arg1, %mul3A_67 : i32
    %add3A_69 = arith.constant 240 : i32
    %add3A_70 = arith.addi %mul3A_68, %add3A_69 : i32
    %dma_start3A_71 = arith.constant 2 : i32
    %dma_start3A_72 = arith.constant 2 : i32
    %dma_start3A_73 = arith.constant 0 : i32
    %dma_start3A_74 = arith.constant 0 : i32
    %dma_start3A_75 = tpu.memref_slice %arg7[%dma_start3A_71, %dma_start3A_73, %dma_start3A_74] : memref<3x80x128xf32, #tpu.memory_space<vmem>> -> memref<1x80x128xf32, #tpu.memory_space<vmem>>
    %dma_start3A_76 = tpu.memref_squeeze %dma_start3A_75 : memref<1x80x128xf32, #tpu.memory_space<vmem>> -> memref<80x128xf32, #tpu.memory_space<vmem>>
    %dma_start3A_77 = arith.constant 0 : i32
    %dma_start3A_78 = tpu.memref_slice %arg8[%add3A_70, %dma_start3A_77] : memref<10000x128xf32, #tpu.memory_space<vmem_shared>> -> memref<80x128xf32, #tpu.memory_space<vmem_shared>>
    %dma_start3A_79 = tpu.memref_slice %arg10[%dma_start3A_72] : memref<3x!tpu.dma_semaphore, #tpu.memory_space<semaphore_mem>> -> memref<1x!tpu.dma_semaphore, #tpu.memory_space<semaphore_mem>>
    %dma_start3A_80 = tpu.memref_squeeze %dma_start3A_79 : memref<1x!tpu.dma_semaphore, #tpu.memory_space<semaphore_mem>> -> memref<!tpu.dma_semaphore, #tpu.memory_space<semaphore_mem>>
    %dma_start3A_81 = arith.constant 0 : i32
    %dma_start3A_82 = tpu.memref_slice %arg8[%add3A_70, %dma_start3A_81] : memref<10000x128xf32, #tpu.memory_space<vmem_shared>> -> memref<80x128xf32, #tpu.memory_space<vmem_shared>>
    %dma_start3A_83 = arith.constant 0 : i32
    %dma_start3A_84 = arith.constant 0 : i32
    %dma_start3A_85 = tpu.memref_slice %arg7[%dma_start3A_71, %dma_start3A_83, %dma_start3A_84] : memref<3x80x128xf32, #tpu.memory_space<vmem>> -> memref<1x80x128xf32, #tpu.memory_space<vmem>>
    %dma_start3A_86 = tpu.memref_squeeze %dma_start3A_85 : memref<1x80x128xf32, #tpu.memory_space<vmem>> -> memref<80x128xf32, #tpu.memory_space<vmem>>
    tpu.enqueue_dma source(%dma_start3A_86 : memref<80x128xf32, #tpu.memory_space<vmem>>) target(%dma_start3A_82 : memref<80x128xf32, #tpu.memory_space<vmem_shared>>) target_semaphore(%dma_start3A_80 : memref<!tpu.dma_semaphore, #tpu.memory_space<semaphore_mem>>)
    %mul3A_87 = arith.constant 625 : i32
    %mul3A_88 = arith.muli %arg1, %mul3A_87 : i32
    %add3A_89 = arith.constant 320 : i32
    %add3A_90 = arith.addi %mul3A_88, %add3A_89 : i32
    %dma_start3A_91 = arith.constant 2 : i32
    %dma_start3A_92 = arith.constant 2 : i32
    %dma_start3A_93 = arith.constant 0 : i32
    %dma_start3A_94 = arith.constant 0 : i32
    %dma_start3A_95 = tpu.memref_slice %arg7[%dma_start3A_91, %dma_start3A_93, %dma_start3A_94] : memref<3x80x128xf32, #tpu.memory_space<vmem>> -> memref<1x80x128xf32, #tpu.memory_space<vmem>>
    %dma_start3A_96 = tpu.memref_squeeze %dma_start3A_95 : memref<1x80x128xf32, #tpu.memory_space<vmem>> -> memref<80x128xf32, #tpu.memory_space<vmem>>
    %dma_start3A_97 = arith.constant 0 : i32
    %dma_start3A_98 = tpu.memref_slice %arg8[%add3A_90, %dma_start3A_97] : memref<10000x128xf32, #tpu.memory_space<vmem_shared>> -> memref<80x128xf32, #tpu.memory_space<vmem_shared>>
    %dma_start3A_99 = tpu.memref_slice %arg10[%dma_start3A_92] : memref<3x!tpu.dma_semaphore, #tpu.memory_space<semaphore_mem>> -> memref<1x!tpu.dma_semaphore, #tpu.memory_space<semaphore_mem>>
    %dma_start3A_100 = tpu.memref_squeeze %dma_start3A_99 : memref<1x!tpu.dma_semaphore, #tpu.memory_space<semaphore_mem>> -> memref<!tpu.dma_semaphore, #tpu.memory_space<semaphore_mem>>
    %dma_start3A_101 = arith.constant 0 : i32
    %dma_start3A_102 = tpu.memref_slice %arg8[%add3A_90, %dma_start3A_101] : memref<10000x128xf32, #tpu.memory_space<vmem_shared>> -> memref<80x128xf32, #tpu.memory_space<vmem_shared>>
    %dma_start3A_103 = arith.constant 0 : i32
    %dma_start3A_104 = arith.constant 0 : i32
    %dma_start3A_105 = tpu.memref_slice %arg7[%dma_start3A_91, %dma_start3A_103, %dma_start3A_104] : memref<3x80x128xf32, #tpu.memory_space<vmem>> -> memref<1x80x128xf32, #tpu.memory_space<vmem>>
    %dma_start3A_106 = tpu.memref_squeeze %dma_start3A_105 : memref<1x80x128xf32, #tpu.memory_space<vmem>> -> memref<80x128xf32, #tpu.memory_space<vmem>>
    tpu.enqueue_dma source(%dma_start3A_106 : memref<80x128xf32, #tpu.memory_space<vmem>>) target(%dma_start3A_102 : memref<80x128xf32, #tpu.memory_space<vmem_shared>>) target_semaphore(%dma_start3A_100 : memref<!tpu.dma_semaphore, #tpu.memory_space<semaphore_mem>>)
    %mul3A_107 = arith.constant 625 : i32
    %mul3A_108 = arith.muli %arg1, %mul3A_107 : i32
    %add3A_109 = arith.constant 400 : i32
    %add3A_110 = arith.addi %mul3A_108, %add3A_109 : i32
    %dma_start3A_111 = arith.constant 2 : i32
    %dma_start3A_112 = arith.constant 2 : i32
    %dma_start3A_113 = arith.constant 0 : i32
    %dma_start3A_114 = arith.constant 0 : i32
    %dma_start3A_115 = tpu.memref_slice %arg7[%dma_start3A_111, %dma_start3A_113, %dma_start3A_114] : memref<3x80x128xf32, #tpu.memory_space<vmem>> -> memref<1x80x128xf32, #tpu.memory_space<vmem>>
    %dma_start3A_116 = tpu.memref_squeeze %dma_start3A_115 : memref<1x80x128xf32, #tpu.memory_space<vmem>> -> memref<80x128xf32, #tpu.memory_space<vmem>>
    %dma_start3A_117 = arith.constant 0 : i32
    %dma_start3A_118 = tpu.memref_slice %arg8[%add3A_110, %dma_start3A_117] : memref<10000x128xf32, #tpu.memory_space<vmem_shared>> -> memref<80x128xf32, #tpu.memory_space<vmem_shared>>
    %dma_start3A_119 = tpu.memref_slice %arg10[%dma_start3A_112] : memref<3x!tpu.dma_semaphore, #tpu.memory_space<semaphore_mem>> -> memref<1x!tpu.dma_semaphore, #tpu.memory_space<semaphore_mem>>
    %dma_start3A_120 = tpu.memref_squeeze %dma_start3A_119 : memref<1x!tpu.dma_semaphore, #tpu.memory_space<semaphore_mem>> -> memref<!tpu.dma_semaphore, #tpu.memory_space<semaphore_mem>>
    %dma_start3A_121 = arith.constant 0 : i32
    %dma_start3A_122 = tpu.memref_slice %arg8[%add3A_110, %dma_start3A_121] : memref<10000x128xf32, #tpu.memory_space<vmem_shared>> -> memref<80x128xf32, #tpu.memory_space<vmem_shared>>
    %dma_start3A_123 = arith.constant 0 : i32
    %dma_start3A_124 = arith.constant 0 : i32
    %dma_start3A_125 = tpu.memref_slice %arg7[%dma_start3A_111, %dma_start3A_123, %dma_start3A_124] : memref<3x80x128xf32, #tpu.memory_space<vmem>> -> memref<1x80x128xf32, #tpu.memory_space<vmem>>
    %dma_start3A_126 = tpu.memref_squeeze %dma_start3A_125 : memref<1x80x128xf32, #tpu.memory_space<vmem>> -> memref<80x128xf32, #tpu.memory_space<vmem>>
    tpu.enqueue_dma source(%dma_start3A_126 : memref<80x128xf32, #tpu.memory_space<vmem>>) target(%dma_start3A_122 : memref<80x128xf32, #tpu.memory_space<vmem_shared>>) target_semaphore(%dma_start3A_120 : memref<!tpu.dma_semaphore, #tpu.memory_space<semaphore_mem>>)
    %mul3A_127 = arith.constant 625 : i32
    %mul3A_128 = arith.muli %arg1, %mul3A_127 : i32
    %add3A_129 = arith.constant 480 : i32
    %add3A_130 = arith.addi %mul3A_128, %add3A_129 : i32
    %dma_start3A_131 = arith.constant 2 : i32
    %dma_start3A_132 = arith.constant 2 : i32
    %dma_start3A_133 = arith.constant 0 : i32
    %dma_start3A_134 = arith.constant 0 : i32
    %dma_start3A_135 = tpu.memref_slice %arg7[%dma_start3A_131, %dma_start3A_133, %dma_start3A_134] : memref<3x80x128xf32, #tpu.memory_space<vmem>> -> memref<1x80x128xf32, #tpu.memory_space<vmem>>
    %dma_start3A_136 = tpu.memref_squeeze %dma_start3A_135 : memref<1x80x128xf32, #tpu.memory_space<vmem>> -> memref<80x128xf32, #tpu.memory_space<vmem>>
    %dma_start3A_137 = arith.constant 0 : i32
    %dma_start3A_138 = tpu.memref_slice %arg8[%add3A_130, %dma_start3A_137] : memref<10000x128xf32, #tpu.memory_space<vmem_shared>> -> memref<80x128xf32, #tpu.memory_space<vmem_shared>>
    %dma_start3A_139 = tpu.memref_slice %arg10[%dma_start3A_132] : memref<3x!tpu.dma_semaphore, #tpu.memory_space<semaphore_mem>> -> memref<1x!tpu.dma_semaphore, #tpu.memory_space<semaphore_mem>>
    %dma_start3A_140 = tpu.memref_squeeze %dma_start3A_139 : memref<1x!tpu.dma_semaphore, #tpu.memory_space<semaphore_mem>> -> memref<!tpu.dma_semaphore, #tpu.memory_space<semaphore_mem>>
    %dma_start3A_141 = arith.constant 0 : i32
    %dma_start3A_142 = tpu.memref_slice %arg8[%add3A_130, %dma_start3A_141] : memref<10000x128xf32, #tpu.memory_space<vmem_shared>> -> memref<80x128xf32, #tpu.memory_space<vmem_shared>>
    %dma_start3A_143 = arith.constant 0 : i32
    %dma_start3A_144 = arith.constant 0 : i32
    %dma_start3A_145 = tpu.memref_slice %arg7[%dma_start3A_131, %dma_start3A_143, %dma_start3A_144] : memref<3x80x128xf32, #tpu.memory_space<vmem>> -> memref<1x80x128xf32, #tpu.memory_space<vmem>>
    %dma_start3A_146 = tpu.memref_squeeze %dma_start3A_145 : memref<1x80x128xf32, #tpu.memory_space<vmem>> -> memref<80x128xf32, #tpu.memory_space<vmem>>
    tpu.enqueue_dma source(%dma_start3A_146 : memref<80x128xf32, #tpu.memory_space<vmem>>) target(%dma_start3A_142 : memref<80x128xf32, #tpu.memory_space<vmem_shared>>) target_semaphore(%dma_start3A_140 : memref<!tpu.dma_semaphore, #tpu.memory_space<semaphore_mem>>)
    %mul3A_147 = arith.constant 625 : i32
    %mul3A_148 = arith.muli %arg1, %mul3A_147 : i32
    %add3A_149 = arith.constant 560 : i32
    %add3A_150 = arith.addi %mul3A_148, %add3A_149 : i32
    %dma_start3A_151 = arith.constant 2 : i32
    %dma_start3A_152 = arith.constant 2 : i32
    %dma_start3A_153 = arith.constant 0 : i32
    %dma_start3A_154 = arith.constant 0 : i32
    %dma_start3A_155 = tpu.memref_slice %arg7[%dma_start3A_151, %dma_start3A_153, %dma_start3A_154] : memref<3x80x128xf32, #tpu.memory_space<vmem>> -> memref<1x65x128xf32, #tpu.memory_space<vmem>>
    %dma_start3A_156 = tpu.memref_squeeze %dma_start3A_155 : memref<1x65x128xf32, #tpu.memory_space<vmem>> -> memref<65x128xf32, #tpu.memory_space<vmem>>
    %dma_start3A_157 = arith.constant 0 : i32
    %dma_start3A_158 = tpu.memref_slice %arg8[%add3A_150, %dma_start3A_157] : memref<10000x128xf32, #tpu.memory_space<vmem_shared>> -> memref<65x128xf32, #tpu.memory_space<vmem_shared>>
    %dma_start3A_159 = tpu.memref_slice %arg10[%dma_start3A_152] : memref<3x!tpu.dma_semaphore, #tpu.memory_space<semaphore_mem>> -> memref<1x!tpu.dma_semaphore, #tpu.memory_space<semaphore_mem>>
    %dma_start3A_160 = tpu.memref_squeeze %dma_start3A_159 : memref<1x!tpu.dma_semaphore, #tpu.memory_space<semaphore_mem>> -> memref<!tpu.dma_semaphore, #tpu.memory_space<semaphore_mem>>
    %dma_start3A_161 = arith.constant 0 : i32
    %dma_start3A_162 = tpu.memref_slice %arg8[%add3A_150, %dma_start3A_161] : memref<10000x128xf32, #tpu.memory_space<vmem_shared>> -> memref<65x128xf32, #tpu.memory_space<vmem_shared>>
    %dma_start3A_163 = arith.constant 0 : i32
    %dma_start3A_164 = arith.constant 0 : i32
    %dma_start3A_165 = tpu.memref_slice %arg7[%dma_start3A_151, %dma_start3A_163, %dma_start3A_164] : memref<3x80x128xf32, #tpu.memory_space<vmem>> -> memref<1x65x128xf32, #tpu.memory_space<vmem>>
    %dma_start3A_166 = tpu.memref_squeeze %dma_start3A_165 : memref<1x65x128xf32, #tpu.memory_space<vmem>> -> memref<65x128xf32, #tpu.memory_space<vmem>>
    tpu.enqueue_dma source(%dma_start3A_166 : memref<65x128xf32, #tpu.memory_space<vmem>>) target(%dma_start3A_162 : memref<65x128xf32, #tpu.memory_space<vmem_shared>>) target_semaphore(%dma_start3A_160 : memref<!tpu.dma_semaphore, #tpu.memory_space<semaphore_mem>>)
    %dma_start3A_167 = arith.constant 0 : i32
    %dma_start3A_168 = arith.constant 0 : i32
    %dma_start3A_169 = arith.constant 0 : i32
    %dma_start3A_170 = arith.constant 0 : i32
    %dma_start3A_171 = arith.constant 0 : i32
    %dma_start3A_172 = tpu.memref_slice %arg7[%dma_start3A_168, %dma_start3A_170, %dma_start3A_171] : memref<3x80x128xf32, #tpu.memory_space<vmem>> -> memref<1x80x128xf32, #tpu.memory_space<vmem>>
    %dma_start3A_173 = tpu.memref_squeeze %dma_start3A_172 : memref<1x80x128xf32, #tpu.memory_space<vmem>> -> memref<80x128xf32, #tpu.memory_space<vmem>>
    %dma_start3A_174 = arith.constant 0 : i32
    %dma_start3A_175 = tpu.memref_slice %arg5[%dma_start3A_167, %dma_start3A_174] : memref<125x80xi32, #tpu.memory_space<vmem>> -> memref<1x80xi32, #tpu.memory_space<vmem>>
    %dma_start3A_176 = tpu.memref_squeeze %dma_start3A_175 : memref<1x80xi32, #tpu.memory_space<vmem>> -> memref<80xi32, #tpu.memory_space<vmem>>
    %dma_start3A_177 = arith.constant 0 : i32
    %dma_start3A_178 = arith.constant 0 : i32
    %dma_start3A_179 = tpu.memref_slice %arg2[%dma_start3A_177, %dma_start3A_178] : memref<10000x128xf32, #tpu.memory_space<hbm>> -> memref<10000x128xf32, #tpu.memory_space<hbm>>
    %dma_start3A_180 = tpu.memref_slice %arg9[%dma_start3A_169] : memref<3x!tpu.dma_semaphore, #tpu.memory_space<semaphore_mem>> -> memref<1x!tpu.dma_semaphore, #tpu.memory_space<semaphore_mem>>
    %dma_start3A_181 = tpu.memref_squeeze %dma_start3A_180 : memref<1x!tpu.dma_semaphore, #tpu.memory_space<semaphore_mem>> -> memref<!tpu.dma_semaphore, #tpu.memory_space<semaphore_mem>>
    tpu.enqueue_indirect_dma source(%dma_start3A_179 : memref<10000x128xf32, #tpu.memory_space<hbm>>) target(%dma_start3A_173 : memref<80x128xf32, #tpu.memory_space<vmem>>) offsets(%dma_start3A_176 : memref<80xi32, #tpu.memory_space<vmem>>) semaphore(%dma_start3A_181 : memref<!tpu.dma_semaphore, #tpu.memory_space<semaphore_mem>>)
    %dma_start3A_182 = arith.constant 1 : i32
    %dma_start3A_183 = arith.constant 1 : i32
    %dma_start3A_184 = arith.constant 1 : i32
    %dma_start3A_185 = arith.constant 0 : i32
    %dma_start3A_186 = arith.constant 0 : i32
    %dma_start3A_187 = tpu.memref_slice %arg7[%dma_start3A_183, %dma_start3A_185, %dma_start3A_186] : memref<3x80x128xf32, #tpu.memory_space<vmem>> -> memref<1x80x128xf32, #tpu.memory_space<vmem>>
    %dma_start3A_188 = tpu.memref_squeeze %dma_start3A_187 : memref<1x80x128xf32, #tpu.memory_space<vmem>> -> memref<80x128xf32, #tpu.memory_space<vmem>>
    %dma_start3A_189 = arith.constant 0 : i32
    %dma_start3A_190 = tpu.memref_slice %arg5[%dma_start3A_182, %dma_start3A_189] : memref<125x80xi32, #tpu.memory_space<vmem>> -> memref<1x80xi32, #tpu.memory_space<vmem>>
    %dma_start3A_191 = tpu.memref_squeeze %dma_start3A_190 : memref<1x80xi32, #tpu.memory_space<vmem>> -> memref<80xi32, #tpu.memory_space<vmem>>
    %dma_start3A_192 = arith.constant 0 : i32
    %dma_start3A_193 = arith.constant 0 : i32
    %dma_start3A_194 = tpu.memref_slice %arg2[%dma_start3A_192, %dma_start3A_193] : memref<10000x128xf32, #tpu.memory_space<hbm>> -> memref<10000x128xf32, #tpu.memory_space<hbm>>
    %dma_start3A_195 = tpu.memref_slice %arg9[%dma_start3A_184] : memref<3x!tpu.dma_semaphore, #tpu.memory_space<semaphore_mem>> -> memref<1x!tpu.dma_semaphore, #tpu.memory_space<semaphore_mem>>
    %dma_start3A_196 = tpu.memref_squeeze %dma_start3A_195 : memref<1x!tpu.dma_semaphore, #tpu.memory_space<semaphore_mem>> -> memref<!tpu.dma_semaphore, #tpu.memory_space<semaphore_mem>>
    tpu.enqueue_indirect_dma source(%dma_start3A_194 : memref<10000x128xf32, #tpu.memory_space<hbm>>) target(%dma_start3A_188 : memref<80x128xf32, #tpu.memory_space<vmem>>) offsets(%dma_start3A_191 : memref<80xi32, #tpu.memory_space<vmem>>) semaphore(%dma_start3A_196 : memref<!tpu.dma_semaphore, #tpu.memory_space<semaphore_mem>>)
    %dma_wait3A = arith.constant 2 : i32
    %dma_wait3A_197 = arith.constant 2 : i32
    %dma_wait3A_198 = arith.constant 0 : i32
    %dma_wait3A_199 = arith.constant 0 : i32
    %dma_wait3A_200 = tpu.memref_slice %arg7[%dma_wait3A, %dma_wait3A_198, %dma_wait3A_199] : memref<3x80x128xf32, #tpu.memory_space<vmem>> -> memref<1x80x128xf32, #tpu.memory_space<vmem>>
    %dma_wait3A_201 = tpu.memref_squeeze %dma_wait3A_200 : memref<1x80x128xf32, #tpu.memory_space<vmem>> -> memref<80x128xf32, #tpu.memory_space<vmem>>
    %dma_wait3A_202 = arith.constant 0 : i32
    %dma_wait3A_203 = arith.constant 0 : i32
    %dma_wait3A_204 = tpu.memref_slice %arg8[%dma_wait3A_202, %dma_wait3A_203] : memref<10000x128xf32, #tpu.memory_space<vmem_shared>> -> memref<80x128xf32, #tpu.memory_space<vmem_shared>>
    %dma_wait3A_205 = tpu.memref_slice %arg10[%dma_wait3A_197] : memref<3x!tpu.dma_semaphore, #tpu.memory_space<semaphore_mem>> -> memref<1x!tpu.dma_semaphore, #tpu.memory_space<semaphore_mem>>
    %dma_wait3A_206 = tpu.memref_squeeze %dma_wait3A_205 : memref<1x!tpu.dma_semaphore, #tpu.memory_space<semaphore_mem>> -> memref<!tpu.dma_semaphore, #tpu.memory_space<semaphore_mem>>
    %dma_wait3A_207 = arith.constant 0 : i32
    %dma_wait3A_208 = arith.constant 0 : i32
    %dma_wait3A_209 = tpu.memref_slice %arg8[%dma_wait3A_207, %dma_wait3A_208] : memref<10000x128xf32, #tpu.memory_space<vmem_shared>> -> memref<80x128xf32, #tpu.memory_space<vmem_shared>>
    %dma_wait3A_210 = arith.constant 0 : i32
    %dma_wait3A_211 = arith.constant 0 : i32
    %dma_wait3A_212 = tpu.memref_slice %arg7[%dma_wait3A, %dma_wait3A_210, %dma_wait3A_211] : memref<3x80x128xf32, #tpu.memory_space<vmem>> -> memref<1x80x128xf32, #tpu.memory_space<vmem>>
    %dma_wait3A_213 = tpu.memref_squeeze %dma_wait3A_212 : memref<1x80x128xf32, #tpu.memory_space<vmem>> -> memref<80x128xf32, #tpu.memory_space<vmem>>
    tpu.wait_dma2 semaphore(%dma_wait3A_206 : memref<!tpu.dma_semaphore, #tpu.memory_space<semaphore_mem>>) src(%dma_wait3A_213 : memref<80x128xf32, #tpu.memory_space<vmem>>) dst(%dma_wait3A_209 : memref<80x128xf32, #tpu.memory_space<vmem_shared>>)
    %dma_wait3A_214 = arith.constant 2 : i32
    %dma_wait3A_215 = arith.constant 2 : i32
    %dma_wait3A_216 = arith.constant 0 : i32
    %dma_wait3A_217 = arith.constant 0 : i32
    %dma_wait3A_218 = tpu.memref_slice %arg7[%dma_wait3A_214, %dma_wait3A_216, %dma_wait3A_217] : memref<3x80x128xf32, #tpu.memory_space<vmem>> -> memref<1x80x128xf32, #tpu.memory_space<vmem>>
    %dma_wait3A_219 = tpu.memref_squeeze %dma_wait3A_218 : memref<1x80x128xf32, #tpu.memory_space<vmem>> -> memref<80x128xf32, #tpu.memory_space<vmem>>
    %dma_wait3A_220 = arith.constant 0 : i32
    %dma_wait3A_221 = arith.constant 0 : i32
    %dma_wait3A_222 = tpu.memref_slice %arg8[%dma_wait3A_220, %dma_wait3A_221] : memref<10000x128xf32, #tpu.memory_space<vmem_shared>> -> memref<80x128xf32, #tpu.memory_space<vmem_shared>>
    %dma_wait3A_223 = tpu.memref_slice %arg10[%dma_wait3A_215] : memref<3x!tpu.dma_semaphore, #tpu.memory_space<semaphore_mem>> -> memref<1x!tpu.dma_semaphore, #tpu.memory_space<semaphore_mem>>
    %dma_wait3A_224 = tpu.memref_squeeze %dma_wait3A_223 : memref<1x!tpu.dma_semaphore, #tpu.memory_space<semaphore_mem>> -> memref<!tpu.dma_semaphore, #tpu.memory_space<semaphore_mem>>
    %dma_wait3A_225 = arith.constant 0 : i32
    %dma_wait3A_226 = arith.constant 0 : i32
    %dma_wait3A_227 = tpu.memref_slice %arg8[%dma_wait3A_225, %dma_wait3A_226] : memref<10000x128xf32, #tpu.memory_space<vmem_shared>> -> memref<80x128xf32, #tpu.memory_space<vmem_shared>>
    %dma_wait3A_228 = arith.constant 0 : i32
    %dma_wait3A_229 = arith.constant 0 : i32
    %dma_wait3A_230 = tpu.memref_slice %arg7[%dma_wait3A_214, %dma_wait3A_228, %dma_wait3A_229] : memref<3x80x128xf32, #tpu.memory_space<vmem>> -> memref<1x80x128xf32, #tpu.memory_space<vmem>>
    %dma_wait3A_231 = tpu.memref_squeeze %dma_wait3A_230 : memref<1x80x128xf32, #tpu.memory_space<vmem>> -> memref<80x128xf32, #tpu.memory_space<vmem>>
    tpu.wait_dma2 semaphore(%dma_wait3A_224 : memref<!tpu.dma_semaphore, #tpu.memory_space<semaphore_mem>>) src(%dma_wait3A_231 : memref<80x128xf32, #tpu.memory_space<vmem>>) dst(%dma_wait3A_227 : memref<80x128xf32, #tpu.memory_space<vmem_shared>>)
    %dma_wait3A_232 = arith.constant 2 : i32
    %dma_wait3A_233 = arith.constant 2 : i32
    %dma_wait3A_234 = arith.constant 0 : i32
    %dma_wait3A_235 = arith.constant 0 : i32
    %dma_wait3A_236 = tpu.memref_slice %arg7[%dma_wait3A_232, %dma_wait3A_234, %dma_wait3A_235] : memref<3x80x128xf32, #tpu.memory_space<vmem>> -> memref<1x80x128xf32, #tpu.memory_space<vmem>>
    %dma_wait3A_237 = tpu.memref_squeeze %dma_wait3A_236 : memref<1x80x128xf32, #tpu.memory_space<vmem>> -> memref<80x128xf32, #tpu.memory_space<vmem>>
    %dma_wait3A_238 = arith.constant 0 : i32
    %dma_wait3A_239 = arith.constant 0 : i32
    %dma_wait3A_240 = tpu.memref_slice %arg8[%dma_wait3A_238, %dma_wait3A_239] : memref<10000x128xf32, #tpu.memory_space<vmem_shared>> -> memref<80x128xf32, #tpu.memory_space<vmem_shared>>
    %dma_wait3A_241 = tpu.memref_slice %arg10[%dma_wait3A_233] : memref<3x!tpu.dma_semaphore, #tpu.memory_space<semaphore_mem>> -> memref<1x!tpu.dma_semaphore, #tpu.memory_space<semaphore_mem>>
    %dma_wait3A_242 = tpu.memref_squeeze %dma_wait3A_241 : memref<1x!tpu.dma_semaphore, #tpu.memory_space<semaphore_mem>> -> memref<!tpu.dma_semaphore, #tpu.memory_space<semaphore_mem>>
    %dma_wait3A_243 = arith.constant 0 : i32
    %dma_wait3A_244 = arith.constant 0 : i32
    %dma_wait3A_245 = tpu.memref_slice %arg8[%dma_wait3A_243, %dma_wait3A_244] : memref<10000x128xf32, #tpu.memory_space<vmem_shared>> -> memref<80x128xf32, #tpu.memory_space<vmem_shared>>
    %dma_wait3A_246 = arith.constant 0 : i32
    %dma_wait3A_247 = arith.constant 0 : i32
    %dma_wait3A_248 = tpu.memref_slice %arg7[%dma_wait3A_232, %dma_wait3A_246, %dma_wait3A_247] : memref<3x80x128xf32, #tpu.memory_space<vmem>> -> memref<1x80x128xf32, #tpu.memory_space<vmem>>
    %dma_wait3A_249 = tpu.memref_squeeze %dma_wait3A_248 : memref<1x80x128xf32, #tpu.memory_space<vmem>> -> memref<80x128xf32, #tpu.memory_space<vmem>>
    tpu.wait_dma2 semaphore(%dma_wait3A_242 : memref<!tpu.dma_semaphore, #tpu.memory_space<semaphore_mem>>) src(%dma_wait3A_249 : memref<80x128xf32, #tpu.memory_space<vmem>>) dst(%dma_wait3A_245 : memref<80x128xf32, #tpu.memory_space<vmem_shared>>)
    %dma_wait3A_250 = arith.constant 2 : i32
    %dma_wait3A_251 = arith.constant 2 : i32
    %dma_wait3A_252 = arith.constant 0 : i32
    %dma_wait3A_253 = arith.constant 0 : i32
    %dma_wait3A_254 = tpu.memref_slice %arg7[%dma_wait3A_250, %dma_wait3A_252, %dma_wait3A_253] : memref<3x80x128xf32, #tpu.memory_space<vmem>> -> memref<1x80x128xf32, #tpu.memory_space<vmem>>
    %dma_wait3A_255 = tpu.memref_squeeze %dma_wait3A_254 : memref<1x80x128xf32, #tpu.memory_space<vmem>> -> memref<80x128xf32, #tpu.memory_space<vmem>>
    %dma_wait3A_256 = arith.constant 0 : i32
    %dma_wait3A_257 = arith.constant 0 : i32
    %dma_wait3A_258 = tpu.memref_slice %arg8[%dma_wait3A_256, %dma_wait3A_257] : memref<10000x128xf32, #tpu.memory_space<vmem_shared>> -> memref<80x128xf32, #tpu.memory_space<vmem_shared>>
    %dma_wait3A_259 = tpu.memref_slice %arg10[%dma_wait3A_251] : memref<3x!tpu.dma_semaphore, #tpu.memory_space<semaphore_mem>> -> memref<1x!tpu.dma_semaphore, #tpu.memory_space<semaphore_mem>>
    %dma_wait3A_260 = tpu.memref_squeeze %dma_wait3A_259 : memref<1x!tpu.dma_semaphore, #tpu.memory_space<semaphore_mem>> -> memref<!tpu.dma_semaphore, #tpu.memory_space<semaphore_mem>>
    %dma_wait3A_261 = arith.constant 0 : i32
    %dma_wait3A_262 = arith.constant 0 : i32
    %dma_wait3A_263 = tpu.memref_slice %arg8[%dma_wait3A_261, %dma_wait3A_262] : memref<10000x128xf32, #tpu.memory_space<vmem_shared>> -> memref<80x128xf32, #tpu.memory_space<vmem_shared>>
    %dma_wait3A_264 = arith.constant 0 : i32
    %dma_wait3A_265 = arith.constant 0 : i32
    %dma_wait3A_266 = tpu.memref_slice %arg7[%dma_wait3A_250, %dma_wait3A_264, %dma_wait3A_265] : memref<3x80x128xf32, #tpu.memory_space<vmem>> -> memref<1x80x128xf32, #tpu.memory_space<vmem>>
    %dma_wait3A_267 = tpu.memref_squeeze %dma_wait3A_266 : memref<1x80x128xf32, #tpu.memory_space<vmem>> -> memref<80x128xf32, #tpu.memory_space<vmem>>
    tpu.wait_dma2 semaphore(%dma_wait3A_260 : memref<!tpu.dma_semaphore, #tpu.memory_space<semaphore_mem>>) src(%dma_wait3A_267 : memref<80x128xf32, #tpu.memory_space<vmem>>) dst(%dma_wait3A_263 : memref<80x128xf32, #tpu.memory_space<vmem_shared>>)
    %dma_wait3A_268 = arith.constant 2 : i32
    %dma_wait3A_269 = arith.constant 2 : i32
    %dma_wait3A_270 = arith.constant 0 : i32
    %dma_wait3A_271 = arith.constant 0 : i32
    %dma_wait3A_272 = tpu.memref_slice %arg7[%dma_wait3A_268, %dma_wait3A_270, %dma_wait3A_271] : memref<3x80x128xf32, #tpu.memory_space<vmem>> -> memref<1x80x128xf32, #tpu.memory_space<vmem>>
    %dma_wait3A_273 = tpu.memref_squeeze %dma_wait3A_272 : memref<1x80x128xf32, #tpu.memory_space<vmem>> -> memref<80x128xf32, #tpu.memory_space<vmem>>
    %dma_wait3A_274 = arith.constant 0 : i32
    %dma_wait3A_275 = arith.constant 0 : i32
    %dma_wait3A_276 = tpu.memref_slice %arg8[%dma_wait3A_274, %dma_wait3A_275] : memref<10000x128xf32, #tpu.memory_space<vmem_shared>> -> memref<80x128xf32, #tpu.memory_space<vmem_shared>>
    %dma_wait3A_277 = tpu.memref_slice %arg10[%dma_wait3A_269] : memref<3x!tpu.dma_semaphore, #tpu.memory_space<semaphore_mem>> -> memref<1x!tpu.dma_semaphore, #tpu.memory_space<semaphore_mem>>
    %dma_wait3A_278 = tpu.memref_squeeze %dma_wait3A_277 : memref<1x!tpu.dma_semaphore, #tpu.memory_space<semaphore_mem>> -> memref<!tpu.dma_semaphore, #tpu.memory_space<semaphore_mem>>
    %dma_wait3A_279 = arith.constant 0 : i32
    %dma_wait3A_280 = arith.constant 0 : i32
    %dma_wait3A_281 = tpu.memref_slice %arg8[%dma_wait3A_279, %dma_wait3A_280] : memref<10000x128xf32, #tpu.memory_space<vmem_shared>> -> memref<80x128xf32, #tpu.memory_space<vmem_shared>>
    %dma_wait3A_282 = arith.constant 0 : i32
    %dma_wait3A_283 = arith.constant 0 : i32
    %dma_wait3A_284 = tpu.memref_slice %arg7[%dma_wait3A_268, %dma_wait3A_282, %dma_wait3A_283] : memref<3x80x128xf32, #tpu.memory_space<vmem>> -> memref<1x80x128xf32, #tpu.memory_space<vmem>>
    %dma_wait3A_285 = tpu.memref_squeeze %dma_wait3A_284 : memref<1x80x128xf32, #tpu.memory_space<vmem>> -> memref<80x128xf32, #tpu.memory_space<vmem>>
    tpu.wait_dma2 semaphore(%dma_wait3A_278 : memref<!tpu.dma_semaphore, #tpu.memory_space<semaphore_mem>>) src(%dma_wait3A_285 : memref<80x128xf32, #tpu.memory_space<vmem>>) dst(%dma_wait3A_281 : memref<80x128xf32, #tpu.memory_space<vmem_shared>>)
    %dma_wait3A_286 = arith.constant 2 : i32
    %dma_wait3A_287 = arith.constant 2 : i32
    %dma_wait3A_288 = arith.constant 0 : i32
    %dma_wait3A_289 = arith.constant 0 : i32
    %dma_wait3A_290 = tpu.memref_slice %arg7[%dma_wait3A_286, %dma_wait3A_288, %dma_wait3A_289] : memref<3x80x128xf32, #tpu.memory_space<vmem>> -> memref<1x80x128xf32, #tpu.memory_space<vmem>>
    %dma_wait3A_291 = tpu.memref_squeeze %dma_wait3A_290 : memref<1x80x128xf32, #tpu.memory_space<vmem>> -> memref<80x128xf32, #tpu.memory_space<vmem>>
    %dma_wait3A_292 = arith.constant 0 : i32
    %dma_wait3A_293 = arith.constant 0 : i32
    %dma_wait3A_294 = tpu.memref_slice %arg8[%dma_wait3A_292, %dma_wait3A_293] : memref<10000x128xf32, #tpu.memory_space<vmem_shared>> -> memref<80x128xf32, #tpu.memory_space<vmem_shared>>
    %dma_wait3A_295 = tpu.memref_slice %arg10[%dma_wait3A_287] : memref<3x!tpu.dma_semaphore, #tpu.memory_space<semaphore_mem>> -> memref<1x!tpu.dma_semaphore, #tpu.memory_space<semaphore_mem>>
    %dma_wait3A_296 = tpu.memref_squeeze %dma_wait3A_295 : memref<1x!tpu.dma_semaphore, #tpu.memory_space<semaphore_mem>> -> memref<!tpu.dma_semaphore, #tpu.memory_space<semaphore_mem>>
    %dma_wait3A_297 = arith.constant 0 : i32
    %dma_wait3A_298 = arith.constant 0 : i32
    %dma_wait3A_299 = tpu.memref_slice %arg8[%dma_wait3A_297, %dma_wait3A_298] : memref<10000x128xf32, #tpu.memory_space<vmem_shared>> -> memref<80x128xf32, #tpu.memory_space<vmem_shared>>
    %dma_wait3A_300 = arith.constant 0 : i32
    %dma_wait3A_301 = arith.constant 0 : i32
    %dma_wait3A_302 = tpu.memref_slice %arg7[%dma_wait3A_286, %dma_wait3A_300, %dma_wait3A_301] : memref<3x80x128xf32, #tpu.memory_space<vmem>> -> memref<1x80x128xf32, #tpu.memory_space<vmem>>
    %dma_wait3A_303 = tpu.memref_squeeze %dma_wait3A_302 : memref<1x80x128xf32, #tpu.memory_space<vmem>> -> memref<80x128xf32, #tpu.memory_space<vmem>>
    tpu.wait_dma2 semaphore(%dma_wait3A_296 : memref<!tpu.dma_semaphore, #tpu.memory_space<semaphore_mem>>) src(%dma_wait3A_303 : memref<80x128xf32, #tpu.memory_space<vmem>>) dst(%dma_wait3A_299 : memref<80x128xf32, #tpu.memory_space<vmem_shared>>)
    %dma_wait3A_304 = arith.constant 2 : i32
    %dma_wait3A_305 = arith.constant 2 : i32
    %dma_wait3A_306 = arith.constant 0 : i32
    %dma_wait3A_307 = arith.constant 0 : i32
    %dma_wait3A_308 = tpu.memref_slice %arg7[%dma_wait3A_304, %dma_wait3A_306, %dma_wait3A_307] : memref<3x80x128xf32, #tpu.memory_space<vmem>> -> memref<1x80x128xf32, #tpu.memory_space<vmem>>
    %dma_wait3A_309 = tpu.memref_squeeze %dma_wait3A_308 : memref<1x80x128xf32, #tpu.memory_space<vmem>> -> memref<80x128xf32, #tpu.memory_space<vmem>>
    %dma_wait3A_310 = arith.constant 0 : i32
    %dma_wait3A_311 = arith.constant 0 : i32
    %dma_wait3A_312 = tpu.memref_slice %arg8[%dma_wait3A_310, %dma_wait3A_311] : memref<10000x128xf32, #tpu.memory_space<vmem_shared>> -> memref<80x128xf32, #tpu.memory_space<vmem_shared>>
    %dma_wait3A_313 = tpu.memref_slice %arg10[%dma_wait3A_305] : memref<3x!tpu.dma_semaphore, #tpu.memory_space<semaphore_mem>> -> memref<1x!tpu.dma_semaphore, #tpu.memory_space<semaphore_mem>>
    %dma_wait3A_314 = tpu.memref_squeeze %dma_wait3A_313 : memref<1x!tpu.dma_semaphore, #tpu.memory_space<semaphore_mem>> -> memref<!tpu.dma_semaphore, #tpu.memory_space<semaphore_mem>>
    %dma_wait3A_315 = arith.constant 0 : i32
    %dma_wait3A_316 = arith.constant 0 : i32
    %dma_wait3A_317 = tpu.memref_slice %arg8[%dma_wait3A_315, %dma_wait3A_316] : memref<10000x128xf32, #tpu.memory_space<vmem_shared>> -> memref<80x128xf32, #tpu.memory_space<vmem_shared>>
    %dma_wait3A_318 = arith.constant 0 : i32
    %dma_wait3A_319 = arith.constant 0 : i32
    %dma_wait3A_320 = tpu.memref_slice %arg7[%dma_wait3A_304, %dma_wait3A_318, %dma_wait3A_319] : memref<3x80x128xf32, #tpu.memory_space<vmem>> -> memref<1x80x128xf32, #tpu.memory_space<vmem>>
    %dma_wait3A_321 = tpu.memref_squeeze %dma_wait3A_320 : memref<1x80x128xf32, #tpu.memory_space<vmem>> -> memref<80x128xf32, #tpu.memory_space<vmem>>
    tpu.wait_dma2 semaphore(%dma_wait3A_314 : memref<!tpu.dma_semaphore, #tpu.memory_space<semaphore_mem>>) src(%dma_wait3A_321 : memref<80x128xf32, #tpu.memory_space<vmem>>) dst(%dma_wait3A_317 : memref<80x128xf32, #tpu.memory_space<vmem_shared>>)
    %dma_wait3A_322 = arith.constant 2 : i32
    %dma_wait3A_323 = arith.constant 2 : i32
    %dma_wait3A_324 = arith.constant 0 : i32
    %dma_wait3A_325 = arith.constant 0 : i32
    %dma_wait3A_326 = tpu.memref_slice %arg7[%dma_wait3A_322, %dma_wait3A_324, %dma_wait3A_325] : memref<3x80x128xf32, #tpu.memory_space<vmem>> -> memref<1x65x128xf32, #tpu.memory_space<vmem>>
    %dma_wait3A_327 = tpu.memref_squeeze %dma_wait3A_326 : memref<1x65x128xf32, #tpu.memory_space<vmem>> -> memref<65x128xf32, #tpu.memory_space<vmem>>
    %dma_wait3A_328 = arith.constant 0 : i32
    %dma_wait3A_329 = arith.constant 0 : i32
    %dma_wait3A_330 = tpu.memref_slice %arg8[%dma_wait3A_328, %dma_wait3A_329] : memref<10000x128xf32, #tpu.memory_space<vmem_shared>> -> memref<65x128xf32, #tpu.memory_space<vmem_shared>>
    %dma_wait3A_331 = tpu.memref_slice %arg10[%dma_wait3A_323] : memref<3x!tpu.dma_semaphore, #tpu.memory_space<semaphore_mem>> -> memref<1x!tpu.dma_semaphore, #tpu.memory_space<semaphore_mem>>
    %dma_wait3A_332 = tpu.memref_squeeze %dma_wait3A_331 : memref<1x!tpu.dma_semaphore, #tpu.memory_space<semaphore_mem>> -> memref<!tpu.dma_semaphore, #tpu.memory_space<semaphore_mem>>
    %dma_wait3A_333 = arith.constant 0 : i32
    %dma_wait3A_334 = arith.constant 0 : i32
    %dma_wait3A_335 = tpu.memref_slice %arg8[%dma_wait3A_333, %dma_wait3A_334] : memref<10000x128xf32, #tpu.memory_space<vmem_shared>> -> memref<65x128xf32, #tpu.memory_space<vmem_shared>>
    %dma_wait3A_336 = arith.constant 0 : i32
    %dma_wait3A_337 = arith.constant 0 : i32
    %dma_wait3A_338 = tpu.memref_slice %arg7[%dma_wait3A_322, %dma_wait3A_336, %dma_wait3A_337] : memref<3x80x128xf32, #tpu.memory_space<vmem>> -> memref<1x65x128xf32, #tpu.memory_space<vmem>>
    %dma_wait3A_339 = tpu.memref_squeeze %dma_wait3A_338 : memref<1x65x128xf32, #tpu.memory_space<vmem>> -> memref<65x128xf32, #tpu.memory_space<vmem>>
    tpu.wait_dma2 semaphore(%dma_wait3A_332 : memref<!tpu.dma_semaphore, #tpu.memory_space<semaphore_mem>>) src(%dma_wait3A_339 : memref<65x128xf32, #tpu.memory_space<vmem>>) dst(%dma_wait3A_335 : memref<65x128xf32, #tpu.memory_space<vmem_shared>>)
    %barrier3A = arith.constant 0 : index
    tpu.barrier barrier_id(%barrier3A)
    %scan3A_340 = arith.constant 0 : i32
    %scan3A_341 = arith.constant 0 : i32
    %scan3A_342 = arith.constant 125 : i32
    %scan3A_343 = arith.addi %scan3A_341, %scan3A_342 : i32
    %scan3A_344 = arith.constant 1 : i32
    scf.for %scan3A_405 = %scan3A_341 to %scan3A_343 step %scan3A_344  : i32 {
      %rem3A = arith.constant 3 : i32
      %rem3A_406 = arith.remsi %scan3A_405, %rem3A : i32
      %dma_wait3A_407 = arith.constant 0 : i32
      %dma_wait3A_408 = arith.constant 0 : i32
      %dma_wait3A_409 = tpu.memref_slice %arg7[%rem3A_406, %dma_wait3A_407, %dma_wait3A_408] : memref<3x80x128xf32, #tpu.memory_space<vmem>> -> memref<1x80x128xf32, #tpu.memory_space<vmem>>
      %dma_wait3A_410 = tpu.memref_squeeze %dma_wait3A_409 : memref<1x80x128xf32, #tpu.memory_space<vmem>> -> memref<80x128xf32, #tpu.memory_space<vmem>>
      %dma_wait3A_411 = arith.constant 0 : i32
      %dma_wait3A_412 = arith.constant 0 : i32
      %dma_wait3A_413 = tpu.memref_slice %arg2[%dma_wait3A_411, %dma_wait3A_412] : memref<10000x128xf32, #tpu.memory_space<hbm>> -> memref<80x128xf32, #tpu.memory_space<hbm>>
      %dma_wait3A_414 = tpu.memref_slice %arg9[%rem3A_406] : memref<3x!tpu.dma_semaphore, #tpu.memory_space<semaphore_mem>> -> memref<1x!tpu.dma_semaphore, #tpu.memory_space<semaphore_mem>>
      %dma_wait3A_415 = tpu.memref_squeeze %dma_wait3A_414 : memref<1x!tpu.dma_semaphore, #tpu.memory_space<semaphore_mem>> -> memref<!tpu.dma_semaphore, #tpu.memory_space<semaphore_mem>>
      %dma_wait3A_416 = arith.constant 0 : i32
      %dma_wait3A_417 = arith.constant 0 : i32
      %dma_wait3A_418 = tpu.memref_slice %arg7[%rem3A_406, %dma_wait3A_416, %dma_wait3A_417] : memref<3x80x128xf32, #tpu.memory_space<vmem>> -> memref<1x80x128xf32, #tpu.memory_space<vmem>>
      %dma_wait3A_419 = tpu.memref_squeeze %dma_wait3A_418 : memref<1x80x128xf32, #tpu.memory_space<vmem>> -> memref<80x128xf32, #tpu.memory_space<vmem>>
      %dma_wait3A_420 = arith.constant 0 : i32
      %dma_wait3A_421 = arith.constant 0 : i32
      %dma_wait3A_422 = tpu.memref_slice %arg2[%dma_wait3A_420, %dma_wait3A_421] : memref<10000x128xf32, #tpu.memory_space<hbm>> -> memref<80x128xf32, #tpu.memory_space<hbm>>
      tpu.wait_dma2 semaphore(%dma_wait3A_415 : memref<!tpu.dma_semaphore, #tpu.memory_space<semaphore_mem>>) src(%dma_wait3A_422 : memref<80x128xf32, #tpu.memory_space<hbm>>) dst(%dma_wait3A_419 : memref<80x128xf32, #tpu.memory_space<vmem>>)
      %dma_start3A_423 = arith.constant 0 : i32
      %dma_start3A_424 = arith.constant 0 : i32
      %dma_start3A_425 = tpu.memref_slice %arg7[%rem3A_406, %dma_start3A_423, %dma_start3A_424] : memref<3x80x128xf32, #tpu.memory_space<vmem>> -> memref<1x80x128xf32, #tpu.memory_space<vmem>>
      %dma_start3A_426 = tpu.memref_squeeze %dma_start3A_425 : memref<1x80x128xf32, #tpu.memory_space<vmem>> -> memref<80x128xf32, #tpu.memory_space<vmem>>
      %dma_start3A_427 = arith.constant 0 : i32
      %dma_start3A_428 = tpu.memref_slice %arg6[%scan3A_405, %dma_start3A_427] : memref<125x80xi32, #tpu.memory_space<vmem>> -> memref<1x80xi32, #tpu.memory_space<vmem>>
      %dma_start3A_429 = tpu.memref_squeeze %dma_start3A_428 : memref<1x80xi32, #tpu.memory_space<vmem>> -> memref<80xi32, #tpu.memory_space<vmem>>
      %dma_start3A_430 = arith.constant 0 : i32
      %dma_start3A_431 = arith.constant 0 : i32
      %dma_start3A_432 = tpu.memref_slice %arg8[%dma_start3A_430, %dma_start3A_431] : memref<10000x128xf32, #tpu.memory_space<vmem_shared>> -> memref<10000x128xf32, #tpu.memory_space<vmem_shared>>
      %dma_start3A_433 = tpu.memref_slice %arg10[%rem3A_406] : memref<3x!tpu.dma_semaphore, #tpu.memory_space<semaphore_mem>> -> memref<1x!tpu.dma_semaphore, #tpu.memory_space<semaphore_mem>>
      %dma_start3A_434 = tpu.memref_squeeze %dma_start3A_433 : memref<1x!tpu.dma_semaphore, #tpu.memory_space<semaphore_mem>> -> memref<!tpu.dma_semaphore, #tpu.memory_space<semaphore_mem>>
      tpu.enqueue_indirect_dma source(%dma_start3A_426 : memref<80x128xf32, #tpu.memory_space<vmem>>) target(%dma_start3A_432 : memref<10000x128xf32, #tpu.memory_space<vmem_shared>>) offsets(%dma_start3A_429 : memref<80xi32, #tpu.memory_space<vmem>>) semaphore(%dma_start3A_434 : memref<!tpu.dma_semaphore, #tpu.memory_space<semaphore_mem>>) {add = true}
      %add3A_435 = arith.constant 2 : i32
      %add3A_436 = arith.addi %scan3A_405, %add3A_435 : i32
      %rem3A_437 = arith.constant 3 : i32
      %rem3A_438 = arith.remsi %add3A_436, %rem3A_437 : i32
      %lt3A = arith.constant 125 : i32
      %lt3A_439 = arith.cmpi slt, %add3A_436, %lt3A : i32
      %convert_element_type3A = arith.extui %lt3A_439 : i1 to i32
      %cond3A = arith.constant 0 : i32
      %cond3A_440 = arith.cmpi ne, %convert_element_type3A, %cond3A : i32
      scf.if %cond3A_440 {
        %ge3A = arith.constant 3 : i32
        %ge3A_441 = arith.cmpi sge, %add3A_436, %ge3A : i32
        %convert_element_type3A_442 = arith.extui %ge3A_441 : i1 to i32
        %cond3A_443 = arith.constant 0 : i32
        %cond3A_444 = arith.cmpi ne, %convert_element_type3A_442, %cond3A_443 : i32
        scf.if %cond3A_444 {
          %dma_wait3A_457 = arith.constant 0 : i32
          %dma_wait3A_458 = arith.constant 0 : i32
          %dma_wait3A_459 = tpu.memref_slice %arg7[%rem3A_438, %dma_wait3A_457, %dma_wait3A_458] : memref<3x80x128xf32, #tpu.memory_space<vmem>> -> memref<1x80x128xf32, #tpu.memory_space<vmem>>
          %dma_wait3A_460 = tpu.memref_squeeze %dma_wait3A_459 : memref<1x80x128xf32, #tpu.memory_space<vmem>> -> memref<80x128xf32, #tpu.memory_space<vmem>>
          %dma_wait3A_461 = arith.constant 0 : i32
          %dma_wait3A_462 = arith.constant 0 : i32
          %dma_wait3A_463 = tpu.memref_slice %arg8[%dma_wait3A_461, %dma_wait3A_462] : memref<10000x128xf32, #tpu.memory_space<vmem_shared>> -> memref<80x128xf32, #tpu.memory_space<vmem_shared>>
          %dma_wait3A_464 = tpu.memref_slice %arg10[%rem3A_438] : memref<3x!tpu.dma_semaphore, #tpu.memory_space<semaphore_mem>> -> memref<1x!tpu.dma_semaphore, #tpu.memory_space<semaphore_mem>>
          %dma_wait3A_465 = tpu.memref_squeeze %dma_wait3A_464 : memref<1x!tpu.dma_semaphore, #tpu.memory_space<semaphore_mem>> -> memref<!tpu.dma_semaphore, #tpu.memory_space<semaphore_mem>>
          %dma_wait3A_466 = arith.constant 0 : i32
          %dma_wait3A_467 = arith.constant 0 : i32
          %dma_wait3A_468 = tpu.memref_slice %arg8[%dma_wait3A_466, %dma_wait3A_467] : memref<10000x128xf32, #tpu.memory_space<vmem_shared>> -> memref<80x128xf32, #tpu.memory_space<vmem_shared>>
          %dma_wait3A_469 = arith.constant 0 : i32
          %dma_wait3A_470 = arith.constant 0 : i32
          %dma_wait3A_471 = tpu.memref_slice %arg7[%rem3A_438, %dma_wait3A_469, %dma_wait3A_470] : memref<3x80x128xf32, #tpu.memory_space<vmem>> -> memref<1x80x128xf32, #tpu.memory_space<vmem>>
          %dma_wait3A_472 = tpu.memref_squeeze %dma_wait3A_471 : memref<1x80x128xf32, #tpu.memory_space<vmem>> -> memref<80x128xf32, #tpu.memory_space<vmem>>
          tpu.wait_dma2 semaphore(%dma_wait3A_465 : memref<!tpu.dma_semaphore, #tpu.memory_space<semaphore_mem>>) src(%dma_wait3A_472 : memref<80x128xf32, #tpu.memory_space<vmem>>) dst(%dma_wait3A_468 : memref<80x128xf32, #tpu.memory_space<vmem_shared>>)
        } else {
        }
        %dma_start3A_445 = arith.constant 0 : i32
        %dma_start3A_446 = arith.constant 0 : i32
        %dma_start3A_447 = tpu.memref_slice %arg7[%rem3A_438, %dma_start3A_445, %dma_start3A_446] : memref<3x80x128xf32, #tpu.memory_space<vmem>> -> memref<1x80x128xf32, #tpu.memory_space<vmem>>
        %dma_start3A_448 = tpu.memref_squeeze %dma_start3A_447 : memref<1x80x128xf32, #tpu.memory_space<vmem>> -> memref<80x128xf32, #tpu.memory_space<vmem>>
        %dma_start3A_449 = arith.constant 0 : i32
        %dma_start3A_450 = tpu.memref_slice %arg5[%add3A_436, %dma_start3A_449] : memref<125x80xi32, #tpu.memory_space<vmem>> -> memref<1x80xi32, #tpu.memory_space<vmem>>
        %dma_start3A_451 = tpu.memref_squeeze %dma_start3A_450 : memref<1x80xi32, #tpu.memory_space<vmem>> -> memref<80xi32, #tpu.memory_space<vmem>>
        %dma_start3A_452 = arith.constant 0 : i32
        %dma_start3A_453 = arith.constant 0 : i32
        %dma_start3A_454 = tpu.memref_slice %arg2[%dma_start3A_452, %dma_start3A_453] : memref<10000x128xf32, #tpu.memory_space<hbm>> -> memref<10000x128xf32, #tpu.memory_space<hbm>>
        %dma_start3A_455 = tpu.memref_slice %arg9[%rem3A_438] : memref<3x!tpu.dma_semaphore, #tpu.memory_space<semaphore_mem>> -> memref<1x!tpu.dma_semaphore, #tpu.memory_space<semaphore_mem>>
        %dma_start3A_456 = tpu.memref_squeeze %dma_start3A_455 : memref<1x!tpu.dma_semaphore, #tpu.memory_space<semaphore_mem>> -> memref<!tpu.dma_semaphore, #tpu.memory_space<semaphore_mem>>
        tpu.enqueue_indirect_dma source(%dma_start3A_454 : memref<10000x128xf32, #tpu.memory_space<hbm>>) target(%dma_start3A_448 : memref<80x128xf32, #tpu.memory_space<vmem>>) offsets(%dma_start3A_451 : memref<80xi32, #tpu.memory_space<vmem>>) semaphore(%dma_start3A_456 : memref<!tpu.dma_semaphore, #tpu.memory_space<semaphore_mem>>)
      } else {
      }
    }
    %scan3A_345 = arith.constant 125 : i32
    %dma_wait3A_346 = arith.constant 0 : i32
    %dma_wait3A_347 = arith.constant 0 : i32
    %dma_wait3A_348 = arith.constant 0 : i32
    %dma_wait3A_349 = arith.constant 0 : i32
    %dma_wait3A_350 = tpu.memref_slice %arg7[%dma_wait3A_346, %dma_wait3A_348, %dma_wait3A_349] : memref<3x80x128xf32, #tpu.memory_space<vmem>> -> memref<1x80x128xf32, #tpu.memory_space<vmem>>
    %dma_wait3A_351 = tpu.memref_squeeze %dma_wait3A_350 : memref<1x80x128xf32, #tpu.memory_space<vmem>> -> memref<80x128xf32, #tpu.memory_space<vmem>>
    %dma_wait3A_352 = arith.constant 0 : i32
    %dma_wait3A_353 = arith.constant 0 : i32
    %dma_wait3A_354 = tpu.memref_slice %arg8[%dma_wait3A_352, %dma_wait3A_353] : memref<10000x128xf32, #tpu.memory_space<vmem_shared>> -> memref<80x128xf32, #tpu.memory_space<vmem_shared>>
    %dma_wait3A_355 = tpu.memref_slice %arg10[%dma_wait3A_347] : memref<3x!tpu.dma_semaphore, #tpu.memory_space<semaphore_mem>> -> memref<1x!tpu.dma_semaphore, #tpu.memory_space<semaphore_mem>>
    %dma_wait3A_356 = tpu.memref_squeeze %dma_wait3A_355 : memref<1x!tpu.dma_semaphore, #tpu.memory_space<semaphore_mem>> -> memref<!tpu.dma_semaphore, #tpu.memory_space<semaphore_mem>>
    %dma_wait3A_357 = arith.constant 0 : i32
    %dma_wait3A_358 = arith.constant 0 : i32
    %dma_wait3A_359 = tpu.memref_slice %arg8[%dma_wait3A_357, %dma_wait3A_358] : memref<10000x128xf32, #tpu.memory_space<vmem_shared>> -> memref<80x128xf32, #tpu.memory_space<vmem_shared>>
    %dma_wait3A_360 = arith.constant 0 : i32
    %dma_wait3A_361 = arith.constant 0 : i32
    %dma_wait3A_362 = tpu.memref_slice %arg7[%dma_wait3A_346, %dma_wait3A_360, %dma_wait3A_361] : memref<3x80x128xf32, #tpu.memory_space<vmem>> -> memref<1x80x128xf32, #tpu.memory_space<vmem>>
    %dma_wait3A_363 = tpu.memref_squeeze %dma_wait3A_362 : memref<1x80x128xf32, #tpu.memory_space<vmem>> -> memref<80x128xf32, #tpu.memory_space<vmem>>
    tpu.wait_dma2 semaphore(%dma_wait3A_356 : memref<!tpu.dma_semaphore, #tpu.memory_space<semaphore_mem>>) src(%dma_wait3A_363 : memref<80x128xf32, #tpu.memory_space<vmem>>) dst(%dma_wait3A_359 : memref<80x128xf32, #tpu.memory_space<vmem_shared>>)
    %dma_wait3A_364 = arith.constant 1 : i32
    %dma_wait3A_365 = arith.constant 1 : i32
    %dma_wait3A_366 = arith.constant 0 : i32
    %dma_wait3A_367 = arith.constant 0 : i32
    %dma_wait3A_368 = tpu.memref_slice %arg7[%dma_wait3A_364, %dma_wait3A_366, %dma_wait3A_367] : memref<3x80x128xf32, #tpu.memory_space<vmem>> -> memref<1x80x128xf32, #tpu.memory_space<vmem>>
    %dma_wait3A_369 = tpu.memref_squeeze %dma_wait3A_368 : memref<1x80x128xf32, #tpu.memory_space<vmem>> -> memref<80x128xf32, #tpu.memory_space<vmem>>
    %dma_wait3A_370 = arith.constant 0 : i32
    %dma_wait3A_371 = arith.constant 0 : i32
    %dma_wait3A_372 = tpu.memref_slice %arg8[%dma_wait3A_370, %dma_wait3A_371] : memref<10000x128xf32, #tpu.memory_space<vmem_shared>> -> memref<80x128xf32, #tpu.memory_space<vmem_shared>>
    %dma_wait3A_373 = tpu.memref_slice %arg10[%dma_wait3A_365] : memref<3x!tpu.dma_semaphore, #tpu.memory_space<semaphore_mem>> -> memref<1x!tpu.dma_semaphore, #tpu.memory_space<semaphore_mem>>
    %dma_wait3A_374 = tpu.memref_squeeze %dma_wait3A_373 : memref<1x!tpu.dma_semaphore, #tpu.memory_space<semaphore_mem>> -> memref<!tpu.dma_semaphore, #tpu.memory_space<semaphore_mem>>
    %dma_wait3A_375 = arith.constant 0 : i32
    %dma_wait3A_376 = arith.constant 0 : i32
    %dma_wait3A_377 = tpu.memref_slice %arg8[%dma_wait3A_375, %dma_wait3A_376] : memref<10000x128xf32, #tpu.memory_space<vmem_shared>> -> memref<80x128xf32, #tpu.memory_space<vmem_shared>>
    %dma_wait3A_378 = arith.constant 0 : i32
    %dma_wait3A_379 = arith.constant 0 : i32
    %dma_wait3A_380 = tpu.memref_slice %arg7[%dma_wait3A_364, %dma_wait3A_378, %dma_wait3A_379] : memref<3x80x128xf32, #tpu.memory_space<vmem>> -> memref<1x80x128xf32, #tpu.memory_space<vmem>>
    %dma_wait3A_381 = tpu.memref_squeeze %dma_wait3A_380 : memref<1x80x128xf32, #tpu.memory_space<vmem>> -> memref<80x128xf32, #tpu.memory_space<vmem>>
    tpu.wait_dma2 semaphore(%dma_wait3A_374 : memref<!tpu.dma_semaphore, #tpu.memory_space<semaphore_mem>>) src(%dma_wait3A_381 : memref<80x128xf32, #tpu.memory_space<vmem>>) dst(%dma_wait3A_377 : memref<80x128xf32, #tpu.memory_space<vmem_shared>>)
    %dma_wait3A_382 = arith.constant 2 : i32
    %dma_wait3A_383 = arith.constant 2 : i32
    %dma_wait3A_384 = arith.constant 0 : i32
    %dma_wait3A_385 = arith.constant 0 : i32
    %dma_wait3A_386 = tpu.memref_slice %arg7[%dma_wait3A_382, %dma_wait3A_384, %dma_wait3A_385] : memref<3x80x128xf32, #tpu.memory_space<vmem>> -> memref<1x80x128xf32, #tpu.memory_space<vmem>>
    %dma_wait3A_387 = tpu.memref_squeeze %dma_wait3A_386 : memref<1x80x128xf32, #tpu.memory_space<vmem>> -> memref<80x128xf32, #tpu.memory_space<vmem>>
    %dma_wait3A_388 = arith.constant 0 : i32
    %dma_wait3A_389 = arith.constant 0 : i32
    %dma_wait3A_390 = tpu.memref_slice %arg8[%dma_wait3A_388, %dma_wait3A_389] : memref<10000x128xf32, #tpu.memory_space<vmem_shared>> -> memref<80x128xf32, #tpu.memory_space<vmem_shared>>
    %dma_wait3A_391 = tpu.memref_slice %arg10[%dma_wait3A_383] : memref<3x!tpu.dma_semaphore, #tpu.memory_space<semaphore_mem>> -> memref<1x!tpu.dma_semaphore, #tpu.memory_space<semaphore_mem>>
    %dma_wait3A_392 = tpu.memref_squeeze %dma_wait3A_391 : memref<1x!tpu.dma_semaphore, #tpu.memory_space<semaphore_mem>> -> memref<!tpu.dma_semaphore, #tpu.memory_space<semaphore_mem>>
    %dma_wait3A_393 = arith.constant 0 : i32
    %dma_wait3A_394 = arith.constant 0 : i32
    %dma_wait3A_395 = tpu.memref_slice %arg8[%dma_wait3A_393, %dma_wait3A_394] : memref<10000x128xf32, #tpu.memory_space<vmem_shared>> -> memref<80x128xf32, #tpu.memory_space<vmem_shared>>
    %dma_wait3A_396 = arith.constant 0 : i32
    %dma_wait3A_397 = arith.constant 0 : i32
    %dma_wait3A_398 = tpu.memref_slice %arg7[%dma_wait3A_382, %dma_wait3A_396, %dma_wait3A_397] : memref<3x80x128xf32, #tpu.memory_space<vmem>> -> memref<1x80x128xf32, #tpu.memory_space<vmem>>
    %dma_wait3A_399 = tpu.memref_squeeze %dma_wait3A_398 : memref<1x80x128xf32, #tpu.memory_space<vmem>> -> memref<80x128xf32, #tpu.memory_space<vmem>>
    tpu.wait_dma2 semaphore(%dma_wait3A_392 : memref<!tpu.dma_semaphore, #tpu.memory_space<semaphore_mem>>) src(%dma_wait3A_399 : memref<80x128xf32, #tpu.memory_space<vmem>>) dst(%dma_wait3A_395 : memref<80x128xf32, #tpu.memory_space<vmem_shared>>)
    %barrier3A_400 = arith.constant 0 : index
    tpu.barrier barrier_id(%barrier3A_400)
    %mul3A_401 = arith.constant 625 : i32
    %mul3A_402 = arith.muli %arg1, %mul3A_401 : i32
    %mul3A_403 = arith.constant 625 : i32
    %mul3A_404 = arith.muli %arg1, %mul3A_403 : i32
    "tpu.region"() ({
      %run_scoped3A_405 = tpu.sem_alloc : memref<!tpu.dma_semaphore, #tpu.memory_space<semaphore_mem>>
      %dma_start3A_406 = arith.constant 0 : i32
      %dma_start3A_407 = tpu.memref_slice %arg4[%arg0, %mul3A_404, %dma_start3A_406] : memref<2x10000x128xf32, #tpu.memory_space<hbm>> -> memref<1x625x128xf32, #tpu.memory_space<hbm>>
      %dma_start3A_408 = tpu.memref_squeeze %dma_start3A_407 : memref<1x625x128xf32, #tpu.memory_space<hbm>> -> memref<625x128xf32, #tpu.memory_space<hbm>>
      %dma_start3A_409 = arith.constant 0 : i32
      %dma_start3A_410 = tpu.memref_slice %arg8[%mul3A_402, %dma_start3A_409] : memref<10000x128xf32, #tpu.memory_space<vmem_shared>> -> memref<625x128xf32, #tpu.memory_space<vmem_shared>>
      tpu.enqueue_dma source(%dma_start3A_410 : memref<625x128xf32, #tpu.memory_space<vmem_shared>>) target(%dma_start3A_408 : memref<625x128xf32, #tpu.memory_space<hbm>>) target_semaphore(%run_scoped3A_405 : memref<!tpu.dma_semaphore, #tpu.memory_space<semaphore_mem>>)
      %dma_wait3A_411 = arith.constant 0 : i32
      %dma_wait3A_412 = tpu.memref_slice %arg4[%arg0, %mul3A_404, %dma_wait3A_411] : memref<2x10000x128xf32, #tpu.memory_space<hbm>> -> memref<1x625x128xf32, #tpu.memory_space<hbm>>
      %dma_wait3A_413 = tpu.memref_squeeze %dma_wait3A_412 : memref<1x625x128xf32, #tpu.memory_space<hbm>> -> memref<625x128xf32, #tpu.memory_space<hbm>>
      %dma_wait3A_414 = arith.constant 0 : i32
      %dma_wait3A_415 = tpu.memref_slice %arg8[%mul3A_402, %dma_wait3A_414] : memref<10000x128xf32, #tpu.memory_space<vmem_shared>> -> memref<625x128xf32, #tpu.memory_space<vmem_shared>>
      tpu.wait_dma2 semaphore(%run_scoped3A_405 : memref<!tpu.dma_semaphore, #tpu.memory_space<semaphore_mem>>) src(%dma_wait3A_415 : memref<625x128xf32, #tpu.memory_space<vmem_shared>>) dst(%dma_wait3A_413 : memref<625x128xf32, #tpu.memory_space<hbm>>)
      tpu.yield
    }) : () -> ()
    return
  }
}

#map = affine_map<(d0, d1) -> (0, 0, 0, 0)>
#map1 = affine_map<(d0, d1) -> (0, 0)>
module attributes {stable_mosaic.version = 14 : i64} {
  func.func @_deg_pass(%arg0: i32, %arg1: i32, %arg2: memref<2x32x125x80xi32, #tpu.memory_space<hbm>>, %arg3: memref<32x10000xf32, #tpu.memory_space<hbm>>, %arg4: memref<10000xf32, #tpu.memory_space<vmem>>, %arg5: memref<125x80xi32, #tpu.memory_space<vmem>>) attributes {dimension_semantics = [#tpu.dimension_semantics<core_parallel>, #tpu.dimension_semantics<subcore_parallel>], iteration_bounds = array<i64: 2, 16>, scalar_prefetch = 0 : i64, scratch_operands = 2 : i64, tpu.core_type = #tpu.core_type<sc_vector_subcore>, window_params = [{transform_indices = #map}, {transform_indices = #map1}]} {
    %mul3A = arith.constant 2 : i32
    %mul3A_0 = arith.muli %arg1, %mul3A : i32
    %add3A = arith.addi %mul3A_0, %arg0 : i32
    %broadcast_in_dim3A = arith.constant 0.000000e+00 : f32
    %broadcast_in_dim3A_1 = vector.broadcast %broadcast_in_dim3A : f32 to vector<16xf32>
    %broadcast_in_dim3A_2 = arith.constant 1.000000e+00 : f32
    %broadcast_in_dim3A_3 = vector.broadcast %broadcast_in_dim3A_2 : f32 to vector<16xf32>
    %scan3A = arith.constant 0 : i32
    %scan3A_4 = arith.constant 0 : i32
    %scan3A_5 = arith.constant 625 : i32
    %scan3A_6 = arith.addi %scan3A_4, %scan3A_5 : i32
    %scan3A_7 = arith.constant 1 : i32
    scf.for %scan3A_15 = %scan3A_4 to %scan3A_6 step %scan3A_7  : i32 {
      %mul3A_16 = arith.constant 16 : i32
      %mul3A_17 = arith.muli %scan3A_15, %mul3A_16 : i32
      %swap3A = arith.index_cast %mul3A_17 : i32 to index
      %swap3A_18 = tpu.vector_load %arg4[%swap3A] {strides = array<i32>} : memref<10000xf32, #tpu.memory_space<vmem>>, vector<16xf32>,
      tpu.vector_store %arg4[%swap3A], %broadcast_in_dim3A_1 {strides = array<i32>} : memref<10000xf32, #tpu.memory_space<vmem>>, vector<16xf32>,
    }
    %scan3A_8 = arith.constant 625 : i32
    %run_scoped3A = arith.constant 1 : i32
    "tpu.region"() ({
      %run_scoped3A_15 = tpu.sem_alloc : memref<!tpu.dma_semaphore, #tpu.memory_space<semaphore_mem>>
      %dma_start3A = arith.constant 0 : i32
      %dma_start3A_16 = arith.constant 0 : i32
      %dma_start3A_17 = tpu.memref_slice %arg2[%run_scoped3A, %add3A, %dma_start3A, %dma_start3A_16] : memref<2x32x125x80xi32, #tpu.memory_space<hbm>> -> memref<1x1x125x80xi32, #tpu.memory_space<hbm>>
      %dma_start3A_18 = tpu.memref_squeeze %dma_start3A_17 : memref<1x1x125x80xi32, #tpu.memory_space<hbm>> -> memref<125x80xi32, #tpu.memory_space<hbm>>
      %dma_start3A_19 = arith.constant 0 : i32
      %dma_start3A_20 = arith.constant 0 : i32
      %dma_start3A_21 = tpu.memref_slice %arg2[%run_scoped3A, %add3A, %dma_start3A_19, %dma_start3A_20] : memref<2x32x125x80xi32, #tpu.memory_space<hbm>> -> memref<1x1x125x80xi32, #tpu.memory_space<hbm>>
      %dma_start3A_22 = tpu.memref_squeeze %dma_start3A_21 : memref<1x1x125x80xi32, #tpu.memory_space<hbm>> -> memref<125x80xi32, #tpu.memory_space<hbm>>
      tpu.enqueue_dma source(%dma_start3A_22 : memref<125x80xi32, #tpu.memory_space<hbm>>) target(%arg5 : memref<125x80xi32, #tpu.memory_space<vmem>>) target_semaphore(%run_scoped3A_15 : memref<!tpu.dma_semaphore, #tpu.memory_space<semaphore_mem>>)
      %dma_wait3A = arith.constant 0 : i32
      %dma_wait3A_23 = arith.constant 0 : i32
      %dma_wait3A_24 = tpu.memref_slice %arg2[%run_scoped3A, %add3A, %dma_wait3A, %dma_wait3A_23] : memref<2x32x125x80xi32, #tpu.memory_space<hbm>> -> memref<1x1x125x80xi32, #tpu.memory_space<hbm>>
      %dma_wait3A_25 = tpu.memref_squeeze %dma_wait3A_24 : memref<1x1x125x80xi32, #tpu.memory_space<hbm>> -> memref<125x80xi32, #tpu.memory_space<hbm>>
      %dma_wait3A_26 = arith.constant 0 : i32
      %dma_wait3A_27 = arith.constant 0 : i32
      %dma_wait3A_28 = tpu.memref_slice %arg2[%run_scoped3A, %add3A, %dma_wait3A_26, %dma_wait3A_27] : memref<2x32x125x80xi32, #tpu.memory_space<hbm>> -> memref<1x1x125x80xi32, #tpu.memory_space<hbm>>
      %dma_wait3A_29 = tpu.memref_squeeze %dma_wait3A_28 : memref<1x1x125x80xi32, #tpu.memory_space<hbm>> -> memref<125x80xi32, #tpu.memory_space<hbm>>
      tpu.wait_dma2 semaphore(%run_scoped3A_15 : memref<!tpu.dma_semaphore, #tpu.memory_space<semaphore_mem>>) src(%dma_wait3A_29 : memref<125x80xi32, #tpu.memory_space<hbm>>) dst(%arg5 : memref<125x80xi32, #tpu.memory_space<vmem>>)
      tpu.yield
    }) : () -> ()
    %scan3A_9 = arith.constant 0 : i32
    %scan3A_10 = arith.constant 0 : i32
    %scan3A_11 = arith.constant 125 : i32
    %scan3A_12 = arith.addi %scan3A_10, %scan3A_11 : i32
    %scan3A_13 = arith.constant 1 : i32
    scf.for %scan3A_15 = %scan3A_10 to %scan3A_12 step %scan3A_13  : i32 {
      %get3A = arith.index_cast %scan3A_15 : i32 to index
      %get3A_16 = arith.constant 0 : index
      %get3A_17 = tpu.vector_load %arg5[%get3A, %get3A_16] {strides = array<i32>} : memref<125x80xi32, #tpu.memory_space<vmem>>, vector<16xi32>,
      tpu.vector_store_idx %arg4[%get3A_17], %broadcast_in_dim3A_3 {add = true} : memref<10000xf32, #tpu.memory_space<vmem>>[vector<16xi32>], vector<16xf32>,
      %get3A_18 = arith.index_cast %scan3A_15 : i32 to index
      %get3A_19 = arith.constant 16 : index
      %get3A_20 = tpu.vector_load %arg5[%get3A_18, %get3A_19] {strides = array<i32>} : memref<125x80xi32, #tpu.memory_space<vmem>>, vector<16xi32>,
      tpu.vector_store_idx %arg4[%get3A_20], %broadcast_in_dim3A_3 {add = true} : memref<10000xf32, #tpu.memory_space<vmem>>[vector<16xi32>], vector<16xf32>,
      %get3A_21 = arith.index_cast %scan3A_15 : i32 to index
      %get3A_22 = arith.constant 32 : index
      %get3A_23 = tpu.vector_load %arg5[%get3A_21, %get3A_22] {strides = array<i32>} : memref<125x80xi32, #tpu.memory_space<vmem>>, vector<16xi32>,
      tpu.vector_store_idx %arg4[%get3A_23], %broadcast_in_dim3A_3 {add = true} : memref<10000xf32, #tpu.memory_space<vmem>>[vector<16xi32>], vector<16xf32>,
      %get3A_24 = arith.index_cast %scan3A_15 : i32 to index
      %get3A_25 = arith.constant 48 : index
      %get3A_26 = tpu.vector_load %arg5[%get3A_24, %get3A_25] {strides = array<i32>} : memref<125x80xi32, #tpu.memory_space<vmem>>, vector<16xi32>,
      tpu.vector_store_idx %arg4[%get3A_26], %broadcast_in_dim3A_3 {add = true} : memref<10000xf32, #tpu.memory_space<vmem>>[vector<16xi32>], vector<16xf32>,
      %get3A_27 = arith.index_cast %scan3A_15 : i32 to index
      %get3A_28 = arith.constant 64 : index
      %get3A_29 = tpu.vector_load %arg5[%get3A_27, %get3A_28] {strides = array<i32>} : memref<125x80xi32, #tpu.memory_space<vmem>>, vector<16xi32>,
      tpu.vector_store_idx %arg4[%get3A_29], %broadcast_in_dim3A_3 {add = true} : memref<10000xf32, #tpu.memory_space<vmem>>[vector<16xi32>], vector<16xf32>,
    }
    %scan3A_14 = arith.constant 125 : i32
    "tpu.region"() ({
      %run_scoped3A_15 = tpu.sem_alloc : memref<!tpu.dma_semaphore, #tpu.memory_space<semaphore_mem>>
      %dma_start3A = arith.constant 0 : i32
      %dma_start3A_16 = tpu.memref_slice %arg3[%add3A, %dma_start3A] : memref<32x10000xf32, #tpu.memory_space<hbm>> -> memref<1x10000xf32, #tpu.memory_space<hbm>>
      %dma_start3A_17 = tpu.memref_squeeze %dma_start3A_16 : memref<1x10000xf32, #tpu.memory_space<hbm>> -> memref<10000xf32, #tpu.memory_space<hbm>>
      %dma_start3A_18 = arith.constant 0 : i32
      %dma_start3A_19 = tpu.memref_slice %arg3[%add3A, %dma_start3A_18] : memref<32x10000xf32, #tpu.memory_space<hbm>> -> memref<1x10000xf32, #tpu.memory_space<hbm>>
      %dma_start3A_20 = tpu.memref_squeeze %dma_start3A_19 : memref<1x10000xf32, #tpu.memory_space<hbm>> -> memref<10000xf32, #tpu.memory_space<hbm>>
      tpu.enqueue_dma source(%arg4 : memref<10000xf32, #tpu.memory_space<vmem>>) target(%dma_start3A_20 : memref<10000xf32, #tpu.memory_space<hbm>>) target_semaphore(%run_scoped3A_15 : memref<!tpu.dma_semaphore, #tpu.memory_space<semaphore_mem>>)
      %dma_wait3A = arith.constant 0 : i32
      %dma_wait3A_21 = tpu.memref_slice %arg3[%add3A, %dma_wait3A] : memref<32x10000xf32, #tpu.memory_space<hbm>> -> memref<1x10000xf32, #tpu.memory_space<hbm>>
      %dma_wait3A_22 = tpu.memref_squeeze %dma_wait3A_21 : memref<1x10000xf32, #tpu.memory_space<hbm>> -> memref<10000xf32, #tpu.memory_space<hbm>>
      %dma_wait3A_23 = arith.constant 0 : i32
      %dma_wait3A_24 = tpu.memref_slice %arg3[%add3A, %dma_wait3A_23] : memref<32x10000xf32, #tpu.memory_space<hbm>> -> memref<1x10000xf32, #tpu.memory_space<hbm>>
      %dma_wait3A_25 = tpu.memref_squeeze %dma_wait3A_24 : memref<1x10000xf32, #tpu.memory_space<hbm>> -> memref<10000xf32, #tpu.memory_space<hbm>>
      tpu.wait_dma2 semaphore(%run_scoped3A_15 : memref<!tpu.dma_semaphore, #tpu.memory_space<semaphore_mem>>) src(%arg4 : memref<10000xf32, #tpu.memory_space<vmem>>) dst(%dma_wait3A_25 : memref<10000xf32, #tpu.memory_space<hbm>>)
      tpu.yield
    }) : () -> ()
    return
  }
}

#map = affine_map<(d0, d1) -> (0, 0)>
#map1 = affine_map<(d0, d1) -> (0, 0, 0, 0)>
#map2 = affine_map<(d0, d1) -> (0, 0, 0)>
module attributes {stable_mosaic.version = 14 : i64} {
  func.func @_edge_pass(%arg0: i32, %arg1: i32, %arg2: memref<10000x128xf32, #tpu.memory_space<hbm>>, %arg3: memref<2x32x125x80xi32, #tpu.memory_space<hbm>>, %arg4: memref<2x10000x128xf32, #tpu.memory_space<hbm>>, %arg5: memref<125x80xi32, #tpu.memory_space<vmem>>, %arg6: memref<125x80xi32, #tpu.memory_space<vmem>>, %arg7: memref<3x80x128xf32, #tpu.memory_space<vmem>>, %arg8: memref<10000x128xf32, #tpu.memory_space<vmem_shared>>, %arg9: memref<3x!tpu.dma_semaphore, #tpu.memory_space<semaphore_mem>>, %arg10: memref<3x!tpu.dma_semaphore, #tpu.memory_space<semaphore_mem>>) attributes {dimension_semantics = [#tpu.dimension_semantics<core_parallel>, #tpu.dimension_semantics<subcore_parallel>], iteration_bounds = array<i64: 2, 16>, scalar_prefetch = 0 : i64, scratch_operands = 6 : i64, tpu.core_type = #tpu.core_type<sc_vector_subcore>, window_params = [{transform_indices = #map}, {transform_indices = #map1}, {transform_indices = #map2}]} {
    %mul3A = arith.constant 2 : i32
    %mul3A_0 = arith.muli %arg1, %mul3A : i32
    %add3A = arith.addi %mul3A_0, %arg0 : i32
    %broadcast_in_dim3A = arith.constant 0.000000e+00 : f32
    %broadcast_in_dim3A_1 = vector.broadcast %broadcast_in_dim3A : f32 to vector<16xf32>
    %run_scoped3A = arith.constant 0 : i32
    "tpu.region"() ({
      %run_scoped3A_405 = tpu.sem_alloc : memref<!tpu.dma_semaphore, #tpu.memory_space<semaphore_mem>>
      %dma_start3A_406 = arith.constant 0 : i32
      %dma_start3A_407 = arith.constant 0 : i32
      %dma_start3A_408 = tpu.memref_slice %arg3[%run_scoped3A, %add3A, %dma_start3A_406, %dma_start3A_407] : memref<2x32x125x80xi32, #tpu.memory_space<hbm>> -> memref<1x1x125x80xi32, #tpu.memory_space<hbm>>
      %dma_start3A_409 = tpu.memref_squeeze %dma_start3A_408 : memref<1x1x125x80xi32, #tpu.memory_space<hbm>> -> memref<125x80xi32, #tpu.memory_space<hbm>>
      %dma_start3A_410 = arith.constant 0 : i32
      %dma_start3A_411 = arith.constant 0 : i32
      %dma_start3A_412 = tpu.memref_slice %arg3[%run_scoped3A, %add3A, %dma_start3A_410, %dma_start3A_411] : memref<2x32x125x80xi32, #tpu.memory_space<hbm>> -> memref<1x1x125x80xi32, #tpu.memory_space<hbm>>
      %dma_start3A_413 = tpu.memref_squeeze %dma_start3A_412 : memref<1x1x125x80xi32, #tpu.memory_space<hbm>> -> memref<125x80xi32, #tpu.memory_space<hbm>>
      tpu.enqueue_dma source(%dma_start3A_413 : memref<125x80xi32, #tpu.memory_space<hbm>>) target(%arg5 : memref<125x80xi32, #tpu.memory_space<vmem>>) target_semaphore(%run_scoped3A_405 : memref<!tpu.dma_semaphore, #tpu.memory_space<semaphore_mem>>)
      %dma_wait3A_414 = arith.constant 0 : i32
      %dma_wait3A_415 = arith.constant 0 : i32
      %dma_wait3A_416 = tpu.memref_slice %arg3[%run_scoped3A, %add3A, %dma_wait3A_414, %dma_wait3A_415] : memref<2x32x125x80xi32, #tpu.memory_space<hbm>> -> memref<1x1x125x80xi32, #tpu.memory_space<hbm>>
      %dma_wait3A_417 = tpu.memref_squeeze %dma_wait3A_416 : memref<1x1x125x80xi32, #tpu.memory_space<hbm>> -> memref<125x80xi32, #tpu.memory_space<hbm>>
      %dma_wait3A_418 = arith.constant 0 : i32
      %dma_wait3A_419 = arith.constant 0 : i32
      %dma_wait3A_420 = tpu.memref_slice %arg3[%run_scoped3A, %add3A, %dma_wait3A_418, %dma_wait3A_419] : memref<2x32x125x80xi32, #tpu.memory_space<hbm>> -> memref<1x1x125x80xi32, #tpu.memory_space<hbm>>
      %dma_wait3A_421 = tpu.memref_squeeze %dma_wait3A_420 : memref<1x1x125x80xi32, #tpu.memory_space<hbm>> -> memref<125x80xi32, #tpu.memory_space<hbm>>
      tpu.wait_dma2 semaphore(%run_scoped3A_405 : memref<!tpu.dma_semaphore, #tpu.memory_space<semaphore_mem>>) src(%dma_wait3A_421 : memref<125x80xi32, #tpu.memory_space<hbm>>) dst(%arg5 : memref<125x80xi32, #tpu.memory_space<vmem>>)
      tpu.yield
    }) : () -> ()
    %run_scoped3A_2 = arith.constant 1 : i32
    "tpu.region"() ({
      %run_scoped3A_405 = tpu.sem_alloc : memref<!tpu.dma_semaphore, #tpu.memory_space<semaphore_mem>>
      %dma_start3A_406 = arith.constant 0 : i32
      %dma_start3A_407 = arith.constant 0 : i32
      %dma_start3A_408 = tpu.memref_slice %arg3[%run_scoped3A_2, %add3A, %dma_start3A_406, %dma_start3A_407] : memref<2x32x125x80xi32, #tpu.memory_space<hbm>> -> memref<1x1x125x80xi32, #tpu.memory_space<hbm>>
      %dma_start3A_409 = tpu.memref_squeeze %dma_start3A_408 : memref<1x1x125x80xi32, #tpu.memory_space<hbm>> -> memref<125x80xi32, #tpu.memory_space<hbm>>
      %dma_start3A_410 = arith.constant 0 : i32
      %dma_start3A_411 = arith.constant 0 : i32
      %dma_start3A_412 = tpu.memref_slice %arg3[%run_scoped3A_2, %add3A, %dma_start3A_410, %dma_start3A_411] : memref<2x32x125x80xi32, #tpu.memory_space<hbm>> -> memref<1x1x125x80xi32, #tpu.memory_space<hbm>>
      %dma_start3A_413 = tpu.memref_squeeze %dma_start3A_412 : memref<1x1x125x80xi32, #tpu.memory_space<hbm>> -> memref<125x80xi32, #tpu.memory_space<hbm>>
      tpu.enqueue_dma source(%dma_start3A_413 : memref<125x80xi32, #tpu.memory_space<hbm>>) target(%arg6 : memref<125x80xi32, #tpu.memory_space<vmem>>) target_semaphore(%run_scoped3A_405 : memref<!tpu.dma_semaphore, #tpu.memory_space<semaphore_mem>>)
      %dma_wait3A_414 = arith.constant 0 : i32
      %dma_wait3A_415 = arith.constant 0 : i32
      %dma_wait3A_416 = tpu.memref_slice %arg3[%run_scoped3A_2, %add3A, %dma_wait3A_414, %dma_wait3A_415] : memref<2x32x125x80xi32, #tpu.memory_space<hbm>> -> memref<1x1x125x80xi32, #tpu.memory_space<hbm>>
      %dma_wait3A_417 = tpu.memref_squeeze %dma_wait3A_416 : memref<1x1x125x80xi32, #tpu.memory_space<hbm>> -> memref<125x80xi32, #tpu.memory_space<hbm>>
      %dma_wait3A_418 = arith.constant 0 : i32
      %dma_wait3A_419 = arith.constant 0 : i32
      %dma_wait3A_420 = tpu.memref_slice %arg3[%run_scoped3A_2, %add3A, %dma_wait3A_418, %dma_wait3A_419] : memref<2x32x125x80xi32, #tpu.memory_space<hbm>> -> memref<1x1x125x80xi32, #tpu.memory_space<hbm>>
      %dma_wait3A_421 = tpu.memref_squeeze %dma_wait3A_420 : memref<1x1x125x80xi32, #tpu.memory_space<hbm>> -> memref<125x80xi32, #tpu.memory_space<hbm>>
      tpu.wait_dma2 semaphore(%run_scoped3A_405 : memref<!tpu.dma_semaphore, #tpu.memory_space<semaphore_mem>>) src(%dma_wait3A_421 : memref<125x80xi32, #tpu.memory_space<hbm>>) dst(%arg6 : memref<125x80xi32, #tpu.memory_space<vmem>>)
      tpu.yield
    }) : () -> ()
    %scan3A = arith.constant 0 : i32
    %scan3A_3 = arith.constant 0 : i32
    %scan3A_4 = arith.constant 80 : i32
    %scan3A_5 = arith.addi %scan3A_3, %scan3A_4 : i32
    %scan3A_6 = arith.constant 1 : i32
    scf.for %scan3A_405 = %scan3A_3 to %scan3A_5 step %scan3A_6  : i32 {
      %scan3A_406 = arith.constant 0 : i32
      %scan3A_407 = arith.constant 8 : i32
      %scan3A_408 = arith.addi %scan3A_406, %scan3A_407 : i32
      %scan3A_409 = arith.constant 1 : i32
      scf.for %scan3A_411 = %scan3A_406 to %scan3A_408 step %scan3A_409  : i32 {
        %mul3A_412 = arith.constant 16 : i32
        %mul3A_413 = arith.muli %scan3A_411, %mul3A_412 : i32
        %swap3A = arith.constant 2 : i32
        %swap3A_414 = arith.index_cast %swap3A : i32 to index
        %swap3A_415 = arith.index_cast %scan3A_405 : i32 to index
        %swap3A_416 = arith.index_cast %mul3A_413 : i32 to index
        %swap3A_417 = tpu.vector_load %arg7[%swap3A_414, %swap3A_415, %swap3A_416] {strides = array<i32>} : memref<3x80x128xf32, #tpu.memory_space<vmem>>, vector<16xf32>,
        tpu.vector_store %arg7[%swap3A_414, %swap3A_415, %swap3A_416], %broadcast_in_dim3A_1 {strides = array<i32>} : memref<3x80x128xf32, #tpu.memory_space<vmem>>, vector<16xf32>,
      }
      %scan3A_410 = arith.constant 8 : i32
    }
    %scan3A_7 = arith.constant 80 : i32
    %mul3A_8 = arith.constant 625 : i32
    %mul3A_9 = arith.muli %arg1, %mul3A_8 : i32
    %add3A_10 = arith.constant 0 : i32
    %add3A_11 = arith.addi %mul3A_9, %add3A_10 : i32
    %dma_start3A = arith.constant 2 : i32
    %dma_start3A_12 = arith.constant 2 : i32
    %dma_start3A_13 = arith.constant 0 : i32
    %dma_start3A_14 = arith.constant 0 : i32
    %dma_start3A_15 = tpu.memref_slice %arg7[%dma_start3A, %dma_start3A_13, %dma_start3A_14] : memref<3x80x128xf32, #tpu.memory_space<vmem>> -> memref<1x80x128xf32, #tpu.memory_space<vmem>>
    %dma_start3A_16 = tpu.memref_squeeze %dma_start3A_15 : memref<1x80x128xf32, #tpu.memory_space<vmem>> -> memref<80x128xf32, #tpu.memory_space<vmem>>
    %dma_start3A_17 = arith.constant 0 : i32
    %dma_start3A_18 = tpu.memref_slice %arg8[%add3A_11, %dma_start3A_17] : memref<10000x128xf32, #tpu.memory_space<vmem_shared>> -> memref<80x128xf32, #tpu.memory_space<vmem_shared>>
    %dma_start3A_19 = tpu.memref_slice %arg10[%dma_start3A_12] : memref<3x!tpu.dma_semaphore, #tpu.memory_space<semaphore_mem>> -> memref<1x!tpu.dma_semaphore, #tpu.memory_space<semaphore_mem>>
    %dma_start3A_20 = tpu.memref_squeeze %dma_start3A_19 : memref<1x!tpu.dma_semaphore, #tpu.memory_space<semaphore_mem>> -> memref<!tpu.dma_semaphore, #tpu.memory_space<semaphore_mem>>
    %dma_start3A_21 = arith.constant 0 : i32
    %dma_start3A_22 = tpu.memref_slice %arg8[%add3A_11, %dma_start3A_21] : memref<10000x128xf32, #tpu.memory_space<vmem_shared>> -> memref<80x128xf32, #tpu.memory_space<vmem_shared>>
    %dma_start3A_23 = arith.constant 0 : i32
    %dma_start3A_24 = arith.constant 0 : i32
    %dma_start3A_25 = tpu.memref_slice %arg7[%dma_start3A, %dma_start3A_23, %dma_start3A_24] : memref<3x80x128xf32, #tpu.memory_space<vmem>> -> memref<1x80x128xf32, #tpu.memory_space<vmem>>
    %dma_start3A_26 = tpu.memref_squeeze %dma_start3A_25 : memref<1x80x128xf32, #tpu.memory_space<vmem>> -> memref<80x128xf32, #tpu.memory_space<vmem>>
    tpu.enqueue_dma source(%dma_start3A_26 : memref<80x128xf32, #tpu.memory_space<vmem>>) target(%dma_start3A_22 : memref<80x128xf32, #tpu.memory_space<vmem_shared>>) target_semaphore(%dma_start3A_20 : memref<!tpu.dma_semaphore, #tpu.memory_space<semaphore_mem>>)
    %mul3A_27 = arith.constant 625 : i32
    %mul3A_28 = arith.muli %arg1, %mul3A_27 : i32
    %add3A_29 = arith.constant 80 : i32
    %add3A_30 = arith.addi %mul3A_28, %add3A_29 : i32
    %dma_start3A_31 = arith.constant 2 : i32
    %dma_start3A_32 = arith.constant 2 : i32
    %dma_start3A_33 = arith.constant 0 : i32
    %dma_start3A_34 = arith.constant 0 : i32
    %dma_start3A_35 = tpu.memref_slice %arg7[%dma_start3A_31, %dma_start3A_33, %dma_start3A_34] : memref<3x80x128xf32, #tpu.memory_space<vmem>> -> memref<1x80x128xf32, #tpu.memory_space<vmem>>
    %dma_start3A_36 = tpu.memref_squeeze %dma_start3A_35 : memref<1x80x128xf32, #tpu.memory_space<vmem>> -> memref<80x128xf32, #tpu.memory_space<vmem>>
    %dma_start3A_37 = arith.constant 0 : i32
    %dma_start3A_38 = tpu.memref_slice %arg8[%add3A_30, %dma_start3A_37] : memref<10000x128xf32, #tpu.memory_space<vmem_shared>> -> memref<80x128xf32, #tpu.memory_space<vmem_shared>>
    %dma_start3A_39 = tpu.memref_slice %arg10[%dma_start3A_32] : memref<3x!tpu.dma_semaphore, #tpu.memory_space<semaphore_mem>> -> memref<1x!tpu.dma_semaphore, #tpu.memory_space<semaphore_mem>>
    %dma_start3A_40 = tpu.memref_squeeze %dma_start3A_39 : memref<1x!tpu.dma_semaphore, #tpu.memory_space<semaphore_mem>> -> memref<!tpu.dma_semaphore, #tpu.memory_space<semaphore_mem>>
    %dma_start3A_41 = arith.constant 0 : i32
    %dma_start3A_42 = tpu.memref_slice %arg8[%add3A_30, %dma_start3A_41] : memref<10000x128xf32, #tpu.memory_space<vmem_shared>> -> memref<80x128xf32, #tpu.memory_space<vmem_shared>>
    %dma_start3A_43 = arith.constant 0 : i32
    %dma_start3A_44 = arith.constant 0 : i32
    %dma_start3A_45 = tpu.memref_slice %arg7[%dma_start3A_31, %dma_start3A_43, %dma_start3A_44] : memref<3x80x128xf32, #tpu.memory_space<vmem>> -> memref<1x80x128xf32, #tpu.memory_space<vmem>>
    %dma_start3A_46 = tpu.memref_squeeze %dma_start3A_45 : memref<1x80x128xf32, #tpu.memory_space<vmem>> -> memref<80x128xf32, #tpu.memory_space<vmem>>
    tpu.enqueue_dma source(%dma_start3A_46 : memref<80x128xf32, #tpu.memory_space<vmem>>) target(%dma_start3A_42 : memref<80x128xf32, #tpu.memory_space<vmem_shared>>) target_semaphore(%dma_start3A_40 : memref<!tpu.dma_semaphore, #tpu.memory_space<semaphore_mem>>)
    %mul3A_47 = arith.constant 625 : i32
    %mul3A_48 = arith.muli %arg1, %mul3A_47 : i32
    %add3A_49 = arith.constant 160 : i32
    %add3A_50 = arith.addi %mul3A_48, %add3A_49 : i32
    %dma_start3A_51 = arith.constant 2 : i32
    %dma_start3A_52 = arith.constant 2 : i32
    %dma_start3A_53 = arith.constant 0 : i32
    %dma_start3A_54 = arith.constant 0 : i32
    %dma_start3A_55 = tpu.memref_slice %arg7[%dma_start3A_51, %dma_start3A_53, %dma_start3A_54] : memref<3x80x128xf32, #tpu.memory_space<vmem>> -> memref<1x80x128xf32, #tpu.memory_space<vmem>>
    %dma_start3A_56 = tpu.memref_squeeze %dma_start3A_55 : memref<1x80x128xf32, #tpu.memory_space<vmem>> -> memref<80x128xf32, #tpu.memory_space<vmem>>
    %dma_start3A_57 = arith.constant 0 : i32
    %dma_start3A_58 = tpu.memref_slice %arg8[%add3A_50, %dma_start3A_57] : memref<10000x128xf32, #tpu.memory_space<vmem_shared>> -> memref<80x128xf32, #tpu.memory_space<vmem_shared>>
    %dma_start3A_59 = tpu.memref_slice %arg10[%dma_start3A_52] : memref<3x!tpu.dma_semaphore, #tpu.memory_space<semaphore_mem>> -> memref<1x!tpu.dma_semaphore, #tpu.memory_space<semaphore_mem>>
    %dma_start3A_60 = tpu.memref_squeeze %dma_start3A_59 : memref<1x!tpu.dma_semaphore, #tpu.memory_space<semaphore_mem>> -> memref<!tpu.dma_semaphore, #tpu.memory_space<semaphore_mem>>
    %dma_start3A_61 = arith.constant 0 : i32
    %dma_start3A_62 = tpu.memref_slice %arg8[%add3A_50, %dma_start3A_61] : memref<10000x128xf32, #tpu.memory_space<vmem_shared>> -> memref<80x128xf32, #tpu.memory_space<vmem_shared>>
    %dma_start3A_63 = arith.constant 0 : i32
    %dma_start3A_64 = arith.constant 0 : i32
    %dma_start3A_65 = tpu.memref_slice %arg7[%dma_start3A_51, %dma_start3A_63, %dma_start3A_64] : memref<3x80x128xf32, #tpu.memory_space<vmem>> -> memref<1x80x128xf32, #tpu.memory_space<vmem>>
    %dma_start3A_66 = tpu.memref_squeeze %dma_start3A_65 : memref<1x80x128xf32, #tpu.memory_space<vmem>> -> memref<80x128xf32, #tpu.memory_space<vmem>>
    tpu.enqueue_dma source(%dma_start3A_66 : memref<80x128xf32, #tpu.memory_space<vmem>>) target(%dma_start3A_62 : memref<80x128xf32, #tpu.memory_space<vmem_shared>>) target_semaphore(%dma_start3A_60 : memref<!tpu.dma_semaphore, #tpu.memory_space<semaphore_mem>>)
    %mul3A_67 = arith.constant 625 : i32
    %mul3A_68 = arith.muli %arg1, %mul3A_67 : i32
    %add3A_69 = arith.constant 240 : i32
    %add3A_70 = arith.addi %mul3A_68, %add3A_69 : i32
    %dma_start3A_71 = arith.constant 2 : i32
    %dma_start3A_72 = arith.constant 2 : i32
    %dma_start3A_73 = arith.constant 0 : i32
    %dma_start3A_74 = arith.constant 0 : i32
    %dma_start3A_75 = tpu.memref_slice %arg7[%dma_start3A_71, %dma_start3A_73, %dma_start3A_74] : memref<3x80x128xf32, #tpu.memory_space<vmem>> -> memref<1x80x128xf32, #tpu.memory_space<vmem>>
    %dma_start3A_76 = tpu.memref_squeeze %dma_start3A_75 : memref<1x80x128xf32, #tpu.memory_space<vmem>> -> memref<80x128xf32, #tpu.memory_space<vmem>>
    %dma_start3A_77 = arith.constant 0 : i32
    %dma_start3A_78 = tpu.memref_slice %arg8[%add3A_70, %dma_start3A_77] : memref<10000x128xf32, #tpu.memory_space<vmem_shared>> -> memref<80x128xf32, #tpu.memory_space<vmem_shared>>
    %dma_start3A_79 = tpu.memref_slice %arg10[%dma_start3A_72] : memref<3x!tpu.dma_semaphore, #tpu.memory_space<semaphore_mem>> -> memref<1x!tpu.dma_semaphore, #tpu.memory_space<semaphore_mem>>
    %dma_start3A_80 = tpu.memref_squeeze %dma_start3A_79 : memref<1x!tpu.dma_semaphore, #tpu.memory_space<semaphore_mem>> -> memref<!tpu.dma_semaphore, #tpu.memory_space<semaphore_mem>>
    %dma_start3A_81 = arith.constant 0 : i32
    %dma_start3A_82 = tpu.memref_slice %arg8[%add3A_70, %dma_start3A_81] : memref<10000x128xf32, #tpu.memory_space<vmem_shared>> -> memref<80x128xf32, #tpu.memory_space<vmem_shared>>
    %dma_start3A_83 = arith.constant 0 : i32
    %dma_start3A_84 = arith.constant 0 : i32
    %dma_start3A_85 = tpu.memref_slice %arg7[%dma_start3A_71, %dma_start3A_83, %dma_start3A_84] : memref<3x80x128xf32, #tpu.memory_space<vmem>> -> memref<1x80x128xf32, #tpu.memory_space<vmem>>
    %dma_start3A_86 = tpu.memref_squeeze %dma_start3A_85 : memref<1x80x128xf32, #tpu.memory_space<vmem>> -> memref<80x128xf32, #tpu.memory_space<vmem>>
    tpu.enqueue_dma source(%dma_start3A_86 : memref<80x128xf32, #tpu.memory_space<vmem>>) target(%dma_start3A_82 : memref<80x128xf32, #tpu.memory_space<vmem_shared>>) target_semaphore(%dma_start3A_80 : memref<!tpu.dma_semaphore, #tpu.memory_space<semaphore_mem>>)
    %mul3A_87 = arith.constant 625 : i32
    %mul3A_88 = arith.muli %arg1, %mul3A_87 : i32
    %add3A_89 = arith.constant 320 : i32
    %add3A_90 = arith.addi %mul3A_88, %add3A_89 : i32
    %dma_start3A_91 = arith.constant 2 : i32
    %dma_start3A_92 = arith.constant 2 : i32
    %dma_start3A_93 = arith.constant 0 : i32
    %dma_start3A_94 = arith.constant 0 : i32
    %dma_start3A_95 = tpu.memref_slice %arg7[%dma_start3A_91, %dma_start3A_93, %dma_start3A_94] : memref<3x80x128xf32, #tpu.memory_space<vmem>> -> memref<1x80x128xf32, #tpu.memory_space<vmem>>
    %dma_start3A_96 = tpu.memref_squeeze %dma_start3A_95 : memref<1x80x128xf32, #tpu.memory_space<vmem>> -> memref<80x128xf32, #tpu.memory_space<vmem>>
    %dma_start3A_97 = arith.constant 0 : i32
    %dma_start3A_98 = tpu.memref_slice %arg8[%add3A_90, %dma_start3A_97] : memref<10000x128xf32, #tpu.memory_space<vmem_shared>> -> memref<80x128xf32, #tpu.memory_space<vmem_shared>>
    %dma_start3A_99 = tpu.memref_slice %arg10[%dma_start3A_92] : memref<3x!tpu.dma_semaphore, #tpu.memory_space<semaphore_mem>> -> memref<1x!tpu.dma_semaphore, #tpu.memory_space<semaphore_mem>>
    %dma_start3A_100 = tpu.memref_squeeze %dma_start3A_99 : memref<1x!tpu.dma_semaphore, #tpu.memory_space<semaphore_mem>> -> memref<!tpu.dma_semaphore, #tpu.memory_space<semaphore_mem>>
    %dma_start3A_101 = arith.constant 0 : i32
    %dma_start3A_102 = tpu.memref_slice %arg8[%add3A_90, %dma_start3A_101] : memref<10000x128xf32, #tpu.memory_space<vmem_shared>> -> memref<80x128xf32, #tpu.memory_space<vmem_shared>>
    %dma_start3A_103 = arith.constant 0 : i32
    %dma_start3A_104 = arith.constant 0 : i32
    %dma_start3A_105 = tpu.memref_slice %arg7[%dma_start3A_91, %dma_start3A_103, %dma_start3A_104] : memref<3x80x128xf32, #tpu.memory_space<vmem>> -> memref<1x80x128xf32, #tpu.memory_space<vmem>>
    %dma_start3A_106 = tpu.memref_squeeze %dma_start3A_105 : memref<1x80x128xf32, #tpu.memory_space<vmem>> -> memref<80x128xf32, #tpu.memory_space<vmem>>
    tpu.enqueue_dma source(%dma_start3A_106 : memref<80x128xf32, #tpu.memory_space<vmem>>) target(%dma_start3A_102 : memref<80x128xf32, #tpu.memory_space<vmem_shared>>) target_semaphore(%dma_start3A_100 : memref<!tpu.dma_semaphore, #tpu.memory_space<semaphore_mem>>)
    %mul3A_107 = arith.constant 625 : i32
    %mul3A_108 = arith.muli %arg1, %mul3A_107 : i32
    %add3A_109 = arith.constant 400 : i32
    %add3A_110 = arith.addi %mul3A_108, %add3A_109 : i32
    %dma_start3A_111 = arith.constant 2 : i32
    %dma_start3A_112 = arith.constant 2 : i32
    %dma_start3A_113 = arith.constant 0 : i32
    %dma_start3A_114 = arith.constant 0 : i32
    %dma_start3A_115 = tpu.memref_slice %arg7[%dma_start3A_111, %dma_start3A_113, %dma_start3A_114] : memref<3x80x128xf32, #tpu.memory_space<vmem>> -> memref<1x80x128xf32, #tpu.memory_space<vmem>>
    %dma_start3A_116 = tpu.memref_squeeze %dma_start3A_115 : memref<1x80x128xf32, #tpu.memory_space<vmem>> -> memref<80x128xf32, #tpu.memory_space<vmem>>
    %dma_start3A_117 = arith.constant 0 : i32
    %dma_start3A_118 = tpu.memref_slice %arg8[%add3A_110, %dma_start3A_117] : memref<10000x128xf32, #tpu.memory_space<vmem_shared>> -> memref<80x128xf32, #tpu.memory_space<vmem_shared>>
    %dma_start3A_119 = tpu.memref_slice %arg10[%dma_start3A_112] : memref<3x!tpu.dma_semaphore, #tpu.memory_space<semaphore_mem>> -> memref<1x!tpu.dma_semaphore, #tpu.memory_space<semaphore_mem>>
    %dma_start3A_120 = tpu.memref_squeeze %dma_start3A_119 : memref<1x!tpu.dma_semaphore, #tpu.memory_space<semaphore_mem>> -> memref<!tpu.dma_semaphore, #tpu.memory_space<semaphore_mem>>
    %dma_start3A_121 = arith.constant 0 : i32
    %dma_start3A_122 = tpu.memref_slice %arg8[%add3A_110, %dma_start3A_121] : memref<10000x128xf32, #tpu.memory_space<vmem_shared>> -> memref<80x128xf32, #tpu.memory_space<vmem_shared>>
    %dma_start3A_123 = arith.constant 0 : i32
    %dma_start3A_124 = arith.constant 0 : i32
    %dma_start3A_125 = tpu.memref_slice %arg7[%dma_start3A_111, %dma_start3A_123, %dma_start3A_124] : memref<3x80x128xf32, #tpu.memory_space<vmem>> -> memref<1x80x128xf32, #tpu.memory_space<vmem>>
    %dma_start3A_126 = tpu.memref_squeeze %dma_start3A_125 : memref<1x80x128xf32, #tpu.memory_space<vmem>> -> memref<80x128xf32, #tpu.memory_space<vmem>>
    tpu.enqueue_dma source(%dma_start3A_126 : memref<80x128xf32, #tpu.memory_space<vmem>>) target(%dma_start3A_122 : memref<80x128xf32, #tpu.memory_space<vmem_shared>>) target_semaphore(%dma_start3A_120 : memref<!tpu.dma_semaphore, #tpu.memory_space<semaphore_mem>>)
    %mul3A_127 = arith.constant 625 : i32
    %mul3A_128 = arith.muli %arg1, %mul3A_127 : i32
    %add3A_129 = arith.constant 480 : i32
    %add3A_130 = arith.addi %mul3A_128, %add3A_129 : i32
    %dma_start3A_131 = arith.constant 2 : i32
    %dma_start3A_132 = arith.constant 2 : i32
    %dma_start3A_133 = arith.constant 0 : i32
    %dma_start3A_134 = arith.constant 0 : i32
    %dma_start3A_135 = tpu.memref_slice %arg7[%dma_start3A_131, %dma_start3A_133, %dma_start3A_134] : memref<3x80x128xf32, #tpu.memory_space<vmem>> -> memref<1x80x128xf32, #tpu.memory_space<vmem>>
    %dma_start3A_136 = tpu.memref_squeeze %dma_start3A_135 : memref<1x80x128xf32, #tpu.memory_space<vmem>> -> memref<80x128xf32, #tpu.memory_space<vmem>>
    %dma_start3A_137 = arith.constant 0 : i32
    %dma_start3A_138 = tpu.memref_slice %arg8[%add3A_130, %dma_start3A_137] : memref<10000x128xf32, #tpu.memory_space<vmem_shared>> -> memref<80x128xf32, #tpu.memory_space<vmem_shared>>
    %dma_start3A_139 = tpu.memref_slice %arg10[%dma_start3A_132] : memref<3x!tpu.dma_semaphore, #tpu.memory_space<semaphore_mem>> -> memref<1x!tpu.dma_semaphore, #tpu.memory_space<semaphore_mem>>
    %dma_start3A_140 = tpu.memref_squeeze %dma_start3A_139 : memref<1x!tpu.dma_semaphore, #tpu.memory_space<semaphore_mem>> -> memref<!tpu.dma_semaphore, #tpu.memory_space<semaphore_mem>>
    %dma_start3A_141 = arith.constant 0 : i32
    %dma_start3A_142 = tpu.memref_slice %arg8[%add3A_130, %dma_start3A_141] : memref<10000x128xf32, #tpu.memory_space<vmem_shared>> -> memref<80x128xf32, #tpu.memory_space<vmem_shared>>
    %dma_start3A_143 = arith.constant 0 : i32
    %dma_start3A_144 = arith.constant 0 : i32
    %dma_start3A_145 = tpu.memref_slice %arg7[%dma_start3A_131, %dma_start3A_143, %dma_start3A_144] : memref<3x80x128xf32, #tpu.memory_space<vmem>> -> memref<1x80x128xf32, #tpu.memory_space<vmem>>
    %dma_start3A_146 = tpu.memref_squeeze %dma_start3A_145 : memref<1x80x128xf32, #tpu.memory_space<vmem>> -> memref<80x128xf32, #tpu.memory_space<vmem>>
    tpu.enqueue_dma source(%dma_start3A_146 : memref<80x128xf32, #tpu.memory_space<vmem>>) target(%dma_start3A_142 : memref<80x128xf32, #tpu.memory_space<vmem_shared>>) target_semaphore(%dma_start3A_140 : memref<!tpu.dma_semaphore, #tpu.memory_space<semaphore_mem>>)
    %mul3A_147 = arith.constant 625 : i32
    %mul3A_148 = arith.muli %arg1, %mul3A_147 : i32
    %add3A_149 = arith.constant 560 : i32
    %add3A_150 = arith.addi %mul3A_148, %add3A_149 : i32
    %dma_start3A_151 = arith.constant 2 : i32
    %dma_start3A_152 = arith.constant 2 : i32
    %dma_start3A_153 = arith.constant 0 : i32
    %dma_start3A_154 = arith.constant 0 : i32
    %dma_start3A_155 = tpu.memref_slice %arg7[%dma_start3A_151, %dma_start3A_153, %dma_start3A_154] : memref<3x80x128xf32, #tpu.memory_space<vmem>> -> memref<1x65x128xf32, #tpu.memory_space<vmem>>
    %dma_start3A_156 = tpu.memref_squeeze %dma_start3A_155 : memref<1x65x128xf32, #tpu.memory_space<vmem>> -> memref<65x128xf32, #tpu.memory_space<vmem>>
    %dma_start3A_157 = arith.constant 0 : i32
    %dma_start3A_158 = tpu.memref_slice %arg8[%add3A_150, %dma_start3A_157] : memref<10000x128xf32, #tpu.memory_space<vmem_shared>> -> memref<65x128xf32, #tpu.memory_space<vmem_shared>>
    %dma_start3A_159 = tpu.memref_slice %arg10[%dma_start3A_152] : memref<3x!tpu.dma_semaphore, #tpu.memory_space<semaphore_mem>> -> memref<1x!tpu.dma_semaphore, #tpu.memory_space<semaphore_mem>>
    %dma_start3A_160 = tpu.memref_squeeze %dma_start3A_159 : memref<1x!tpu.dma_semaphore, #tpu.memory_space<semaphore_mem>> -> memref<!tpu.dma_semaphore, #tpu.memory_space<semaphore_mem>>
    %dma_start3A_161 = arith.constant 0 : i32
    %dma_start3A_162 = tpu.memref_slice %arg8[%add3A_150, %dma_start3A_161] : memref<10000x128xf32, #tpu.memory_space<vmem_shared>> -> memref<65x128xf32, #tpu.memory_space<vmem_shared>>
    %dma_start3A_163 = arith.constant 0 : i32
    %dma_start3A_164 = arith.constant 0 : i32
    %dma_start3A_165 = tpu.memref_slice %arg7[%dma_start3A_151, %dma_start3A_163, %dma_start3A_164] : memref<3x80x128xf32, #tpu.memory_space<vmem>> -> memref<1x65x128xf32, #tpu.memory_space<vmem>>
    %dma_start3A_166 = tpu.memref_squeeze %dma_start3A_165 : memref<1x65x128xf32, #tpu.memory_space<vmem>> -> memref<65x128xf32, #tpu.memory_space<vmem>>
    tpu.enqueue_dma source(%dma_start3A_166 : memref<65x128xf32, #tpu.memory_space<vmem>>) target(%dma_start3A_162 : memref<65x128xf32, #tpu.memory_space<vmem_shared>>) target_semaphore(%dma_start3A_160 : memref<!tpu.dma_semaphore, #tpu.memory_space<semaphore_mem>>)
    %dma_start3A_167 = arith.constant 0 : i32
    %dma_start3A_168 = arith.constant 0 : i32
    %dma_start3A_169 = arith.constant 0 : i32
    %dma_start3A_170 = arith.constant 0 : i32
    %dma_start3A_171 = arith.constant 0 : i32
    %dma_start3A_172 = tpu.memref_slice %arg7[%dma_start3A_168, %dma_start3A_170, %dma_start3A_171] : memref<3x80x128xf32, #tpu.memory_space<vmem>> -> memref<1x80x128xf32, #tpu.memory_space<vmem>>
    %dma_start3A_173 = tpu.memref_squeeze %dma_start3A_172 : memref<1x80x128xf32, #tpu.memory_space<vmem>> -> memref<80x128xf32, #tpu.memory_space<vmem>>
    %dma_start3A_174 = arith.constant 0 : i32
    %dma_start3A_175 = tpu.memref_slice %arg5[%dma_start3A_167, %dma_start3A_174] : memref<125x80xi32, #tpu.memory_space<vmem>> -> memref<1x80xi32, #tpu.memory_space<vmem>>
    %dma_start3A_176 = tpu.memref_squeeze %dma_start3A_175 : memref<1x80xi32, #tpu.memory_space<vmem>> -> memref<80xi32, #tpu.memory_space<vmem>>
    %dma_start3A_177 = arith.constant 0 : i32
    %dma_start3A_178 = arith.constant 0 : i32
    %dma_start3A_179 = tpu.memref_slice %arg2[%dma_start3A_177, %dma_start3A_178] : memref<10000x128xf32, #tpu.memory_space<hbm>> -> memref<10000x128xf32, #tpu.memory_space<hbm>>
    %dma_start3A_180 = tpu.memref_slice %arg9[%dma_start3A_169] : memref<3x!tpu.dma_semaphore, #tpu.memory_space<semaphore_mem>> -> memref<1x!tpu.dma_semaphore, #tpu.memory_space<semaphore_mem>>
    %dma_start3A_181 = tpu.memref_squeeze %dma_start3A_180 : memref<1x!tpu.dma_semaphore, #tpu.memory_space<semaphore_mem>> -> memref<!tpu.dma_semaphore, #tpu.memory_space<semaphore_mem>>
    tpu.enqueue_indirect_dma source(%dma_start3A_179 : memref<10000x128xf32, #tpu.memory_space<hbm>>) target(%dma_start3A_173 : memref<80x128xf32, #tpu.memory_space<vmem>>) offsets(%dma_start3A_176 : memref<80xi32, #tpu.memory_space<vmem>>) semaphore(%dma_start3A_181 : memref<!tpu.dma_semaphore, #tpu.memory_space<semaphore_mem>>)
    %dma_start3A_182 = arith.constant 1 : i32
    %dma_start3A_183 = arith.constant 1 : i32
    %dma_start3A_184 = arith.constant 1 : i32
    %dma_start3A_185 = arith.constant 0 : i32
    %dma_start3A_186 = arith.constant 0 : i32
    %dma_start3A_187 = tpu.memref_slice %arg7[%dma_start3A_183, %dma_start3A_185, %dma_start3A_186] : memref<3x80x128xf32, #tpu.memory_space<vmem>> -> memref<1x80x128xf32, #tpu.memory_space<vmem>>
    %dma_start3A_188 = tpu.memref_squeeze %dma_start3A_187 : memref<1x80x128xf32, #tpu.memory_space<vmem>> -> memref<80x128xf32, #tpu.memory_space<vmem>>
    %dma_start3A_189 = arith.constant 0 : i32
    %dma_start3A_190 = tpu.memref_slice %arg5[%dma_start3A_182, %dma_start3A_189] : memref<125x80xi32, #tpu.memory_space<vmem>> -> memref<1x80xi32, #tpu.memory_space<vmem>>
    %dma_start3A_191 = tpu.memref_squeeze %dma_start3A_190 : memref<1x80xi32, #tpu.memory_space<vmem>> -> memref<80xi32, #tpu.memory_space<vmem>>
    %dma_start3A_192 = arith.constant 0 : i32
    %dma_start3A_193 = arith.constant 0 : i32
    %dma_start3A_194 = tpu.memref_slice %arg2[%dma_start3A_192, %dma_start3A_193] : memref<10000x128xf32, #tpu.memory_space<hbm>> -> memref<10000x128xf32, #tpu.memory_space<hbm>>
    %dma_start3A_195 = tpu.memref_slice %arg9[%dma_start3A_184] : memref<3x!tpu.dma_semaphore, #tpu.memory_space<semaphore_mem>> -> memref<1x!tpu.dma_semaphore, #tpu.memory_space<semaphore_mem>>
    %dma_start3A_196 = tpu.memref_squeeze %dma_start3A_195 : memref<1x!tpu.dma_semaphore, #tpu.memory_space<semaphore_mem>> -> memref<!tpu.dma_semaphore, #tpu.memory_space<semaphore_mem>>
    tpu.enqueue_indirect_dma source(%dma_start3A_194 : memref<10000x128xf32, #tpu.memory_space<hbm>>) target(%dma_start3A_188 : memref<80x128xf32, #tpu.memory_space<vmem>>) offsets(%dma_start3A_191 : memref<80xi32, #tpu.memory_space<vmem>>) semaphore(%dma_start3A_196 : memref<!tpu.dma_semaphore, #tpu.memory_space<semaphore_mem>>)
    %dma_wait3A = arith.constant 2 : i32
    %dma_wait3A_197 = arith.constant 2 : i32
    %dma_wait3A_198 = arith.constant 0 : i32
    %dma_wait3A_199 = arith.constant 0 : i32
    %dma_wait3A_200 = tpu.memref_slice %arg7[%dma_wait3A, %dma_wait3A_198, %dma_wait3A_199] : memref<3x80x128xf32, #tpu.memory_space<vmem>> -> memref<1x80x128xf32, #tpu.memory_space<vmem>>
    %dma_wait3A_201 = tpu.memref_squeeze %dma_wait3A_200 : memref<1x80x128xf32, #tpu.memory_space<vmem>> -> memref<80x128xf32, #tpu.memory_space<vmem>>
    %dma_wait3A_202 = arith.constant 0 : i32
    %dma_wait3A_203 = arith.constant 0 : i32
    %dma_wait3A_204 = tpu.memref_slice %arg8[%dma_wait3A_202, %dma_wait3A_203] : memref<10000x128xf32, #tpu.memory_space<vmem_shared>> -> memref<80x128xf32, #tpu.memory_space<vmem_shared>>
    %dma_wait3A_205 = tpu.memref_slice %arg10[%dma_wait3A_197] : memref<3x!tpu.dma_semaphore, #tpu.memory_space<semaphore_mem>> -> memref<1x!tpu.dma_semaphore, #tpu.memory_space<semaphore_mem>>
    %dma_wait3A_206 = tpu.memref_squeeze %dma_wait3A_205 : memref<1x!tpu.dma_semaphore, #tpu.memory_space<semaphore_mem>> -> memref<!tpu.dma_semaphore, #tpu.memory_space<semaphore_mem>>
    %dma_wait3A_207 = arith.constant 0 : i32
    %dma_wait3A_208 = arith.constant 0 : i32
    %dma_wait3A_209 = tpu.memref_slice %arg8[%dma_wait3A_207, %dma_wait3A_208] : memref<10000x128xf32, #tpu.memory_space<vmem_shared>> -> memref<80x128xf32, #tpu.memory_space<vmem_shared>>
    %dma_wait3A_210 = arith.constant 0 : i32
    %dma_wait3A_211 = arith.constant 0 : i32
    %dma_wait3A_212 = tpu.memref_slice %arg7[%dma_wait3A, %dma_wait3A_210, %dma_wait3A_211] : memref<3x80x128xf32, #tpu.memory_space<vmem>> -> memref<1x80x128xf32, #tpu.memory_space<vmem>>
    %dma_wait3A_213 = tpu.memref_squeeze %dma_wait3A_212 : memref<1x80x128xf32, #tpu.memory_space<vmem>> -> memref<80x128xf32, #tpu.memory_space<vmem>>
    tpu.wait_dma2 semaphore(%dma_wait3A_206 : memref<!tpu.dma_semaphore, #tpu.memory_space<semaphore_mem>>) src(%dma_wait3A_213 : memref<80x128xf32, #tpu.memory_space<vmem>>) dst(%dma_wait3A_209 : memref<80x128xf32, #tpu.memory_space<vmem_shared>>)
    %dma_wait3A_214 = arith.constant 2 : i32
    %dma_wait3A_215 = arith.constant 2 : i32
    %dma_wait3A_216 = arith.constant 0 : i32
    %dma_wait3A_217 = arith.constant 0 : i32
    %dma_wait3A_218 = tpu.memref_slice %arg7[%dma_wait3A_214, %dma_wait3A_216, %dma_wait3A_217] : memref<3x80x128xf32, #tpu.memory_space<vmem>> -> memref<1x80x128xf32, #tpu.memory_space<vmem>>
    %dma_wait3A_219 = tpu.memref_squeeze %dma_wait3A_218 : memref<1x80x128xf32, #tpu.memory_space<vmem>> -> memref<80x128xf32, #tpu.memory_space<vmem>>
    %dma_wait3A_220 = arith.constant 0 : i32
    %dma_wait3A_221 = arith.constant 0 : i32
    %dma_wait3A_222 = tpu.memref_slice %arg8[%dma_wait3A_220, %dma_wait3A_221] : memref<10000x128xf32, #tpu.memory_space<vmem_shared>> -> memref<80x128xf32, #tpu.memory_space<vmem_shared>>
    %dma_wait3A_223 = tpu.memref_slice %arg10[%dma_wait3A_215] : memref<3x!tpu.dma_semaphore, #tpu.memory_space<semaphore_mem>> -> memref<1x!tpu.dma_semaphore, #tpu.memory_space<semaphore_mem>>
    %dma_wait3A_224 = tpu.memref_squeeze %dma_wait3A_223 : memref<1x!tpu.dma_semaphore, #tpu.memory_space<semaphore_mem>> -> memref<!tpu.dma_semaphore, #tpu.memory_space<semaphore_mem>>
    %dma_wait3A_225 = arith.constant 0 : i32
    %dma_wait3A_226 = arith.constant 0 : i32
    %dma_wait3A_227 = tpu.memref_slice %arg8[%dma_wait3A_225, %dma_wait3A_226] : memref<10000x128xf32, #tpu.memory_space<vmem_shared>> -> memref<80x128xf32, #tpu.memory_space<vmem_shared>>
    %dma_wait3A_228 = arith.constant 0 : i32
    %dma_wait3A_229 = arith.constant 0 : i32
    %dma_wait3A_230 = tpu.memref_slice %arg7[%dma_wait3A_214, %dma_wait3A_228, %dma_wait3A_229] : memref<3x80x128xf32, #tpu.memory_space<vmem>> -> memref<1x80x128xf32, #tpu.memory_space<vmem>>
    %dma_wait3A_231 = tpu.memref_squeeze %dma_wait3A_230 : memref<1x80x128xf32, #tpu.memory_space<vmem>> -> memref<80x128xf32, #tpu.memory_space<vmem>>
    tpu.wait_dma2 semaphore(%dma_wait3A_224 : memref<!tpu.dma_semaphore, #tpu.memory_space<semaphore_mem>>) src(%dma_wait3A_231 : memref<80x128xf32, #tpu.memory_space<vmem>>) dst(%dma_wait3A_227 : memref<80x128xf32, #tpu.memory_space<vmem_shared>>)
    %dma_wait3A_232 = arith.constant 2 : i32
    %dma_wait3A_233 = arith.constant 2 : i32
    %dma_wait3A_234 = arith.constant 0 : i32
    %dma_wait3A_235 = arith.constant 0 : i32
    %dma_wait3A_236 = tpu.memref_slice %arg7[%dma_wait3A_232, %dma_wait3A_234, %dma_wait3A_235] : memref<3x80x128xf32, #tpu.memory_space<vmem>> -> memref<1x80x128xf32, #tpu.memory_space<vmem>>
    %dma_wait3A_237 = tpu.memref_squeeze %dma_wait3A_236 : memref<1x80x128xf32, #tpu.memory_space<vmem>> -> memref<80x128xf32, #tpu.memory_space<vmem>>
    %dma_wait3A_238 = arith.constant 0 : i32
    %dma_wait3A_239 = arith.constant 0 : i32
    %dma_wait3A_240 = tpu.memref_slice %arg8[%dma_wait3A_238, %dma_wait3A_239] : memref<10000x128xf32, #tpu.memory_space<vmem_shared>> -> memref<80x128xf32, #tpu.memory_space<vmem_shared>>
    %dma_wait3A_241 = tpu.memref_slice %arg10[%dma_wait3A_233] : memref<3x!tpu.dma_semaphore, #tpu.memory_space<semaphore_mem>> -> memref<1x!tpu.dma_semaphore, #tpu.memory_space<semaphore_mem>>
    %dma_wait3A_242 = tpu.memref_squeeze %dma_wait3A_241 : memref<1x!tpu.dma_semaphore, #tpu.memory_space<semaphore_mem>> -> memref<!tpu.dma_semaphore, #tpu.memory_space<semaphore_mem>>
    %dma_wait3A_243 = arith.constant 0 : i32
    %dma_wait3A_244 = arith.constant 0 : i32
    %dma_wait3A_245 = tpu.memref_slice %arg8[%dma_wait3A_243, %dma_wait3A_244] : memref<10000x128xf32, #tpu.memory_space<vmem_shared>> -> memref<80x128xf32, #tpu.memory_space<vmem_shared>>
    %dma_wait3A_246 = arith.constant 0 : i32
    %dma_wait3A_247 = arith.constant 0 : i32
    %dma_wait3A_248 = tpu.memref_slice %arg7[%dma_wait3A_232, %dma_wait3A_246, %dma_wait3A_247] : memref<3x80x128xf32, #tpu.memory_space<vmem>> -> memref<1x80x128xf32, #tpu.memory_space<vmem>>
    %dma_wait3A_249 = tpu.memref_squeeze %dma_wait3A_248 : memref<1x80x128xf32, #tpu.memory_space<vmem>> -> memref<80x128xf32, #tpu.memory_space<vmem>>
    tpu.wait_dma2 semaphore(%dma_wait3A_242 : memref<!tpu.dma_semaphore, #tpu.memory_space<semaphore_mem>>) src(%dma_wait3A_249 : memref<80x128xf32, #tpu.memory_space<vmem>>) dst(%dma_wait3A_245 : memref<80x128xf32, #tpu.memory_space<vmem_shared>>)
    %dma_wait3A_250 = arith.constant 2 : i32
    %dma_wait3A_251 = arith.constant 2 : i32
    %dma_wait3A_252 = arith.constant 0 : i32
    %dma_wait3A_253 = arith.constant 0 : i32
    %dma_wait3A_254 = tpu.memref_slice %arg7[%dma_wait3A_250, %dma_wait3A_252, %dma_wait3A_253] : memref<3x80x128xf32, #tpu.memory_space<vmem>> -> memref<1x80x128xf32, #tpu.memory_space<vmem>>
    %dma_wait3A_255 = tpu.memref_squeeze %dma_wait3A_254 : memref<1x80x128xf32, #tpu.memory_space<vmem>> -> memref<80x128xf32, #tpu.memory_space<vmem>>
    %dma_wait3A_256 = arith.constant 0 : i32
    %dma_wait3A_257 = arith.constant 0 : i32
    %dma_wait3A_258 = tpu.memref_slice %arg8[%dma_wait3A_256, %dma_wait3A_257] : memref<10000x128xf32, #tpu.memory_space<vmem_shared>> -> memref<80x128xf32, #tpu.memory_space<vmem_shared>>
    %dma_wait3A_259 = tpu.memref_slice %arg10[%dma_wait3A_251] : memref<3x!tpu.dma_semaphore, #tpu.memory_space<semaphore_mem>> -> memref<1x!tpu.dma_semaphore, #tpu.memory_space<semaphore_mem>>
    %dma_wait3A_260 = tpu.memref_squeeze %dma_wait3A_259 : memref<1x!tpu.dma_semaphore, #tpu.memory_space<semaphore_mem>> -> memref<!tpu.dma_semaphore, #tpu.memory_space<semaphore_mem>>
    %dma_wait3A_261 = arith.constant 0 : i32
    %dma_wait3A_262 = arith.constant 0 : i32
    %dma_wait3A_263 = tpu.memref_slice %arg8[%dma_wait3A_261, %dma_wait3A_262] : memref<10000x128xf32, #tpu.memory_space<vmem_shared>> -> memref<80x128xf32, #tpu.memory_space<vmem_shared>>
    %dma_wait3A_264 = arith.constant 0 : i32
    %dma_wait3A_265 = arith.constant 0 : i32
    %dma_wait3A_266 = tpu.memref_slice %arg7[%dma_wait3A_250, %dma_wait3A_264, %dma_wait3A_265] : memref<3x80x128xf32, #tpu.memory_space<vmem>> -> memref<1x80x128xf32, #tpu.memory_space<vmem>>
    %dma_wait3A_267 = tpu.memref_squeeze %dma_wait3A_266 : memref<1x80x128xf32, #tpu.memory_space<vmem>> -> memref<80x128xf32, #tpu.memory_space<vmem>>
    tpu.wait_dma2 semaphore(%dma_wait3A_260 : memref<!tpu.dma_semaphore, #tpu.memory_space<semaphore_mem>>) src(%dma_wait3A_267 : memref<80x128xf32, #tpu.memory_space<vmem>>) dst(%dma_wait3A_263 : memref<80x128xf32, #tpu.memory_space<vmem_shared>>)
    %dma_wait3A_268 = arith.constant 2 : i32
    %dma_wait3A_269 = arith.constant 2 : i32
    %dma_wait3A_270 = arith.constant 0 : i32
    %dma_wait3A_271 = arith.constant 0 : i32
    %dma_wait3A_272 = tpu.memref_slice %arg7[%dma_wait3A_268, %dma_wait3A_270, %dma_wait3A_271] : memref<3x80x128xf32, #tpu.memory_space<vmem>> -> memref<1x80x128xf32, #tpu.memory_space<vmem>>
    %dma_wait3A_273 = tpu.memref_squeeze %dma_wait3A_272 : memref<1x80x128xf32, #tpu.memory_space<vmem>> -> memref<80x128xf32, #tpu.memory_space<vmem>>
    %dma_wait3A_274 = arith.constant 0 : i32
    %dma_wait3A_275 = arith.constant 0 : i32
    %dma_wait3A_276 = tpu.memref_slice %arg8[%dma_wait3A_274, %dma_wait3A_275] : memref<10000x128xf32, #tpu.memory_space<vmem_shared>> -> memref<80x128xf32, #tpu.memory_space<vmem_shared>>
    %dma_wait3A_277 = tpu.memref_slice %arg10[%dma_wait3A_269] : memref<3x!tpu.dma_semaphore, #tpu.memory_space<semaphore_mem>> -> memref<1x!tpu.dma_semaphore, #tpu.memory_space<semaphore_mem>>
    %dma_wait3A_278 = tpu.memref_squeeze %dma_wait3A_277 : memref<1x!tpu.dma_semaphore, #tpu.memory_space<semaphore_mem>> -> memref<!tpu.dma_semaphore, #tpu.memory_space<semaphore_mem>>
    %dma_wait3A_279 = arith.constant 0 : i32
    %dma_wait3A_280 = arith.constant 0 : i32
    %dma_wait3A_281 = tpu.memref_slice %arg8[%dma_wait3A_279, %dma_wait3A_280] : memref<10000x128xf32, #tpu.memory_space<vmem_shared>> -> memref<80x128xf32, #tpu.memory_space<vmem_shared>>
    %dma_wait3A_282 = arith.constant 0 : i32
    %dma_wait3A_283 = arith.constant 0 : i32
    %dma_wait3A_284 = tpu.memref_slice %arg7[%dma_wait3A_268, %dma_wait3A_282, %dma_wait3A_283] : memref<3x80x128xf32, #tpu.memory_space<vmem>> -> memref<1x80x128xf32, #tpu.memory_space<vmem>>
    %dma_wait3A_285 = tpu.memref_squeeze %dma_wait3A_284 : memref<1x80x128xf32, #tpu.memory_space<vmem>> -> memref<80x128xf32, #tpu.memory_space<vmem>>
    tpu.wait_dma2 semaphore(%dma_wait3A_278 : memref<!tpu.dma_semaphore, #tpu.memory_space<semaphore_mem>>) src(%dma_wait3A_285 : memref<80x128xf32, #tpu.memory_space<vmem>>) dst(%dma_wait3A_281 : memref<80x128xf32, #tpu.memory_space<vmem_shared>>)
    %dma_wait3A_286 = arith.constant 2 : i32
    %dma_wait3A_287 = arith.constant 2 : i32
    %dma_wait3A_288 = arith.constant 0 : i32
    %dma_wait3A_289 = arith.constant 0 : i32
    %dma_wait3A_290 = tpu.memref_slice %arg7[%dma_wait3A_286, %dma_wait3A_288, %dma_wait3A_289] : memref<3x80x128xf32, #tpu.memory_space<vmem>> -> memref<1x80x128xf32, #tpu.memory_space<vmem>>
    %dma_wait3A_291 = tpu.memref_squeeze %dma_wait3A_290 : memref<1x80x128xf32, #tpu.memory_space<vmem>> -> memref<80x128xf32, #tpu.memory_space<vmem>>
    %dma_wait3A_292 = arith.constant 0 : i32
    %dma_wait3A_293 = arith.constant 0 : i32
    %dma_wait3A_294 = tpu.memref_slice %arg8[%dma_wait3A_292, %dma_wait3A_293] : memref<10000x128xf32, #tpu.memory_space<vmem_shared>> -> memref<80x128xf32, #tpu.memory_space<vmem_shared>>
    %dma_wait3A_295 = tpu.memref_slice %arg10[%dma_wait3A_287] : memref<3x!tpu.dma_semaphore, #tpu.memory_space<semaphore_mem>> -> memref<1x!tpu.dma_semaphore, #tpu.memory_space<semaphore_mem>>
    %dma_wait3A_296 = tpu.memref_squeeze %dma_wait3A_295 : memref<1x!tpu.dma_semaphore, #tpu.memory_space<semaphore_mem>> -> memref<!tpu.dma_semaphore, #tpu.memory_space<semaphore_mem>>
    %dma_wait3A_297 = arith.constant 0 : i32
    %dma_wait3A_298 = arith.constant 0 : i32
    %dma_wait3A_299 = tpu.memref_slice %arg8[%dma_wait3A_297, %dma_wait3A_298] : memref<10000x128xf32, #tpu.memory_space<vmem_shared>> -> memref<80x128xf32, #tpu.memory_space<vmem_shared>>
    %dma_wait3A_300 = arith.constant 0 : i32
    %dma_wait3A_301 = arith.constant 0 : i32
    %dma_wait3A_302 = tpu.memref_slice %arg7[%dma_wait3A_286, %dma_wait3A_300, %dma_wait3A_301] : memref<3x80x128xf32, #tpu.memory_space<vmem>> -> memref<1x80x128xf32, #tpu.memory_space<vmem>>
    %dma_wait3A_303 = tpu.memref_squeeze %dma_wait3A_302 : memref<1x80x128xf32, #tpu.memory_space<vmem>> -> memref<80x128xf32, #tpu.memory_space<vmem>>
    tpu.wait_dma2 semaphore(%dma_wait3A_296 : memref<!tpu.dma_semaphore, #tpu.memory_space<semaphore_mem>>) src(%dma_wait3A_303 : memref<80x128xf32, #tpu.memory_space<vmem>>) dst(%dma_wait3A_299 : memref<80x128xf32, #tpu.memory_space<vmem_shared>>)
    %dma_wait3A_304 = arith.constant 2 : i32
    %dma_wait3A_305 = arith.constant 2 : i32
    %dma_wait3A_306 = arith.constant 0 : i32
    %dma_wait3A_307 = arith.constant 0 : i32
    %dma_wait3A_308 = tpu.memref_slice %arg7[%dma_wait3A_304, %dma_wait3A_306, %dma_wait3A_307] : memref<3x80x128xf32, #tpu.memory_space<vmem>> -> memref<1x80x128xf32, #tpu.memory_space<vmem>>
    %dma_wait3A_309 = tpu.memref_squeeze %dma_wait3A_308 : memref<1x80x128xf32, #tpu.memory_space<vmem>> -> memref<80x128xf32, #tpu.memory_space<vmem>>
    %dma_wait3A_310 = arith.constant 0 : i32
    %dma_wait3A_311 = arith.constant 0 : i32
    %dma_wait3A_312 = tpu.memref_slice %arg8[%dma_wait3A_310, %dma_wait3A_311] : memref<10000x128xf32, #tpu.memory_space<vmem_shared>> -> memref<80x128xf32, #tpu.memory_space<vmem_shared>>
    %dma_wait3A_313 = tpu.memref_slice %arg10[%dma_wait3A_305] : memref<3x!tpu.dma_semaphore, #tpu.memory_space<semaphore_mem>> -> memref<1x!tpu.dma_semaphore, #tpu.memory_space<semaphore_mem>>
    %dma_wait3A_314 = tpu.memref_squeeze %dma_wait3A_313 : memref<1x!tpu.dma_semaphore, #tpu.memory_space<semaphore_mem>> -> memref<!tpu.dma_semaphore, #tpu.memory_space<semaphore_mem>>
    %dma_wait3A_315 = arith.constant 0 : i32
    %dma_wait3A_316 = arith.constant 0 : i32
    %dma_wait3A_317 = tpu.memref_slice %arg8[%dma_wait3A_315, %dma_wait3A_316] : memref<10000x128xf32, #tpu.memory_space<vmem_shared>> -> memref<80x128xf32, #tpu.memory_space<vmem_shared>>
    %dma_wait3A_318 = arith.constant 0 : i32
    %dma_wait3A_319 = arith.constant 0 : i32
    %dma_wait3A_320 = tpu.memref_slice %arg7[%dma_wait3A_304, %dma_wait3A_318, %dma_wait3A_319] : memref<3x80x128xf32, #tpu.memory_space<vmem>> -> memref<1x80x128xf32, #tpu.memory_space<vmem>>
    %dma_wait3A_321 = tpu.memref_squeeze %dma_wait3A_320 : memref<1x80x128xf32, #tpu.memory_space<vmem>> -> memref<80x128xf32, #tpu.memory_space<vmem>>
    tpu.wait_dma2 semaphore(%dma_wait3A_314 : memref<!tpu.dma_semaphore, #tpu.memory_space<semaphore_mem>>) src(%dma_wait3A_321 : memref<80x128xf32, #tpu.memory_space<vmem>>) dst(%dma_wait3A_317 : memref<80x128xf32, #tpu.memory_space<vmem_shared>>)
    %dma_wait3A_322 = arith.constant 2 : i32
    %dma_wait3A_323 = arith.constant 2 : i32
    %dma_wait3A_324 = arith.constant 0 : i32
    %dma_wait3A_325 = arith.constant 0 : i32
    %dma_wait3A_326 = tpu.memref_slice %arg7[%dma_wait3A_322, %dma_wait3A_324, %dma_wait3A_325] : memref<3x80x128xf32, #tpu.memory_space<vmem>> -> memref<1x65x128xf32, #tpu.memory_space<vmem>>
    %dma_wait3A_327 = tpu.memref_squeeze %dma_wait3A_326 : memref<1x65x128xf32, #tpu.memory_space<vmem>> -> memref<65x128xf32, #tpu.memory_space<vmem>>
    %dma_wait3A_328 = arith.constant 0 : i32
    %dma_wait3A_329 = arith.constant 0 : i32
    %dma_wait3A_330 = tpu.memref_slice %arg8[%dma_wait3A_328, %dma_wait3A_329] : memref<10000x128xf32, #tpu.memory_space<vmem_shared>> -> memref<65x128xf32, #tpu.memory_space<vmem_shared>>
    %dma_wait3A_331 = tpu.memref_slice %arg10[%dma_wait3A_323] : memref<3x!tpu.dma_semaphore, #tpu.memory_space<semaphore_mem>> -> memref<1x!tpu.dma_semaphore, #tpu.memory_space<semaphore_mem>>
    %dma_wait3A_332 = tpu.memref_squeeze %dma_wait3A_331 : memref<1x!tpu.dma_semaphore, #tpu.memory_space<semaphore_mem>> -> memref<!tpu.dma_semaphore, #tpu.memory_space<semaphore_mem>>
    %dma_wait3A_333 = arith.constant 0 : i32
    %dma_wait3A_334 = arith.constant 0 : i32
    %dma_wait3A_335 = tpu.memref_slice %arg8[%dma_wait3A_333, %dma_wait3A_334] : memref<10000x128xf32, #tpu.memory_space<vmem_shared>> -> memref<65x128xf32, #tpu.memory_space<vmem_shared>>
    %dma_wait3A_336 = arith.constant 0 : i32
    %dma_wait3A_337 = arith.constant 0 : i32
    %dma_wait3A_338 = tpu.memref_slice %arg7[%dma_wait3A_322, %dma_wait3A_336, %dma_wait3A_337] : memref<3x80x128xf32, #tpu.memory_space<vmem>> -> memref<1x65x128xf32, #tpu.memory_space<vmem>>
    %dma_wait3A_339 = tpu.memref_squeeze %dma_wait3A_338 : memref<1x65x128xf32, #tpu.memory_space<vmem>> -> memref<65x128xf32, #tpu.memory_space<vmem>>
    tpu.wait_dma2 semaphore(%dma_wait3A_332 : memref<!tpu.dma_semaphore, #tpu.memory_space<semaphore_mem>>) src(%dma_wait3A_339 : memref<65x128xf32, #tpu.memory_space<vmem>>) dst(%dma_wait3A_335 : memref<65x128xf32, #tpu.memory_space<vmem_shared>>)
    %barrier3A = arith.constant 0 : index
    tpu.barrier barrier_id(%barrier3A)
    %scan3A_340 = arith.constant 0 : i32
    %scan3A_341 = arith.constant 0 : i32
    %scan3A_342 = arith.constant 125 : i32
    %scan3A_343 = arith.addi %scan3A_341, %scan3A_342 : i32
    %scan3A_344 = arith.constant 1 : i32
    scf.for %scan3A_405 = %scan3A_341 to %scan3A_343 step %scan3A_344  : i32 {
      %rem3A = arith.constant 3 : i32
      %rem3A_406 = arith.remsi %scan3A_405, %rem3A : i32
      %dma_wait3A_407 = arith.constant 0 : i32
      %dma_wait3A_408 = arith.constant 0 : i32
      %dma_wait3A_409 = tpu.memref_slice %arg7[%rem3A_406, %dma_wait3A_407, %dma_wait3A_408] : memref<3x80x128xf32, #tpu.memory_space<vmem>> -> memref<1x80x128xf32, #tpu.memory_space<vmem>>
      %dma_wait3A_410 = tpu.memref_squeeze %dma_wait3A_409 : memref<1x80x128xf32, #tpu.memory_space<vmem>> -> memref<80x128xf32, #tpu.memory_space<vmem>>
      %dma_wait3A_411 = arith.constant 0 : i32
      %dma_wait3A_412 = arith.constant 0 : i32
      %dma_wait3A_413 = tpu.memref_slice %arg2[%dma_wait3A_411, %dma_wait3A_412] : memref<10000x128xf32, #tpu.memory_space<hbm>> -> memref<80x128xf32, #tpu.memory_space<hbm>>
      %dma_wait3A_414 = tpu.memref_slice %arg9[%rem3A_406] : memref<3x!tpu.dma_semaphore, #tpu.memory_space<semaphore_mem>> -> memref<1x!tpu.dma_semaphore, #tpu.memory_space<semaphore_mem>>
      %dma_wait3A_415 = tpu.memref_squeeze %dma_wait3A_414 : memref<1x!tpu.dma_semaphore, #tpu.memory_space<semaphore_mem>> -> memref<!tpu.dma_semaphore, #tpu.memory_space<semaphore_mem>>
      %dma_wait3A_416 = arith.constant 0 : i32
      %dma_wait3A_417 = arith.constant 0 : i32
      %dma_wait3A_418 = tpu.memref_slice %arg7[%rem3A_406, %dma_wait3A_416, %dma_wait3A_417] : memref<3x80x128xf32, #tpu.memory_space<vmem>> -> memref<1x80x128xf32, #tpu.memory_space<vmem>>
      %dma_wait3A_419 = tpu.memref_squeeze %dma_wait3A_418 : memref<1x80x128xf32, #tpu.memory_space<vmem>> -> memref<80x128xf32, #tpu.memory_space<vmem>>
      %dma_wait3A_420 = arith.constant 0 : i32
      %dma_wait3A_421 = arith.constant 0 : i32
      %dma_wait3A_422 = tpu.memref_slice %arg2[%dma_wait3A_420, %dma_wait3A_421] : memref<10000x128xf32, #tpu.memory_space<hbm>> -> memref<80x128xf32, #tpu.memory_space<hbm>>
      tpu.wait_dma2 semaphore(%dma_wait3A_415 : memref<!tpu.dma_semaphore, #tpu.memory_space<semaphore_mem>>) src(%dma_wait3A_422 : memref<80x128xf32, #tpu.memory_space<hbm>>) dst(%dma_wait3A_419 : memref<80x128xf32, #tpu.memory_space<vmem>>)
      %dma_start3A_423 = arith.constant 0 : i32
      %dma_start3A_424 = arith.constant 0 : i32
      %dma_start3A_425 = tpu.memref_slice %arg7[%rem3A_406, %dma_start3A_423, %dma_start3A_424] : memref<3x80x128xf32, #tpu.memory_space<vmem>> -> memref<1x80x128xf32, #tpu.memory_space<vmem>>
      %dma_start3A_426 = tpu.memref_squeeze %dma_start3A_425 : memref<1x80x128xf32, #tpu.memory_space<vmem>> -> memref<80x128xf32, #tpu.memory_space<vmem>>
      %dma_start3A_427 = arith.constant 0 : i32
      %dma_start3A_428 = tpu.memref_slice %arg6[%scan3A_405, %dma_start3A_427] : memref<125x80xi32, #tpu.memory_space<vmem>> -> memref<1x80xi32, #tpu.memory_space<vmem>>
      %dma_start3A_429 = tpu.memref_squeeze %dma_start3A_428 : memref<1x80xi32, #tpu.memory_space<vmem>> -> memref<80xi32, #tpu.memory_space<vmem>>
      %dma_start3A_430 = arith.constant 0 : i32
      %dma_start3A_431 = arith.constant 0 : i32
      %dma_start3A_432 = tpu.memref_slice %arg8[%dma_start3A_430, %dma_start3A_431] : memref<10000x128xf32, #tpu.memory_space<vmem_shared>> -> memref<10000x128xf32, #tpu.memory_space<vmem_shared>>
      %dma_start3A_433 = tpu.memref_slice %arg10[%rem3A_406] : memref<3x!tpu.dma_semaphore, #tpu.memory_space<semaphore_mem>> -> memref<1x!tpu.dma_semaphore, #tpu.memory_space<semaphore_mem>>
      %dma_start3A_434 = tpu.memref_squeeze %dma_start3A_433 : memref<1x!tpu.dma_semaphore, #tpu.memory_space<semaphore_mem>> -> memref<!tpu.dma_semaphore, #tpu.memory_space<semaphore_mem>>
      tpu.enqueue_indirect_dma source(%dma_start3A_426 : memref<80x128xf32, #tpu.memory_space<vmem>>) target(%dma_start3A_432 : memref<10000x128xf32, #tpu.memory_space<vmem_shared>>) offsets(%dma_start3A_429 : memref<80xi32, #tpu.memory_space<vmem>>) semaphore(%dma_start3A_434 : memref<!tpu.dma_semaphore, #tpu.memory_space<semaphore_mem>>) {add = true}
      %add3A_435 = arith.constant 2 : i32
      %add3A_436 = arith.addi %scan3A_405, %add3A_435 : i32
      %rem3A_437 = arith.constant 3 : i32
      %rem3A_438 = arith.remsi %add3A_436, %rem3A_437 : i32
      %lt3A = arith.constant 125 : i32
      %lt3A_439 = arith.cmpi slt, %add3A_436, %lt3A : i32
      %convert_element_type3A = arith.extui %lt3A_439 : i1 to i32
      %cond3A = arith.constant 0 : i32
      %cond3A_440 = arith.cmpi ne, %convert_element_type3A, %cond3A : i32
      scf.if %cond3A_440 {
        %ge3A = arith.constant 3 : i32
        %ge3A_441 = arith.cmpi sge, %add3A_436, %ge3A : i32
        %convert_element_type3A_442 = arith.extui %ge3A_441 : i1 to i32
        %cond3A_443 = arith.constant 0 : i32
        %cond3A_444 = arith.cmpi ne, %convert_element_type3A_442, %cond3A_443 : i32
        scf.if %cond3A_444 {
          %dma_wait3A_457 = arith.constant 0 : i32
          %dma_wait3A_458 = arith.constant 0 : i32
          %dma_wait3A_459 = tpu.memref_slice %arg7[%rem3A_438, %dma_wait3A_457, %dma_wait3A_458] : memref<3x80x128xf32, #tpu.memory_space<vmem>> -> memref<1x80x128xf32, #tpu.memory_space<vmem>>
          %dma_wait3A_460 = tpu.memref_squeeze %dma_wait3A_459 : memref<1x80x128xf32, #tpu.memory_space<vmem>> -> memref<80x128xf32, #tpu.memory_space<vmem>>
          %dma_wait3A_461 = arith.constant 0 : i32
          %dma_wait3A_462 = arith.constant 0 : i32
          %dma_wait3A_463 = tpu.memref_slice %arg8[%dma_wait3A_461, %dma_wait3A_462] : memref<10000x128xf32, #tpu.memory_space<vmem_shared>> -> memref<80x128xf32, #tpu.memory_space<vmem_shared>>
          %dma_wait3A_464 = tpu.memref_slice %arg10[%rem3A_438] : memref<3x!tpu.dma_semaphore, #tpu.memory_space<semaphore_mem>> -> memref<1x!tpu.dma_semaphore, #tpu.memory_space<semaphore_mem>>
          %dma_wait3A_465 = tpu.memref_squeeze %dma_wait3A_464 : memref<1x!tpu.dma_semaphore, #tpu.memory_space<semaphore_mem>> -> memref<!tpu.dma_semaphore, #tpu.memory_space<semaphore_mem>>
          %dma_wait3A_466 = arith.constant 0 : i32
          %dma_wait3A_467 = arith.constant 0 : i32
          %dma_wait3A_468 = tpu.memref_slice %arg8[%dma_wait3A_466, %dma_wait3A_467] : memref<10000x128xf32, #tpu.memory_space<vmem_shared>> -> memref<80x128xf32, #tpu.memory_space<vmem_shared>>
          %dma_wait3A_469 = arith.constant 0 : i32
          %dma_wait3A_470 = arith.constant 0 : i32
          %dma_wait3A_471 = tpu.memref_slice %arg7[%rem3A_438, %dma_wait3A_469, %dma_wait3A_470] : memref<3x80x128xf32, #tpu.memory_space<vmem>> -> memref<1x80x128xf32, #tpu.memory_space<vmem>>
          %dma_wait3A_472 = tpu.memref_squeeze %dma_wait3A_471 : memref<1x80x128xf32, #tpu.memory_space<vmem>> -> memref<80x128xf32, #tpu.memory_space<vmem>>
          tpu.wait_dma2 semaphore(%dma_wait3A_465 : memref<!tpu.dma_semaphore, #tpu.memory_space<semaphore_mem>>) src(%dma_wait3A_472 : memref<80x128xf32, #tpu.memory_space<vmem>>) dst(%dma_wait3A_468 : memref<80x128xf32, #tpu.memory_space<vmem_shared>>)
        } else {
        }
        %dma_start3A_445 = arith.constant 0 : i32
        %dma_start3A_446 = arith.constant 0 : i32
        %dma_start3A_447 = tpu.memref_slice %arg7[%rem3A_438, %dma_start3A_445, %dma_start3A_446] : memref<3x80x128xf32, #tpu.memory_space<vmem>> -> memref<1x80x128xf32, #tpu.memory_space<vmem>>
        %dma_start3A_448 = tpu.memref_squeeze %dma_start3A_447 : memref<1x80x128xf32, #tpu.memory_space<vmem>> -> memref<80x128xf32, #tpu.memory_space<vmem>>
        %dma_start3A_449 = arith.constant 0 : i32
        %dma_start3A_450 = tpu.memref_slice %arg5[%add3A_436, %dma_start3A_449] : memref<125x80xi32, #tpu.memory_space<vmem>> -> memref<1x80xi32, #tpu.memory_space<vmem>>
        %dma_start3A_451 = tpu.memref_squeeze %dma_start3A_450 : memref<1x80xi32, #tpu.memory_space<vmem>> -> memref<80xi32, #tpu.memory_space<vmem>>
        %dma_start3A_452 = arith.constant 0 : i32
        %dma_start3A_453 = arith.constant 0 : i32
        %dma_start3A_454 = tpu.memref_slice %arg2[%dma_start3A_452, %dma_start3A_453] : memref<10000x128xf32, #tpu.memory_space<hbm>> -> memref<10000x128xf32, #tpu.memory_space<hbm>>
        %dma_start3A_455 = tpu.memref_slice %arg9[%rem3A_438] : memref<3x!tpu.dma_semaphore, #tpu.memory_space<semaphore_mem>> -> memref<1x!tpu.dma_semaphore, #tpu.memory_space<semaphore_mem>>
        %dma_start3A_456 = tpu.memref_squeeze %dma_start3A_455 : memref<1x!tpu.dma_semaphore, #tpu.memory_space<semaphore_mem>> -> memref<!tpu.dma_semaphore, #tpu.memory_space<semaphore_mem>>
        tpu.enqueue_indirect_dma source(%dma_start3A_454 : memref<10000x128xf32, #tpu.memory_space<hbm>>) target(%dma_start3A_448 : memref<80x128xf32, #tpu.memory_space<vmem>>) offsets(%dma_start3A_451 : memref<80xi32, #tpu.memory_space<vmem>>) semaphore(%dma_start3A_456 : memref<!tpu.dma_semaphore, #tpu.memory_space<semaphore_mem>>)
      } else {
      }
    }
    %scan3A_345 = arith.constant 125 : i32
    %dma_wait3A_346 = arith.constant 0 : i32
    %dma_wait3A_347 = arith.constant 0 : i32
    %dma_wait3A_348 = arith.constant 0 : i32
    %dma_wait3A_349 = arith.constant 0 : i32
    %dma_wait3A_350 = tpu.memref_slice %arg7[%dma_wait3A_346, %dma_wait3A_348, %dma_wait3A_349] : memref<3x80x128xf32, #tpu.memory_space<vmem>> -> memref<1x80x128xf32, #tpu.memory_space<vmem>>
    %dma_wait3A_351 = tpu.memref_squeeze %dma_wait3A_350 : memref<1x80x128xf32, #tpu.memory_space<vmem>> -> memref<80x128xf32, #tpu.memory_space<vmem>>
    %dma_wait3A_352 = arith.constant 0 : i32
    %dma_wait3A_353 = arith.constant 0 : i32
    %dma_wait3A_354 = tpu.memref_slice %arg8[%dma_wait3A_352, %dma_wait3A_353] : memref<10000x128xf32, #tpu.memory_space<vmem_shared>> -> memref<80x128xf32, #tpu.memory_space<vmem_shared>>
    %dma_wait3A_355 = tpu.memref_slice %arg10[%dma_wait3A_347] : memref<3x!tpu.dma_semaphore, #tpu.memory_space<semaphore_mem>> -> memref<1x!tpu.dma_semaphore, #tpu.memory_space<semaphore_mem>>
    %dma_wait3A_356 = tpu.memref_squeeze %dma_wait3A_355 : memref<1x!tpu.dma_semaphore, #tpu.memory_space<semaphore_mem>> -> memref<!tpu.dma_semaphore, #tpu.memory_space<semaphore_mem>>
    %dma_wait3A_357 = arith.constant 0 : i32
    %dma_wait3A_358 = arith.constant 0 : i32
    %dma_wait3A_359 = tpu.memref_slice %arg8[%dma_wait3A_357, %dma_wait3A_358] : memref<10000x128xf32, #tpu.memory_space<vmem_shared>> -> memref<80x128xf32, #tpu.memory_space<vmem_shared>>
    %dma_wait3A_360 = arith.constant 0 : i32
    %dma_wait3A_361 = arith.constant 0 : i32
    %dma_wait3A_362 = tpu.memref_slice %arg7[%dma_wait3A_346, %dma_wait3A_360, %dma_wait3A_361] : memref<3x80x128xf32, #tpu.memory_space<vmem>> -> memref<1x80x128xf32, #tpu.memory_space<vmem>>
    %dma_wait3A_363 = tpu.memref_squeeze %dma_wait3A_362 : memref<1x80x128xf32, #tpu.memory_space<vmem>> -> memref<80x128xf32, #tpu.memory_space<vmem>>
    tpu.wait_dma2 semaphore(%dma_wait3A_356 : memref<!tpu.dma_semaphore, #tpu.memory_space<semaphore_mem>>) src(%dma_wait3A_363 : memref<80x128xf32, #tpu.memory_space<vmem>>) dst(%dma_wait3A_359 : memref<80x128xf32, #tpu.memory_space<vmem_shared>>)
    %dma_wait3A_364 = arith.constant 1 : i32
    %dma_wait3A_365 = arith.constant 1 : i32
    %dma_wait3A_366 = arith.constant 0 : i32
    %dma_wait3A_367 = arith.constant 0 : i32
    %dma_wait3A_368 = tpu.memref_slice %arg7[%dma_wait3A_364, %dma_wait3A_366, %dma_wait3A_367] : memref<3x80x128xf32, #tpu.memory_space<vmem>> -> memref<1x80x128xf32, #tpu.memory_space<vmem>>
    %dma_wait3A_369 = tpu.memref_squeeze %dma_wait3A_368 : memref<1x80x128xf32, #tpu.memory_space<vmem>> -> memref<80x128xf32, #tpu.memory_space<vmem>>
    %dma_wait3A_370 = arith.constant 0 : i32
    %dma_wait3A_371 = arith.constant 0 : i32
    %dma_wait3A_372 = tpu.memref_slice %arg8[%dma_wait3A_370, %dma_wait3A_371] : memref<10000x128xf32, #tpu.memory_space<vmem_shared>> -> memref<80x128xf32, #tpu.memory_space<vmem_shared>>
    %dma_wait3A_373 = tpu.memref_slice %arg10[%dma_wait3A_365] : memref<3x!tpu.dma_semaphore, #tpu.memory_space<semaphore_mem>> -> memref<1x!tpu.dma_semaphore, #tpu.memory_space<semaphore_mem>>
    %dma_wait3A_374 = tpu.memref_squeeze %dma_wait3A_373 : memref<1x!tpu.dma_semaphore, #tpu.memory_space<semaphore_mem>> -> memref<!tpu.dma_semaphore, #tpu.memory_space<semaphore_mem>>
    %dma_wait3A_375 = arith.constant 0 : i32
    %dma_wait3A_376 = arith.constant 0 : i32
    %dma_wait3A_377 = tpu.memref_slice %arg8[%dma_wait3A_375, %dma_wait3A_376] : memref<10000x128xf32, #tpu.memory_space<vmem_shared>> -> memref<80x128xf32, #tpu.memory_space<vmem_shared>>
    %dma_wait3A_378 = arith.constant 0 : i32
    %dma_wait3A_379 = arith.constant 0 : i32
    %dma_wait3A_380 = tpu.memref_slice %arg7[%dma_wait3A_364, %dma_wait3A_378, %dma_wait3A_379] : memref<3x80x128xf32, #tpu.memory_space<vmem>> -> memref<1x80x128xf32, #tpu.memory_space<vmem>>
    %dma_wait3A_381 = tpu.memref_squeeze %dma_wait3A_380 : memref<1x80x128xf32, #tpu.memory_space<vmem>> -> memref<80x128xf32, #tpu.memory_space<vmem>>
    tpu.wait_dma2 semaphore(%dma_wait3A_374 : memref<!tpu.dma_semaphore, #tpu.memory_space<semaphore_mem>>) src(%dma_wait3A_381 : memref<80x128xf32, #tpu.memory_space<vmem>>) dst(%dma_wait3A_377 : memref<80x128xf32, #tpu.memory_space<vmem_shared>>)
    %dma_wait3A_382 = arith.constant 2 : i32
    %dma_wait3A_383 = arith.constant 2 : i32
    %dma_wait3A_384 = arith.constant 0 : i32
    %dma_wait3A_385 = arith.constant 0 : i32
    %dma_wait3A_386 = tpu.memref_slice %arg7[%dma_wait3A_382, %dma_wait3A_384, %dma_wait3A_385] : memref<3x80x128xf32, #tpu.memory_space<vmem>> -> memref<1x80x128xf32, #tpu.memory_space<vmem>>
    %dma_wait3A_387 = tpu.memref_squeeze %dma_wait3A_386 : memref<1x80x128xf32, #tpu.memory_space<vmem>> -> memref<80x128xf32, #tpu.memory_space<vmem>>
    %dma_wait3A_388 = arith.constant 0 : i32
    %dma_wait3A_389 = arith.constant 0 : i32
    %dma_wait3A_390 = tpu.memref_slice %arg8[%dma_wait3A_388, %dma_wait3A_389] : memref<10000x128xf32, #tpu.memory_space<vmem_shared>> -> memref<80x128xf32, #tpu.memory_space<vmem_shared>>
    %dma_wait3A_391 = tpu.memref_slice %arg10[%dma_wait3A_383] : memref<3x!tpu.dma_semaphore, #tpu.memory_space<semaphore_mem>> -> memref<1x!tpu.dma_semaphore, #tpu.memory_space<semaphore_mem>>
    %dma_wait3A_392 = tpu.memref_squeeze %dma_wait3A_391 : memref<1x!tpu.dma_semaphore, #tpu.memory_space<semaphore_mem>> -> memref<!tpu.dma_semaphore, #tpu.memory_space<semaphore_mem>>
    %dma_wait3A_393 = arith.constant 0 : i32
    %dma_wait3A_394 = arith.constant 0 : i32
    %dma_wait3A_395 = tpu.memref_slice %arg8[%dma_wait3A_393, %dma_wait3A_394] : memref<10000x128xf32, #tpu.memory_space<vmem_shared>> -> memref<80x128xf32, #tpu.memory_space<vmem_shared>>
    %dma_wait3A_396 = arith.constant 0 : i32
    %dma_wait3A_397 = arith.constant 0 : i32
    %dma_wait3A_398 = tpu.memref_slice %arg7[%dma_wait3A_382, %dma_wait3A_396, %dma_wait3A_397] : memref<3x80x128xf32, #tpu.memory_space<vmem>> -> memref<1x80x128xf32, #tpu.memory_space<vmem>>
    %dma_wait3A_399 = tpu.memref_squeeze %dma_wait3A_398 : memref<1x80x128xf32, #tpu.memory_space<vmem>> -> memref<80x128xf32, #tpu.memory_space<vmem>>
    tpu.wait_dma2 semaphore(%dma_wait3A_392 : memref<!tpu.dma_semaphore, #tpu.memory_space<semaphore_mem>>) src(%dma_wait3A_399 : memref<80x128xf32, #tpu.memory_space<vmem>>) dst(%dma_wait3A_395 : memref<80x128xf32, #tpu.memory_space<vmem_shared>>)
    %barrier3A_400 = arith.constant 0 : index
    tpu.barrier barrier_id(%barrier3A_400)
    %mul3A_401 = arith.constant 625 : i32
    %mul3A_402 = arith.muli %arg1, %mul3A_401 : i32
    %mul3A_403 = arith.constant 625 : i32
    %mul3A_404 = arith.muli %arg1, %mul3A_403 : i32
    "tpu.region"() ({
      %run_scoped3A_405 = tpu.sem_alloc : memref<!tpu.dma_semaphore, #tpu.memory_space<semaphore_mem>>
      %dma_start3A_406 = arith.constant 0 : i32
      %dma_start3A_407 = tpu.memref_slice %arg4[%arg0, %mul3A_404, %dma_start3A_406] : memref<2x10000x128xf32, #tpu.memory_space<hbm>> -> memref<1x625x128xf32, #tpu.memory_space<hbm>>
      %dma_start3A_408 = tpu.memref_squeeze %dma_start3A_407 : memref<1x625x128xf32, #tpu.memory_space<hbm>> -> memref<625x128xf32, #tpu.memory_space<hbm>>
      %dma_start3A_409 = arith.constant 0 : i32
      %dma_start3A_410 = tpu.memref_slice %arg8[%mul3A_402, %dma_start3A_409] : memref<10000x128xf32, #tpu.memory_space<vmem_shared>> -> memref<625x128xf32, #tpu.memory_space<vmem_shared>>
      tpu.enqueue_dma source(%dma_start3A_410 : memref<625x128xf32, #tpu.memory_space<vmem_shared>>) target(%dma_start3A_408 : memref<625x128xf32, #tpu.memory_space<hbm>>) target_semaphore(%run_scoped3A_405 : memref<!tpu.dma_semaphore, #tpu.memory_space<semaphore_mem>>)
      %dma_wait3A_411 = arith.constant 0 : i32
      %dma_wait3A_412 = tpu.memref_slice %arg4[%arg0, %mul3A_404, %dma_wait3A_411] : memref<2x10000x128xf32, #tpu.memory_space<hbm>> -> memref<1x625x128xf32, #tpu.memory_space<hbm>>
      %dma_wait3A_413 = tpu.memref_squeeze %dma_wait3A_412 : memref<1x625x128xf32, #tpu.memory_space<hbm>> -> memref<625x128xf32, #tpu.memory_space<hbm>>
      %dma_wait3A_414 = arith.constant 0 : i32
      %dma_wait3A_415 = tpu.memref_slice %arg8[%mul3A_402, %dma_wait3A_414] : memref<10000x128xf32, #tpu.memory_space<vmem_shared>> -> memref<625x128xf32, #tpu.memory_space<vmem_shared>>
      tpu.wait_dma2 semaphore(%run_scoped3A_405 : memref<!tpu.dma_semaphore, #tpu.memory_space<semaphore_mem>>) src(%dma_wait3A_415 : memref<625x128xf32, #tpu.memory_space<vmem_shared>>) dst(%dma_wait3A_413 : memref<625x128xf32, #tpu.memory_space<hbm>>)
      tpu.yield
    }) : () -> ()
    return
  }
}

module attributes {stable_mosaic.version = 14 : i64} {
  func.func @_tc1_body(%arg0: i32, %arg1: memref<2000x32xf32, #tpu.memory_space<vmem>>, %arg2: memref<2000x128xf32, #tpu.memory_space<vmem>>, %arg3: memref<128x128xf32, #tpu.memory_space<vmem>>, %arg4: memref<2000x128xf32, #tpu.memory_space<vmem>>, %arg5: memref<2000x1xf32, #tpu.memory_space<vmem>>) attributes {dimension_semantics = [#tpu.dimension_semantics<arbitrary>], iteration_bounds = array<i64: 5>, scalar_prefetch = 0 : i64, scratch_operands = 0 : i64, tpu.core_type = #tpu.core_type<tc>, window_params = [{transform_indices = @transform_0, window_bounds = array<i64: 2000, 32>}, {transform_indices = @transform_1, window_bounds = array<i64: 2000, 128>}, {pipeline_mode = #tpu.pipeline_mode<synchronous>, transform_indices = @transform_2, window_bounds = array<i64: 128, 128>}, {transform_indices = @transform_3, window_bounds = array<i64: 2000, 128>}, {transform_indices = @transform_4, window_bounds = array<i64: 2000, 1>}]} {
    %get3A = arith.constant 0 : index
    %get3A_0 = arith.constant 0 : index
    %get3A_1 = vector.load %arg1[%get3A, %get3A_0] : memref<2000x32xf32, #tpu.memory_space<vmem>>, vector<2000x32xf32>
    %reduce_sum3A = arith.constant dense<0.000000e+00> : vector<2000xf32>
    %reduce_sum3A_2 = vector.multi_reduction <add>, %get3A_1, %reduce_sum3A [1] : vector<2000x32xf32> to vector<2000xf32>
    %broadcast_in_dim3A = vector.shape_cast %reduce_sum3A_2 : vector<2000xf32> to vector<2000x1xf32>
    %add3A = arith.constant 1.000000e+00 : f32
    %add3A_3 = vector.broadcast %add3A : f32 to vector<2000x1xf32>
    %add3A_4 = arith.addf %broadcast_in_dim3A, %add3A_3 : vector<2000x1xf32>
    %rsqrt3A = math.rsqrt %add3A_4 : vector<2000x1xf32>
    %get3A_5 = arith.constant 0 : index
    %get3A_6 = arith.constant 0 : index
    %get3A_7 = vector.load %arg2[%get3A_5, %get3A_6] : memref<2000x128xf32, #tpu.memory_space<vmem>>, vector<2000x128xf32>
    %get3A_8 = arith.constant 0 : index
    %get3A_9 = arith.constant 0 : index
    %get3A_10 = vector.load %arg3[%get3A_8, %get3A_9] : memref<128x128xf32, #tpu.memory_space<vmem>>, vector<128x128xf32>
    %dot_general3A = arith.constant dense<0.000000e+00> : vector<2000x128xf32>
    %dot_general3A_11 = tpu.matmul %get3A_7, %get3A_10, %dot_general3A {dimension_numbers = #tpu.dot_dimension_numbers<[1], [0], [0], [1], [0, 0, 1, 1], [], []>, transpose_lhs_hint = false} : vector<2000x128xf32>, vector<128x128xf32>, vector<2000x128xf32> -> vector<2000x128xf32>
    %mul3A = vector.broadcast %rsqrt3A : vector<2000x1xf32> to vector<2000x128xf32>
    %mul3A_12 = arith.mulf %dot_general3A_11, %mul3A : vector<2000x128xf32>
    %swap3A = arith.constant 0 : index
    %swap3A_13 = arith.constant 0 : index
    %swap3A_14 = vector.load %arg4[%swap3A, %swap3A_13] : memref<2000x128xf32, #tpu.memory_space<vmem>>, vector<2000x128xf32>
    tpu.vector_store %arg4[%swap3A, %swap3A_13], %mul3A_12 {strides = array<i32>} : memref<2000x128xf32, #tpu.memory_space<vmem>>, vector<2000x128xf32>,
    %swap3A_15 = arith.constant 0 : index
    %swap3A_16 = arith.constant 0 : index
    %swap3A_17 = vector.load %arg5[%swap3A_15, %swap3A_16] : memref<2000x1xf32, #tpu.memory_space<vmem>>, vector<2000x1xf32>
    tpu.vector_store %arg5[%swap3A_15, %swap3A_16], %rsqrt3A {strides = array<i32>} : memref<2000x1xf32, #tpu.memory_space<vmem>>, vector<2000x1xf32>,
    return
  }
  func.func @transform_0(%arg0: i32) -> (i32, i32) {
    %c0_i32 = arith.constant 0 : i32
    %c0_i32_0 = arith.constant 0 : i32
    return %arg0, %c0_i32 : i32, i32
  }
  func.func @transform_1(%arg0: i32) -> (i32, i32) {
    %c0_i32 = arith.constant 0 : i32
    %c0_i32_0 = arith.constant 0 : i32
    return %arg0, %c0_i32 : i32, i32
  }
  func.func @transform_2(%arg0: i32) -> (i32, i32) {
    %c0_i32 = arith.constant 0 : i32
    %c0_i32_0 = arith.constant 0 : i32
    %c0_i32_1 = arith.constant 0 : i32
    return %c0_i32, %c0_i32_0 : i32, i32
  }
  func.func @transform_3(%arg0: i32) -> (i32, i32) {
    %c0_i32 = arith.constant 0 : i32
    %c0_i32_0 = arith.constant 0 : i32
    return %arg0, %c0_i32 : i32, i32
  }
  func.func @transform_4(%arg0: i32) -> (i32, i32) {
    %c0_i32 = arith.constant 0 : i32
    %c0_i32_0 = arith.constant 0 : i32
    return %arg0, %c0_i32 : i32, i32
  }
}

module attributes {stable_mosaic.version = 14 : i64} {
  func.func @_tc2_body(%arg0: i32, %arg1: memref<2000x1xf32, #tpu.memory_space<vmem>>, %arg2: memref<2x2000x128xf32, #tpu.memory_space<vmem>>, %arg3: memref<2000x128xf32, #tpu.memory_space<vmem>>, %arg4: memref<1x128xf32, #tpu.memory_space<vmem>>, %arg5: memref<128x128xf32, #tpu.memory_space<vmem>>, %arg6: memref<2000x128xf32, #tpu.memory_space<vmem>>) attributes {dimension_semantics = [#tpu.dimension_semantics<arbitrary>], iteration_bounds = array<i64: 5>, scalar_prefetch = 0 : i64, scratch_operands = 0 : i64, tpu.core_type = #tpu.core_type<tc>, window_params = [{transform_indices = @transform_0, window_bounds = array<i64: 2000, 1>}, {transform_indices = @transform_1, window_bounds = array<i64: 2, 2000, 128>}, {transform_indices = @transform_2, window_bounds = array<i64: 2000, 128>}, {pipeline_mode = #tpu.pipeline_mode<synchronous>, transform_indices = @transform_3, window_bounds = array<i64: 1, 128>}, {pipeline_mode = #tpu.pipeline_mode<synchronous>, transform_indices = @transform_4, window_bounds = array<i64: 128, 128>}, {transform_indices = @transform_5, window_bounds = array<i64: 2000, 128>}]} {
    %get3A = arith.constant 0 : index
    %get3A_0 = arith.constant 0 : index
    %get3A_1 = vector.load %arg1[%get3A, %get3A_0] : memref<2000x1xf32, #tpu.memory_space<vmem>>, vector<2000x1xf32>
    %get3A_2 = arith.constant 0 : index
    %get3A_3 = arith.constant 0 : index
    %get3A_4 = arith.constant 0 : index
    %get3A_5 = vector.load %arg2[%get3A_2, %get3A_3, %get3A_4] : memref<2x2000x128xf32, #tpu.memory_space<vmem>>, vector<1x2000x128xf32>
    %get3A_6 = vector.shape_cast %get3A_5 : vector<1x2000x128xf32> to vector<2000x128xf32>
    %get3A_7 = arith.constant 1 : index
    %get3A_8 = arith.constant 0 : index
    %get3A_9 = arith.constant 0 : index
    %get3A_10 = vector.load %arg2[%get3A_7, %get3A_8, %get3A_9] : memref<2x2000x128xf32, #tpu.memory_space<vmem>>, vector<1x2000x128xf32>
    %get3A_11 = vector.shape_cast %get3A_10 : vector<1x2000x128xf32> to vector<2000x128xf32>
    %add3A = arith.addf %get3A_6, %get3A_11 : vector<2000x128xf32>
    %get3A_12 = arith.constant 0 : index
    %get3A_13 = arith.constant 0 : index
    %get3A_14 = vector.load %arg3[%get3A_12, %get3A_13] : memref<2000x128xf32, #tpu.memory_space<vmem>>, vector<2000x128xf32>
    %add3A_15 = arith.addf %add3A, %get3A_14 : vector<2000x128xf32>
    %mul3A = vector.broadcast %get3A_1 : vector<2000x1xf32> to vector<2000x128xf32>
    %mul3A_16 = arith.mulf %add3A_15, %mul3A : vector<2000x128xf32>
    %get3A_17 = arith.constant 0 : index
    %get3A_18 = arith.constant 0 : index
    %get3A_19 = vector.load %arg4[%get3A_17, %get3A_18] : memref<1x128xf32, #tpu.memory_space<vmem>>, vector<1x128xf32>
    %add3A_20 = vector.broadcast %get3A_19 : vector<1x128xf32> to vector<2000x128xf32>
    %add3A_21 = arith.addf %mul3A_16, %add3A_20 : vector<2000x128xf32>
    %max3A = arith.constant 0.000000e+00 : f32
    %max3A_22 = vector.broadcast %max3A : f32 to vector<2000x128xf32>
    %max3A_23 = arith.maximumf %add3A_21, %max3A_22 : vector<2000x128xf32>
    %get3A_24 = arith.constant 0 : index
    %get3A_25 = arith.constant 0 : index
    %get3A_26 = vector.load %arg5[%get3A_24, %get3A_25] : memref<128x128xf32, #tpu.memory_space<vmem>>, vector<128x128xf32>
    %dot_general3A = arith.constant dense<0.000000e+00> : vector<2000x128xf32>
    %dot_general3A_27 = tpu.matmul %max3A_23, %get3A_26, %dot_general3A {dimension_numbers = #tpu.dot_dimension_numbers<[1], [0], [0], [1], [0, 0, 1, 1], [], []>, transpose_lhs_hint = false} : vector<2000x128xf32>, vector<128x128xf32>, vector<2000x128xf32> -> vector<2000x128xf32>
    %mul3A_28 = vector.broadcast %get3A_1 : vector<2000x1xf32> to vector<2000x128xf32>
    %mul3A_29 = arith.mulf %dot_general3A_27, %mul3A_28 : vector<2000x128xf32>
    %swap3A = arith.constant 0 : index
    %swap3A_30 = arith.constant 0 : index
    %swap3A_31 = vector.load %arg6[%swap3A, %swap3A_30] : memref<2000x128xf32, #tpu.memory_space<vmem>>, vector<2000x128xf32>
    tpu.vector_store %arg6[%swap3A, %swap3A_30], %mul3A_29 {strides = array<i32>} : memref<2000x128xf32, #tpu.memory_space<vmem>>, vector<2000x128xf32>,
    return
  }
  func.func @transform_0(%arg0: i32) -> (i32, i32) {
    %c0_i32 = arith.constant 0 : i32
    %c0_i32_0 = arith.constant 0 : i32
    return %arg0, %c0_i32 : i32, i32
  }
  func.func @transform_1(%arg0: i32) -> (i32, i32, i32) {
    %c0_i32 = arith.constant 0 : i32
    %c0_i32_0 = arith.constant 0 : i32
    %c0_i32_1 = arith.constant 0 : i32
    return %c0_i32, %arg0, %c0_i32_0 : i32, i32, i32
  }
  func.func @transform_2(%arg0: i32) -> (i32, i32) {
    %c0_i32 = arith.constant 0 : i32
    %c0_i32_0 = arith.constant 0 : i32
    return %arg0, %c0_i32 : i32, i32
  }
  func.func @transform_3(%arg0: i32) -> (i32, i32) {
    %c0_i32 = arith.constant 0 : i32
    %c0_i32_0 = arith.constant 0 : i32
    %c0_i32_1 = arith.constant 0 : i32
    return %c0_i32, %c0_i32_0 : i32, i32
  }
  func.func @transform_4(%arg0: i32) -> (i32, i32) {
    %c0_i32 = arith.constant 0 : i32
    %c0_i32_0 = arith.constant 0 : i32
    %c0_i32_1 = arith.constant 0 : i32
    return %c0_i32, %c0_i32_0 : i32, i32
  }
  func.func @transform_5(%arg0: i32) -> (i32, i32) {
    %c0_i32 = arith.constant 0 : i32
    %c0_i32_0 = arith.constant 0 : i32
    return %arg0, %c0_i32 : i32, i32
  }
}

module attributes {stable_mosaic.version = 14 : i64} {
  func.func @_tc3_body(%arg0: i32, %arg1: memref<2000x1xf32, #tpu.memory_space<vmem>>, %arg2: memref<2x2000x128xf32, #tpu.memory_space<vmem>>, %arg3: memref<2000x128xf32, #tpu.memory_space<vmem>>, %arg4: memref<1x128xf32, #tpu.memory_space<vmem>>, %arg5: memref<2000x128xf32, #tpu.memory_space<vmem>>) attributes {dimension_semantics = [#tpu.dimension_semantics<arbitrary>], iteration_bounds = array<i64: 5>, scalar_prefetch = 0 : i64, scratch_operands = 0 : i64, tpu.core_type = #tpu.core_type<tc>, window_params = [{transform_indices = @transform_0, window_bounds = array<i64: 2000, 1>}, {transform_indices = @transform_1, window_bounds = array<i64: 2, 2000, 128>}, {transform_indices = @transform_2, window_bounds = array<i64: 2000, 128>}, {pipeline_mode = #tpu.pipeline_mode<synchronous>, transform_indices = @transform_3, window_bounds = array<i64: 1, 128>}, {transform_indices = @transform_4, window_bounds = array<i64: 2000, 128>}]} {
    %get3A = arith.constant 0 : index
    %get3A_0 = arith.constant 0 : index
    %get3A_1 = arith.constant 0 : index
    %get3A_2 = vector.load %arg2[%get3A, %get3A_0, %get3A_1] : memref<2x2000x128xf32, #tpu.memory_space<vmem>>, vector<1x2000x128xf32>
    %get3A_3 = vector.shape_cast %get3A_2 : vector<1x2000x128xf32> to vector<2000x128xf32>
    %get3A_4 = arith.constant 1 : index
    %get3A_5 = arith.constant 0 : index
    %get3A_6 = arith.constant 0 : index
    %get3A_7 = vector.load %arg2[%get3A_4, %get3A_5, %get3A_6] : memref<2x2000x128xf32, #tpu.memory_space<vmem>>, vector<1x2000x128xf32>
    %get3A_8 = vector.shape_cast %get3A_7 : vector<1x2000x128xf32> to vector<2000x128xf32>
    %add3A = arith.addf %get3A_3, %get3A_8 : vector<2000x128xf32>
    %get3A_9 = arith.constant 0 : index
    %get3A_10 = arith.constant 0 : index
    %get3A_11 = vector.load %arg3[%get3A_9, %get3A_10] : memref<2000x128xf32, #tpu.memory_space<vmem>>, vector<2000x128xf32>
    %add3A_12 = arith.addf %add3A, %get3A_11 : vector<2000x128xf32>
    %get3A_13 = arith.constant 0 : index
    %get3A_14 = arith.constant 0 : index
    %get3A_15 = vector.load %arg1[%get3A_13, %get3A_14] : memref<2000x1xf32, #tpu.memory_space<vmem>>, vector<2000x1xf32>
    %mul3A = vector.broadcast %get3A_15 : vector<2000x1xf32> to vector<2000x128xf32>
    %mul3A_16 = arith.mulf %add3A_12, %mul3A : vector<2000x128xf32>
    %get3A_17 = arith.constant 0 : index
    %get3A_18 = arith.constant 0 : index
    %get3A_19 = vector.load %arg4[%get3A_17, %get3A_18] : memref<1x128xf32, #tpu.memory_space<vmem>>, vector<1x128xf32>
    %add3A_20 = vector.broadcast %get3A_19 : vector<1x128xf32> to vector<2000x128xf32>
    %add3A_21 = arith.addf %mul3A_16, %add3A_20 : vector<2000x128xf32>
    %reduce_max3A = arith.constant dense<0xFF800000> : vector<2000xf32>
    %reduce_max3A_22 = vector.multi_reduction <maximumf>, %add3A_21, %reduce_max3A [1] : vector<2000x128xf32> to vector<2000xf32>
    %broadcast_in_dim3A = vector.shape_cast %reduce_max3A_22 : vector<2000xf32> to vector<2000x1xf32>
    %sub3A = vector.broadcast %broadcast_in_dim3A : vector<2000x1xf32> to vector<2000x128xf32>
    %sub3A_23 = arith.subf %add3A_21, %sub3A : vector<2000x128xf32>
    %exp3A = math.exp %sub3A_23 : vector<2000x128xf32>
    %reduce_sum3A = arith.constant dense<0.000000e+00> : vector<2000xf32>
    %reduce_sum3A_24 = vector.multi_reduction <add>, %exp3A, %reduce_sum3A [1] : vector<2000x128xf32> to vector<2000xf32>
    %broadcast_in_dim3A_25 = vector.shape_cast %reduce_sum3A_24 : vector<2000xf32> to vector<2000x1xf32>
    %log3A = math.log %broadcast_in_dim3A_25 : vector<2000x1xf32>
    %sub3A_26 = vector.broadcast %log3A : vector<2000x1xf32> to vector<2000x128xf32>
    %sub3A_27 = arith.subf %sub3A_23, %sub3A_26 : vector<2000x128xf32>
    %swap3A = arith.constant 0 : index
    %swap3A_28 = arith.constant 0 : index
    %swap3A_29 = vector.load %arg5[%swap3A, %swap3A_28] : memref<2000x128xf32, #tpu.memory_space<vmem>>, vector<2000x128xf32>
    tpu.vector_store %arg5[%swap3A, %swap3A_28], %sub3A_27 {strides = array<i32>} : memref<2000x128xf32, #tpu.memory_space<vmem>>, vector<2000x128xf32>,
    return
  }
  func.func @transform_0(%arg0: i32) -> (i32, i32) {
    %c0_i32 = arith.constant 0 : i32
    %c0_i32_0 = arith.constant 0 : i32
    return %arg0, %c0_i32 : i32, i32
  }
  func.func @transform_1(%arg0: i32) -> (i32, i32, i32) {
    %c0_i32 = arith.constant 0 : i32
    %c0_i32_0 = arith.constant 0 : i32
    %c0_i32_1 = arith.constant 0 : i32
    return %c0_i32, %arg0, %c0_i32_0 : i32, i32, i32
  }
  func.func @transform_2(%arg0: i32) -> (i32, i32) {
    %c0_i32 = arith.constant 0 : i32
    %c0_i32_0 = arith.constant 0 : i32
    return %arg0, %c0_i32 : i32, i32
  }
  func.func @transform_3(%arg0: i32) -> (i32, i32) {
    %c0_i32 = arith.constant 0 : i32
    %c0_i32_0 = arith.constant 0 : i32
    %c0_i32_1 = arith.constant 0 : i32
    return %c0_i32, %c0_i32_0 : i32, i32
  }
  func.func @transform_4(%arg0: i32) -> (i32, i32) {
    %c0_i32 = arith.constant 0 : i32
    %c0_i32_0 = arith.constant 0 : i32
    return %arg0, %c0_i32 : i32, i32
  }
}

</mosaic_0001>

<sc_bundles>
// kernel: kernel.11.cloned.1.call-start
scs
__scs_entry_jumppad:
0x0: {  	(pc) =	sbr.rel $0x88, $3  }
0x1: {  	(tag) =	ssettag $0x0;
	lr =	simm.s32 $0x1  }
0x2: {  	[smem:$0x3F9B] =	sst lr;
	_ =	strace $0xD0000000  }
0x3: {  	_ = 	snop  }
0x4: {  	_ = 	snop  }
0x5: {  	_ = 	snop  }
0x6: {  	_ = 	snop  }
0x7: {  	_ = 	snop  }
__scs_overlays_trampoline_lowered:
0x8: {  	[smem:$0x3FAA] =	sst s0  }
0x9: {  	[smem:$0x3FAB] =	sst s1  }
0xa: {  	[smem:$0x3FAC] =	sst s2  }
0xb: {  	[smem:$0x3FAD] =	sst s3  }
0xc: {  	[smem:$0x3FAE] =	sst s4  }
0xd: {  	[smem:$0x3FAF] =	sst s5  }
0xe: {  	[smem:$0x3FB0] =	sst s6  }
0xf: {  	[smem:$0x3FB1] =	sst s7  }
0x10: {  	[smem:$0x3FB2] =	sst s8  }
0x11: {  	[smem:$0x3FB3] =	sst s9;
	s0 =	simm.s32 @!p0 $0x0  }
0x12: {  	s1 =	sld [smem:$0x3F99];
	s0 =	simm.s32 @p0 $0x1  }
0x13: {  	[smem:$0x3FB4] =	sst s0;
	s0 =	simm.s32 @!p1 $0x0  }
0x14: {  	s2 =	sld [smem:$0x3F98];
	s0 =	simm.s32 @p1 $0x1  }
0x15: {  	[smem:$0x3FB5] =	sst s0;
	s0 =	simm.s32 @!p2 $0x0  }
0x16: {  	s3 =	sld [smem:$0x3FDB];
	s0 =	simm.s32 @p2 $0x1  }
0x17: {  	s4 =	simm.s32 $0x1BF5;
	[smem:$0x3FB7] =	sst s0  }
0x18: {  	s0 =	sld [smem:$0x3F9A];
	_ =	swait.ge [sflag:s4], $0x0  }
0x19: {  	s7 =	sld [smem:$0x3F9B]  }
0x1a: {  	s8 =	sadd.s32 $0xFFFFE003, lr  }
0x1b: {  	s9 =	sadd.s32 $0xFFFFFEF7, lr;
	s5 =	simm.s32 $0xFFFFFFFF;
	p2 =	slt.u32 s8, $0xFFFFF086  }
0x1c: {  	p1 =	slt.u32 s9, $0xF7A;
	s5 =	simm.s32 @!p2 $0x0  }
0x1d: {  	s5 =	simm.s32 @p1 $0x1;
	p0 =	seq.s32 s7, s2  }
0x1e: {  	s7 =	smul.u32 @!p0 $0xF7A, s2;
	p2 =	seq.s32 @!p0 s5, $0x0  }
0x1f: {  	s9 =	smul.u32 $0xF7A, s1;
	s8 =	simm.s32 @!p0 $0x1BF5;
	p2 =	por !p2, p0  }
0x20: {  	[sflag:s8] =	ssyncset.s32 @!p0 $0xFFFFF086;
	s6 =	sadd.s32 @!p0 s3, s7;
	s7 =	simm.s32 @!p0 $0x108  }
0x21: {  	s3 =	sadd.s32 s3, s9;
	s6 =	sadd.s32 @!p0 $0x88, s6;
	s7 =	simm.s32 @p2 $0x1082  }
0x22: {  	[simem:s7], [sflag:s8] =	dma.local @!p0 [hbm:s6], $0xF7A  }
0x23: {  	s9 =	sor.u32 $0xD0000000, s2;
	s6 =	simm.s32 $0x108;
	_ =	swait.ge @!p0 [sflag:s8], $0x0  }
0x24: {  	s3 =	sadd.s32 $0x88, s3;
	s6 =	simm.s32 @!p1 $0x1082;
	[sflag:s4] =	ssyncset.s32 $0xFFFFF086  }
0x25: {  	[simem:s6], [sflag:s4] =	dma.local [hbm:s3], $0xF7A  }
0x26: {  	[smem:$0x3F9B] =	sst s1;
	(tag) =	ssettag s2;
	_ =	strace s9  }
0x27: {  	s1 =	sld [smem:$0x3FAB]  }
0x28: {  	s2 =	sld [smem:$0x3FAC]  }
0x29: {  	s4 =	sld [smem:$0x3FAE]  }
0x2a: {  	p0 =	seq.s32 s5, $0x0;
	s5 =	sld [smem:$0x3FAF]  }
0x2b: {  	s6 =	sld [smem:$0x3FB0]  }
0x2c: {  	s7 =	sld [smem:$0x3FB1]  }
0x2d: {  	s3 =	simm.s32 $0x108;
	s8 =	sld [smem:$0x3FB2]  }
0x2e: {  	s3 =	simm.s32 @!p0 $0x1082;
	s9 =	sld [smem:$0x3FB3]  }
0x2f: {  	lr =	sadd.s32 s0, s3;
	s0 =	sld [smem:$0x3FAA]  }
0x30: {  	s3 =	sld [smem:$0x3FAD]  }
0x31: {  	[smem:$0x3FB6] =	sst s10  }
0x32: {  	s10 =	sld [smem:$0x3FB4];
	_ =	sdelay $0x3  }
0x33: {  	p0 =	seq.s32 s10, $0x1;
	s10 =	sld [smem:$0x3FB6];
	_ =	sdelay $0x3  }
0x34: {  	[smem:$0x3FB6] =	sst s10  }
0x35: {  	s10 =	sld [smem:$0x3FB5];
	_ =	sdelay $0x3  }
0x36: {  	p1 =	seq.s32 s10, $0x1;
	s10 =	sld [smem:$0x3FB6];
	_ =	sdelay $0x3  }
0x37: {  	[smem:$0x3FB6] =	sst s10  }
0x38: {  	s10 =	sld [smem:$0x3FB7]  }
0x39: {  	_ = 	snop;
	(pc) =	sbr.ind lr, $3  }
0x3a: {  	_ = 	snop  }
0x3b: {  	_ = 	snop  }
0x3c: {  	p2 =	seq.s32 s10, $0x1;
	s10 =	sld [smem:$0x3FB6]  }
0x3d: {  	_ =	shalt  }
0x3e: {  	_ =	shalt  }
0x3f: {  	_ =	shalt  }
0x40: {  	_ =	shalt  }
0x41: {  	_ =	shalt  }
0x42: {  	_ =	shalt  }
0x43: {  	_ =	shalt  }
0x44: {  	_ =	shalt  }
0x45: {  	_ =	shalt  }
0x46: {  	_ =	shalt  }
0x47: {  	_ =	shalt  }
0x48: {  	_ =	shalt  }
0x49: {  	_ =	shalt  }
0x4a: {  	_ =	shalt  }
0x4b: {  	_ =	shalt  }
0x4c: {  	_ =	shalt  }
0x4d: {  	_ =	shalt  }
0x4e: {  	_ =	shalt  }
0x4f: {  	_ =	shalt  }
0x50: {  	_ =	shalt  }
0x51: {  	_ =	shalt  }
0x52: {  	_ =	shalt  }
0x53: {  	_ =	shalt  }
0x54: {  	_ =	shalt  }
0x55: {  	_ =	shalt  }
0x56: {  	_ =	shalt  }
0x57: {  	_ =	shalt  }
0x58: {  	_ =	shalt  }
0x59: {  	_ =	shalt  }
0x5a: {  	_ =	shalt  }
0x5b: {  	_ =	shalt  }
0x5c: {  	_ =	shalt  }
0x5d: {  	_ =	shalt  }
0x5e: {  	_ =	shalt  }
0x5f: {  	_ =	shalt  }
0x60: {  	_ =	shalt  }
0x61: {  	_ =	shalt  }
0x62: {  	_ =	shalt  }
0x63: {  	_ =	shalt  }
0x64: {  	_ =	shalt  }
0x65: {  	_ =	shalt  }
0x66: {  	_ =	shalt  }
0x67: {  	_ =	shalt  }
0x68: {  	_ =	shalt  }
0x69: {  	_ =	shalt  }
0x6a: {  	_ =	shalt  }
0x6b: {  	_ =	shalt  }
0x6c: {  	_ =	shalt  }
0x6d: {  	_ =	shalt  }
0x6e: {  	_ =	shalt  }
0x6f: {  	_ =	shalt  }
0x70: {  	_ =	shalt  }
0x71: {  	_ =	shalt  }
0x72: {  	_ =	shalt  }
0x73: {  	_ =	shalt  }
0x74: {  	_ =	shalt  }
0x75: {  	_ =	shalt  }
0x76: {  	_ =	shalt  }
0x77: {  	_ =	shalt  }
0x78: {  	_ =	shalt  }
0x79: {  	_ =	shalt  }
0x7a: {  	_ =	shalt  }
0x7b: {  	_ =	shalt  }
0x7c: {  	_ =	shalt  }
0x7d: {  	_ =	shalt  }
0x7e: {  	_ =	shalt  }
0x7f: {  	_ =	shalt  }
0x80: {  	_ =	shalt  }
0x81: {  	_ =	shalt  }
0x82: {  	_ =	shalt  }
0x83: {  	_ =	shalt  }
0x84: {  	_ =	shalt  }
0x85: {  	_ =	shalt  }
0x86: {  	_ =	shalt  }
0x87: {  	_ =	shalt  }
.Lfunc_end0:
.L_simem_size_0:
called_computation.1_lowered:
.L_overlay_start_0:
0x88: {  	s2 =	sld [smem:$0x3FD9]  }
0x89: {  	s3 =	sld [smem:$0x3FFE];
	_ =	sdelay $0x1  }
0x8a: {  	s1 =	srdreg.scid  }
0x8b: {  	s0 =	sand.u32 $0x1, s1  }
0x8c: {  	s17 =	sshll.u32 s0, $0xA;
	s2 =	sadd.s32 s3, s2  }
0x8d: {  	s2 =	sadd.s32 s2, s17  }
0x8e: {  	[smem:$0x3FC2] =	sst s2  }
0x8f: {  	_ = 	snop  }
0x90: {  	s2 =	sld [smem:$0x3FD0];
	(tm) =	ssettm $0x1  }
0x91: {  	s18 =	sld [smem:$0x3FFB];
	_ =	sdelay $0x3  }
0x92: {  	_ =	strace s18  }
0x93: {  	s3 =	sld [smem:$0x3FFC];
	_ =	sdelay $0x3  }
0x94: {  	_ =	strace s3  }
0x95: {  	s3 =	sld [smem:$0x3FFD];
	_ =	sdelay $0x3  }
0x96: {  	_ =	strace s3  }
0x97: {  	_ =	strace $0x8FFFFFFF  }
0x98: {  	s19 =	sld [smem:$0x3FDB];
	_ =	sdelay $0x1  }
0x99: {  	s4 =	simm.s32 $_scs_section_size  }
0x9a: {  	s5 =	simm.s32 $_size__tile_overlayer_lowered;
	s6 =	simm.s32 $_tile_overlayer_lowered  }
0x9b: {  	s22 =	simm.s32 $0x1BFF;
	s21 =	sshll.u32 s6, $0x1;
	s3 =	sadd.s32 s4, s19  }
0x9c: {  	s7 =	simm.s32 $0x0;
	s20 =	sshll.u32 s5, $0x1;
	s5 =	sadd.s32 s21, s3  }
0x9d: {  	[timem:s7], [sflag:s22] =	dma.local [hbm:s5], s20  }
0x9e: {  	_ =	swait.ge [sflag:s22], s20  }
0x9f: {  	s4 =	ssub.s32 $0x0, s20;
	[sflag:s22] =	ssyncset.done $0x0  }
0xa0: {  	[sflag:s22] =	ssyncadd.s32 s4;
	_ =	sdelay $0x1  }
0xa1: {  	s23 =	simm.s32 $0x1B8B  }
0xa2: {  	_ =	swait.ge [sflag:s23], $0x1  }
0xa3: {  	[sflag:s23] =	ssyncset.done $0x0  }
0xa4: {  	s25 =	simm.s32 $0x1B8E;
	s24 =	sld [smem:$0x3FFE];
	[sflag:s23] =	ssyncadd.s32 $0xFFFFFFFF  }
0xa5: {  	s26 =	simm.s32 $execute0_lowered;
	[smem:$0x3FD2] =	sst s25  }
0xa6: {  	s5 =	sshll.u32 s26, $0x1;
	_ =	strace $0x80000049;
	[dreg:$0x1] =	wrdreg $0xFFFFFFFF  }
0xa7: {  	s28 =	simm.s32 $_size_execute0_lowered;
	s3 =	sadd.s32 s3, s5;
	[dreg:$0x0] =	wrdreg $0x0  }
0xa8: {  	s5 =	sshll.u32 s28, $0x1;
	[dreg:$0x2] =	wrdreg s3  }
0xa9: {  	[dreg:$0x3] =	wrdreg s5  }
0xaa: {  	[dreg:$0x4] =	wrdreg $0xC0  }
0xab: {  	_ =	task [dreg:s7], $0x5FFFF  }
0xac: {  	[dreg:$0x1] =	wrdreg $0xFFFFFFFF  }
0xad: {  	[dreg:$0x0] =	wrdreg $0x60  }
0xae: {  	[dreg:$0x2] =	wrdreg s2  }
0xaf: {  	[dreg:$0x3] =	wrdreg s24  }
0xb0: {  	[dreg:$0x4] =	wrdreg $0xC6200  }
0xb1: {  	[dreg:$0x5] =	wrdreg $0x9  }
0xb2: {  	_ =	task.clear_ibuf [dreg:s7], $0x6FFFF;
	_ =	strace $0x90000049  }
0xb3: {  	s29 =	simm.s32 $0x9;
	_ =	strace $0x8000004B  }
0xb4: {  	_ =	swait.ge [sflag:s29], $0x1  }
0xb5: {  	[sflag:s29] =	ssyncadd.s32 $0xFFFFFFFF  }
0xb6: {  	_ =	strace $0x9000004B  }
0xb7: {  	_ =	sfence  }
0xb8: {  	s30 =	sld [smem:$0x0];
	_ =	sdelay $0x2  }
0xb9: {  	s31 =	sshll.u32 s1, $0xD;
	s1 =	sshrl.u32 s1, $0x2  }
0xba: {  	s3 =	sand.u32 $0x4000, s31;
	s1 =	sadd.s32 s1, s30  }
0xbb: {  	s0 =	sor.u32 s3, s0;
	s1 =	sshll.u32 s1, $0x11  }
0xbc: {  	s0 =	sor.u32 s1, s0  }
0xbd: {  	s0 =	sadd.s32 $0x8F2B, s0  }
0xbe: {  	[sflag:s0] =	ssyncadd.remote.s32 $0x1  }
0xbf: {  	_ =	sfence.sel $0xFFFF  }
0xc0: {  	[dreg:$0x0] =	wrdreg $0xFFFFFFFF;
	(pc) =	sbr.abs _section_cstart, $3  }
0xc1: {  	[dreg:$0x1] =	wrdreg $0xFFFFFFFF  }
0xc2: {  	_ =	task.clear_ibuf [dreg:s7], $0x2FFFF;
	_ =	strace $0x9FFFFFFF  }
0xc3: {  	(tm) =	ssettm $0x7FFFFFFF  }
tec
execute0_lowered:
.L_overlay_start_1:
0x0: {  	(tag) =	ssettag $0x1  }
0x1: {  	s0 =	srdreg.scid;
	s1 =	rddreg [dreg:$0x0]  }
0x2: {  	s7 =	stileid.u32;
	s4 =	rddreg [dreg:$0x1]  }
0x3: {  	s3 =	rddreg [dreg:$0x2];
	s6 =	simm.s32 $0x0;
	s17 =	simm.s32 $0x7  }
0x4: {  	s19 =	simm.s32 $0x9E20;
	s20 =	simm.s32 $0x50;
	s23 =	simm.s32 $0x6  }
0x5: {  	s0 =	sand.u32 $0x1, s0;
	s2 =	sshll.u32 s7, $0x1;
	s5 =	smul.u32 $0x13880, s7  }
0x6: {  	[smem:$0x7FF] =	sst s6;
	s7 =	smul.u32 $0x4E200, s7;
	s2 =	sor.u32 s0, s2  }
0x7: {  	s24 =	smul.u32 $0x138800, s0;
	_ =	strace $0x8000004A;
	s0 =	ssub.s32 $0x2, s0  }
0x8: {  	s2 =	smul.u32 $0x2710, s2;
	s25 =	sshrl.u32 s0, $0x1;
	s7 =	sshrl.u32 s7, $0x2  }
0x9: {  	s6 =	sadd.s32 s5, s24;
	s0 =	ssub.s32 s0, s25;
	s28 =	sadd.s32 s7, s3  }
0xa: {  	s7 =	sadd.s32 s5, s3;
	s24 =	simm.s32 $0x4;
	s25 =	simm.s32 $0x5  }
0xb: {  	s2 =	sshrl.u32 s2, $0x3;
	s6 =	sshrl.u32 s6, $0x3;
	s29 =	sadd.s32 $0x2800, s28  }
0xc: {  	s30 =	sadd.s32 $0x5000, s28;
	s31 =	sadd.s32 $0x7800, s28;
	s11 =	sadd.s32 $0xA000, s28  }
0xd: {  	s12 =	sadd.s32 $0xC800, s28;
	s13 =	sadd.s32 $0xF000, s28;
	[dreg:$0x6] =	wrdreg s29  }
0xe: {  	s14 =	sadd.s32 $0x11800, s28;
	s2 =	sadd.s32 s2, s4;
	[dreg:$0x7] =	wrdreg s30  }
0xf: {  	s16 =	smax.u32 s0, $0x1;
	[dreg:$0x8] =	wrdreg s31;
	s26 =	sadd.s32 $0x2800, s2  }
0x10: {  	s4 =	sadd.s32 s6, s4;
	s2 =	sadd.s32 $0xC440, s2;
	[dreg:$0x4] =	wrdreg s26  }
0x11: {  	v0 =	vimm.f32 $0.0e+00;
	s15 =	sadd.s32 $0x16200, s4;
	[dreg:$0x5] =	wrdreg s2;
	s26 =	simm.s32 $0x0  }
.LBB2_1:
0x12: {  	s0 =	simm.s32 $0x0;
	s2 =	rddreg [dreg:$0x4]  }
0x13: {  	[tilespmem:s0], [sflag:$0x7] =	stream.linear.gather [hbm4b:s2+s0], $0x2710, $0x38;
	[tilespmem:$0x1FEA0] =	vst v63  }
0x14: {  	_ =	swait.ge [sflag:s17], $0x2710  }
0x15: {  	[sflag:s17] =	ssyncset.done $0x0  }
0x16: {  	s4 =	simm.s32 $0x2710;
	s31 =	rddreg [dreg:$0x5];
	[sflag:s17] =	ssyncadd.s32 $0xFFFFD8F0  }
0x17: {  	[tilespmem:s4], [sflag:$0x7] =	stream.linear.gather [hbm4b:s31+s0], $0x2710, $0x38;
	[tilespmem:$0x1FEA0] =	vst v63  }
0x18: {  	_ =	swait.ge [sflag:s17], $0x2710  }
0x19: {  	[sflag:s17] =	ssyncset.done $0x0  }
0x1a: {  	s2 =	simm.s32 $0x200;
	s0 =	simm.s32 $0x0;
	[sflag:s17] =	ssyncadd.s32 $0xFFFFD8F0  }
.LBB2_2:
0x1b: {  	p0 =	sne.s32 s2, $0x9E00;
	[tilespmem:s0+$0x9E90] =	vst v0  }
0x1c: {  	[tilespmem:s0+$0x9E20] =	vst v0  }
0x1d: {  	[tilespmem:s0+$0x9E30] =	vst v0  }
.Ltmp0:
0x1e: {  	[tilespmem:s0+$0x9E40] =	vst v0;
	(pc) =	sbr.rel @p0 .LBB2_2-.Ltmp0, $4  }
0x1f: {  	[tilespmem:s0+$0x9E50] =	vst v0  }
0x20: {  	[tilespmem:s0+$0x9E60] =	vst v0  }
0x21: {  	[tilespmem:s0+$0x9E70] =	vst v0  }
0x22: {  	[tilespmem:s0+$0x9E80] =	vst v0;
	s0 =	sshra.s32 s2, $0x2;
	s2 =	sadd.s32 $0x200, s2  }
0x23: {  	[tilespmem:s0+$0x9E90] =	vst v0  }
0x24: {  	[tilespmem:s0+$0x9E20] =	vst v0  }
0x25: {  	[tilespmem:s0+$0x9E30] =	vst v0  }
0x26: {  	[tilespmem:s0+$0x9E40] =	vst v0  }
0x27: {  	[tilespmem:s0+$0x9E50] =	vst v0  }
0x28: {  	[tilespmem:s0+$0x9E60] =	vst v0  }
0x29: {  	[tilespmem:s0+$0x9E70] =	vst v0  }
0x2a: {  	[tilespmem:s0+$0x9E80] =	vst v0  }
0x2b: {  	[spmem:s7] =	stream.linear.scatter [tilespmem:s19], [sflag:$0x6], $0x2800, $0x38;
	[tilespmem:$0x1FEA0] =	vst v63  }
0x2c: {  	s22 =	rddreg [dreg:$0x6]  }
0x2d: {  	[spmem:s22] =	stream.linear.scatter [tilespmem:s19], [sflag:$0x6], $0x2800, $0x38;
	[tilespmem:$0x1FEA0] =	vst v63  }
0x2e: {  	s2 =	rddreg [dreg:$0x7]  }
0x2f: {  	[spmem:s2] =	stream.linear.scatter [tilespmem:s19], [sflag:$0x6], $0x2800, $0x38;
	[tilespmem:$0x1FEA0] =	vst v63  }
0x30: {  	s4 =	rddreg [dreg:$0x8]  }
0x31: {  	[spmem:s4] =	stream.linear.scatter [tilespmem:s19], [sflag:$0x6], $0x2800, $0x38;
	[tilespmem:$0x1FEA0] =	vst v63  }
0x32: {  	_ = 	snop  }
0x33: {  	[spmem:s11] =	stream.linear.scatter [tilespmem:s19], [sflag:$0x6], $0x2800, $0x38;
	[tilespmem:$0x1FEA0] =	vst v63  }
0x34: {  	_ = 	snop  }
0x35: {  	[spmem:s12] =	stream.linear.scatter [tilespmem:s19], [sflag:$0x6], $0x2800, $0x38;
	[tilespmem:$0x1FEA0] =	vst v63  }
0x36: {  	_ = 	snop  }
0x37: {  	[spmem:s13] =	stream.linear.scatter [tilespmem:s19], [sflag:$0x6], $0x2800, $0x38;
	[tilespmem:$0x1FEA0] =	vst v63  }
0x38: {  	_ = 	snop  }
0x39: {  	[spmem:s14] =	stream.linear.scatter [tilespmem:s19], [sflag:$0x6], $0x2080, $0x38;
	[tilespmem:$0x1FEA0] =	vst v63  }
0x3a: {  	s5 =	simm.s32 $0x0;
	s2 =	simm.s32 $0x4E20  }
0x3b: {  	[tilespmem:s2], [sflag:$0x1] =	stream.indirect.gather [hbm4b:s1+s20], $0x80, s5, s20, $0xb8;
	[tilespmem:$0x1FEA0] =	vst v63  }
0x3c: {  	s6 =	simm.s32 $0x7620  }
0x3d: {  	[tilespmem:s6], [sflag:$0x2] =	stream.indirect.gather [hbm4b:s1+s20], $0x80, s20, s20, $0xb8;
	[tilespmem:$0x1FEA0] =	vst v63  }
0x3e: {  	_ =	swait.ge [sflag:s23], $0x2800  }
0x3f: {  	[sflag:s23] =	ssyncset.done $0x0  }
0x40: {  	[sflag:s23] =	ssyncadd.s32 $0xFFFFD800  }
0x41: {  	_ =	swait.ge [sflag:s23], $0x2800  }
0x42: {  	[sflag:s23] =	ssyncset.done $0x0  }
0x43: {  	[sflag:s23] =	ssyncadd.s32 $0xFFFFD800  }
0x44: {  	_ =	swait.ge [sflag:s23], $0x2800  }
0x45: {  	[sflag:s23] =	ssyncset.done $0x0  }
0x46: {  	[sflag:s23] =	ssyncadd.s32 $0xFFFFD800  }
0x47: {  	s29 =	simm.s32 $0xA0;
	s28 =	simm.s32 $0x1;
	_ =	swait.ge [sflag:s23], $0x2800  }
0x48: {  	p0 =	por $0x0, $0x0;
	s0 =	smul.u32 $0xAB, s5;
	[sflag:s23] =	ssyncset.done $0x0  }
0x49: {  	s31 =	simm.s32 $0x2760;
	p2 =	por $0x0, $0x0;
	[sflag:s23] =	ssyncadd.s32 $0xFFFFD800  }
0x4a: {  	s8 =	sadd.s32 $0x156, s0;
	s0 =	sshrl.u32 s0, $0x9;
	_ =	swait.ge [sflag:s23], $0x2800  }
0x4b: {  	s30 =	smul.u32 $0xAB, s28;
	s0 =	sand.u32 $0x7F, s0;
	[sflag:s23] =	ssyncset.done $0x0  }
0x4c: {  	s0 =	smul.u32 $0x3, s0;
	s2 =	sshrl.u32 s8, $0x9;
	[sflag:s23] =	ssyncadd.s32 $0xFFFFD800  }
0x4d: {  	p1 =	por @!p0 $0x1, $0x1;
	s2 =	sand.u32 $0x7F, s2;
	_ =	swait.ge [sflag:s23], $0x2800  }
0x4e: {  	s18 =	ssub.s32 $0x0, s0;
	s2 =	smul.u32 $0x3, s2;
	[sflag:s23] =	ssyncset.done $0x0  }
0x4f: {  	s4 =	simm.s32 $0x2710;
	s21 =	sand.u32 $0xFF, s18;
	[sflag:s23] =	ssyncadd.s32 $0xFFFFD800  }
0x50: {  	s18 =	simm.s32 $0x2;
	s2 =	ssub.s32 $0x0, s2;
	_ =	swait.ge [sflag:s23], $0x2800  }
0x51: {  	s10 =	sadd.s32 $0x1, s21;
	s2 =	sadd.s32 $0x2, s2;
	[sflag:s23] =	ssyncset.done $0x0  }
0x52: {  	s6 =	sadd.s32 $0x156, s30;
	s2 =	sand.u32 $0xFF, s2;
	[sflag:s23] =	ssyncadd.s32 $0xFFFFD800  }
0x53: {  	s6 =	sshrl.u32 s6, $0x9;
	s5 =	smul.u32 @!p0 $0xA000, s2;
	_ =	swait.ge [sflag:s23], $0x2080  }
0x54: {  	s22 =	smul.u32 $0xA000, s21;
	s9 =	sand.u32 $0x7F, s6;
	[sflag:s23] =	ssyncset.done $0x0  }
0x55: {  	s8 =	sshrl.u32 @!p0 s5, $0x2;
	s5 =	smul.u32 $0x3, s9;
	[sflag:s23] =	ssyncadd.s32 $0xFFFFDF80  }
0x56: {  	s22 =	sshrl.u32 s22, $0x2;
	s0 =	sadd.s32 @!p0 $0x1, s2;
	[bflag:$0x0] =	sbarrier.arrive $0xFFFF  }
0x57: {  	p0 =	por p0, p0;
	s5 =	ssub.s32 $0x1, s5;
	_ =	swait.ge [sflag:s10], $0x2800  }
0x58: {  	p3 =	por p1, p0;
	s5 =	sadd.s32 $0x2, s5;
	[sflag:s10] =	ssyncset.done $0x0  }
0x59: {  	[sflag:s10] =	ssyncadd.s32 $0xFFFFD800;
	s10 =	sadd.s32 $0x4E20, s22;
	s22 =	sor.u32 $0x4, s21  }
0x5a: {  	[spmem:s3] =	stream.indirect.scatter.add.f32 [tilespmem:s10], [sflag:s22], $0x80, s4, s20, $0xb8;
	[tilespmem:$0x1FEA0] =	vst v63  }
0x5b: {  	p1 =	por @!p2 $0x0, $0x0;
	s9 =	sadd.s32 @!p3 $0x4, s2;
	s22 =	sand.u32 $0xFF, s5  }
0x5c: {  	s2 =	simm.s32 $0xF0;
	_ =	swait.ge @!p3 [sflag:s9], $0x2800;
	s6 =	smul.u32 @!p2 $0xA000, s22  }
0x5d: {  	s5 =	simm.s32 @!p0 $0x50;
	s4 =	sadd.s32 @!p2 $0x1, s22;
	[sflag:s9] =	ssyncset.done @!p3 $0x0  }
0x5e: {  	[sflag:s9] =	ssyncadd.s32 @!p3 $0xFFFFD800;
	s21 =	sshrl.u32 @!p2 s6, $0x2;
	s6 =	sadd.s32 @!p0 $0x4E20, s8  }
.LBB2_4:
0x5f: {  	[tilespmem:s6], [sflag:s0] =	stream.indirect.gather @!p0 [hbm4b:s1+s5], $0x80, s29, s5, $0xb8;
	[tilespmem:$0x1FEA0] =	vst v63  }
0x60: {  	s5 =	smov.u32 s28  }
0x61: {  	s28 =	smov.u32 s18;
	s6 =	smov.u32 s31;
	p0 =	por p2, p2  }
0x62: {  	s18 =	sadd.s32 $0x1, s18;
	s29 =	smov.u32 s2;
	s8 =	smul.u32 $0xAB, s28  }
0x63: {  	s9 =	sshrl.u32 s30, $0x9;
	s0 =	smov.u32 s4;
	p3 =	sne.s32 s18, $0x7D  }
0x64: {  	s9 =	sand.u32 $0x7F, s9;
	s4 =	sadd.s32 $0x156, s8;
	s30 =	smov.u32 s8  }
0x65: {  	s8 =	smul.u32 $0x3, s9;
	s4 =	sshrl.u32 s4, $0x9  }
0x66: {  	s31 =	sadd.s32 $0x50, s31;
	s2 =	sadd.s32 $0x50, s2;
	s4 =	sand.u32 $0x7F, s4  }
0x67: {  	p4 =	por p1, p0;
	s5 =	ssub.s32 s5, s8;
	s4 =	smul.u32 $0x3, s4  }
0x68: {  	p2 =	sgt.u32 s28, $0x7A;
	s10 =	sadd.s32 @!p4 $0x4, s22;
	s5 =	sand.u32 $0xFF, s5  }
0x69: {  	s8 =	sadd.s32 $0x1, s5;
	s9 =	smul.u32 $0xA000, s5;
	s4 =	ssub.s32 s28, s4  }
0x6a: {  	s5 =	sor.u32 $0x4, s5;
	s4 =	sadd.s32 $0x2, s4;
	_ =	swait.ge [sflag:s8], $0x2800  }
0x6b: {  	s22 =	sand.u32 $0xFF, s4;
	s4 =	sshrl.u32 s9, $0x2;
	[sflag:s8] =	ssyncset.done $0x0  }
.Ltmp1:
0x6c: {  	s4 =	sadd.s32 $0x4E20, s4;
	[sflag:s8] =	ssyncadd.s32 $0xFFFFD800;
	(pc) =	sbr.rel @p3 .LBB2_4-.Ltmp1, $4  }
0x6d: {  	[spmem:s3] =	stream.indirect.scatter.add.f32 [tilespmem:s4], [sflag:s5], $0x80, s6, s20, $0xb8;
	[tilespmem:$0x1FEA0] =	vst v63  }
0x6e: {  	p1 =	seq.s32 @!p2 s28, $0x0;
	s8 =	smul.u32 @!p2 $0xA000, s22;
	_ =	swait.ge @!p4 [sflag:s10], $0x2800  }
0x6f: {  	s4 =	sadd.s32 @!p2 $0x1, s22;
	s5 =	simm.s32 @!p0 $0x50;
	[sflag:s10] =	ssyncset.done @!p4 $0x0  }
0x70: {  	s6 =	sadd.s32 @!p0 $0x4E20, s21;
	s21 =	sshrl.u32 @!p2 s8, $0x2;
	[sflag:s10] =	ssyncadd.s32 @!p4 $0xFFFFD800  }
0x71: {  	s8 =	sshrl.u32 s30, $0x9  }
0x72: {  	s8 =	sand.u32 $0x7F, s8  }
0x73: {  	s8 =	smul.u32 $0x3, s8  }
0x74: {  	[tilespmem:s6], [sflag:s0] =	stream.indirect.gather @!p0 [hbm4b:s1+s5], $0x80, s29, s5, $0xb8;
	[tilespmem:$0x1FEA0] =	vst v63  }
0x75: {  	s18 =	ssub.s32 s28, s8  }
0x76: {  	s0 =	sand.u32 $0xFF, s18  }
0x77: {  	p0 =	por p2, p2;
	s28 =	sadd.s32 $0x1, s0;
	s29 =	smul.u32 $0xA000, s0  }
0x78: {  	p1 =	por p1, p0;
	_ =	swait.ge [sflag:s28], $0x2800  }
0x79: {  	s8 =	sadd.s32 @!p1 $0x4, s22;
	s6 =	sshrl.u32 s29, $0x2;
	[sflag:s28] =	ssyncset.done $0x0  }
0x7a: {  	s0 =	sor.u32 $0x4, s0;
	s6 =	sadd.s32 $0x4E20, s6;
	[sflag:s28] =	ssyncadd.s32 $0xFFFFD800  }
0x7b: {  	[spmem:s3] =	stream.indirect.scatter.add.f32 [tilespmem:s6], [sflag:s0], $0x80, s31, s20, $0xb8;
	[tilespmem:$0x1FEA0] =	vst v63  }
0x7c: {  	_ =	swait.ge @!p1 [sflag:s8], $0x2800  }
0x7d: {  	[sflag:s8] =	ssyncset.done @!p1 $0x0  }
0x7e: {  	s5 =	sadd.s32 @!p0 $0x4E20, s21;
	s0 =	simm.s32 @!p0 $0x50;
	[sflag:s8] =	ssyncadd.s32 @!p1 $0xFFFFD800  }
0x7f: {  	[tilespmem:s5], [sflag:s4] =	stream.indirect.gather @!p0 [hbm4b:s1+s0], $0x80, s2, s0, $0xb8;
	[tilespmem:$0x1FEA0] =	vst v63  }
0x80: {  	_ =	swait.ge [sflag:s24], $0x2800  }
0x81: {  	[sflag:s24] =	ssyncset.done $0x0  }
0x82: {  	[sflag:s24] =	ssyncadd.s32 $0xFFFFD800  }
0x83: {  	_ =	swait.ge [sflag:s25], $0x2800  }
0x84: {  	[sflag:s25] =	ssyncset.done $0x0  }
0x85: {  	[sflag:s25] =	ssyncadd.s32 $0xFFFFD800  }
0x86: {  	s30 =	stileid.u32;
	_ =	swait.ge [sflag:s23], $0x2800  }
0x87: {  	s26 =	sadd.s32 $0x1, s26;
	s31 =	sshrl.u32 s7, $0x3;
	[sflag:s23] =	ssyncset.done $0x0  }
0x88: {  	s0 =	sshll.u32 s30, $0x6;
	p0 =	sne.s32 s26, s16;
	[sflag:s23] =	ssyncadd.s32 $0xFFFFD800  }
.Ltmp2:
0x89: {  	s0 =	sor.u32 $0x1C07, s0;
	[bflag:$0x0] =	sbarrier.arrive $0xFFFF;
	(pc) =	sbr.rel @p0 .LBB2_1-.Ltmp2, $4  }
0x8a: {  	[hbm:s15], [sflag:s0] =	dma.local [spmem:s31], $0x2710  }
0x8b: {  	_ =	swait.ge [sflag:s17], $0x2710  }
0x8c: {  	[sflag:s17] =	ssyncset.done $0x0  }
0x8d: {  	[sflag:s17] =	ssyncadd.s32 $0xFFFFD8F0  }
0x8e: {  	_ =	sfence.sel $0x180000  }
0x8f: {  	[bflag:$0x0] =	sbarrier.arrive $0xFFFF  }
0x90: {  	_ =	strace $0x9000004A  }
0x91: {  	s0 =	stileid.u32;
	[bflag:$0x2] =	sbarrier.arrive $0xFFFF  }
0x92: {  	p0 =	sne.s32 s0, $0x0;
	s0 =	rddreg [dreg:$0x3]  }
0x93: {  	s0 =	sadd.s32 @!p0 $0x100000, s0  }
0x94: {  	[sflag:s0] =	ssyncadd.tile.s32 @!p0 $0x1;
	_ =	shalt  }
.Lfunc_end2:
_tile_overlayer_lowered:
.L_overlay_start_2:
0x95: {  	(tag) =	ssettag $0x2  }
0x96: {  	s0 =	rddreg [dreg:$0x0];
	s2 =	stileid.u32  }
0x97: {  	s1 =	rddreg [dreg:$0x1];
	p0 =	sne.s32 s2, $0x0  }
0x98: {  	s3 =	rddreg [dreg:$0x2];
	[bflag:$0x3] =	sbarrier.arrive $0xFFFF;
	s2 =	simm.s32 @!p0 $0x1C07  }
0x99: {  	[timem:s3], [sflag:s2] =	dma.local @!p0 [hbm:s0], s1  }
0x9a: {  	s0 =	simm.s32 @!p0 $0x7  }
0x9b: {  	_ =	swait.ge @!p0 [sflag:s0], s1  }
0x9c: {  	s1 =	ssub.s32 @!p0 $0x0, s1;
	[sflag:s0] =	ssyncset.done @!p0 $0x0  }
0x9d: {  	[sflag:s0] =	ssyncadd.s32 @!p0 s1  }
0x9e: {  	[bflag:$0x3] =	sbarrier.arrive $0xFFFF  }
0x9f: {  	_ =	shalt  }

// kernel: kernel.14.cloned.1.call-start
scs
__scs_entry_jumppad:
0x0: {  	(pc) =	sbr.rel $0x88, $3  }
0x1: {  	(tag) =	ssettag $0x0;
	lr =	simm.s32 $0x1  }
0x2: {  	[smem:$0x3F9B] =	sst lr;
	_ =	strace $0xD0000000  }
0x3: {  	_ = 	snop  }
0x4: {  	_ = 	snop  }
0x5: {  	_ = 	snop  }
0x6: {  	_ = 	snop  }
0x7: {  	_ = 	snop  }
__scs_overlays_trampoline_lowered:
0x8: {  	[smem:$0x3FAA] =	sst s0  }
0x9: {  	[smem:$0x3FAB] =	sst s1  }
0xa: {  	[smem:$0x3FAC] =	sst s2  }
0xb: {  	[smem:$0x3FAD] =	sst s3  }
0xc: {  	[smem:$0x3FAE] =	sst s4  }
0xd: {  	[smem:$0x3FAF] =	sst s5  }
0xe: {  	[smem:$0x3FB0] =	sst s6  }
0xf: {  	[smem:$0x3FB1] =	sst s7  }
0x10: {  	[smem:$0x3FB2] =	sst s8  }
0x11: {  	[smem:$0x3FB3] =	sst s9;
	s0 =	simm.s32 @!p0 $0x0  }
0x12: {  	s1 =	sld [smem:$0x3F99];
	s0 =	simm.s32 @p0 $0x1  }
0x13: {  	[smem:$0x3FB4] =	sst s0;
	s0 =	simm.s32 @!p1 $0x0  }
0x14: {  	s2 =	sld [smem:$0x3F98];
	s0 =	simm.s32 @p1 $0x1  }
0x15: {  	[smem:$0x3FB5] =	sst s0;
	s0 =	simm.s32 @!p2 $0x0  }
0x16: {  	s3 =	sld [smem:$0x3FDB];
	s0 =	simm.s32 @p2 $0x1  }
0x17: {  	s4 =	simm.s32 $0x1BF5;
	[smem:$0x3FB7] =	sst s0  }
0x18: {  	s0 =	sld [smem:$0x3F9A];
	_ =	swait.ge [sflag:s4], $0x0  }
0x19: {  	s7 =	sld [smem:$0x3F9B]  }
0x1a: {  	s8 =	sadd.s32 $0xFFFFE003, lr  }
0x1b: {  	s9 =	sadd.s32 $0xFFFFFEF7, lr;
	s5 =	simm.s32 $0xFFFFFFFF;
	p2 =	slt.u32 s8, $0xFFFFF086  }
0x1c: {  	p1 =	slt.u32 s9, $0xF7A;
	s5 =	simm.s32 @!p2 $0x0  }
0x1d: {  	s5 =	simm.s32 @p1 $0x1;
	p0 =	seq.s32 s7, s2  }
0x1e: {  	s7 =	smul.u32 @!p0 $0xF7A, s2;
	p2 =	seq.s32 @!p0 s5, $0x0  }
0x1f: {  	s9 =	smul.u32 $0xF7A, s1;
	s8 =	simm.s32 @!p0 $0x1BF5;
	p2 =	por !p2, p0  }
0x20: {  	[sflag:s8] =	ssyncset.s32 @!p0 $0xFFFFF086;
	s6 =	sadd.s32 @!p0 s3, s7;
	s7 =	simm.s32 @!p0 $0x108  }
0x21: {  	s3 =	sadd.s32 s3, s9;
	s6 =	sadd.s32 @!p0 $0x88, s6;
	s7 =	simm.s32 @p2 $0x1082  }
0x22: {  	[simem:s7], [sflag:s8] =	dma.local @!p0 [hbm:s6], $0xF7A  }
0x23: {  	s9 =	sor.u32 $0xD0000000, s2;
	s6 =	simm.s32 $0x108;
	_ =	swait.ge @!p0 [sflag:s8], $0x0  }
0x24: {  	s3 =	sadd.s32 $0x88, s3;
	s6 =	simm.s32 @!p1 $0x1082;
	[sflag:s4] =	ssyncset.s32 $0xFFFFF086  }
0x25: {  	[simem:s6], [sflag:s4] =	dma.local [hbm:s3], $0xF7A  }
0x26: {  	[smem:$0x3F9B] =	sst s1;
	(tag) =	ssettag s2;
	_ =	strace s9  }
0x27: {  	s1 =	sld [smem:$0x3FAB]  }
0x28: {  	s2 =	sld [smem:$0x3FAC]  }
0x29: {  	s4 =	sld [smem:$0x3FAE]  }
0x2a: {  	p0 =	seq.s32 s5, $0x0;
	s5 =	sld [smem:$0x3FAF]  }
0x2b: {  	s6 =	sld [smem:$0x3FB0]  }
0x2c: {  	s7 =	sld [smem:$0x3FB1]  }
0x2d: {  	s3 =	simm.s32 $0x108;
	s8 =	sld [smem:$0x3FB2]  }
0x2e: {  	s3 =	simm.s32 @!p0 $0x1082;
	s9 =	sld [smem:$0x3FB3]  }
0x2f: {  	lr =	sadd.s32 s0, s3;
	s0 =	sld [smem:$0x3FAA]  }
0x30: {  	s3 =	sld [smem:$0x3FAD]  }
0x31: {  	[smem:$0x3FB6] =	sst s10  }
0x32: {  	s10 =	sld [smem:$0x3FB4];
	_ =	sdelay $0x3  }
0x33: {  	p0 =	seq.s32 s10, $0x1;
	s10 =	sld [smem:$0x3FB6];
	_ =	sdelay $0x3  }
0x34: {  	[smem:$0x3FB6] =	sst s10  }
0x35: {  	s10 =	sld [smem:$0x3FB5];
	_ =	sdelay $0x3  }
0x36: {  	p1 =	seq.s32 s10, $0x1;
	s10 =	sld [smem:$0x3FB6];
	_ =	sdelay $0x3  }
0x37: {  	[smem:$0x3FB6] =	sst s10  }
0x38: {  	s10 =	sld [smem:$0x3FB7]  }
0x39: {  	_ = 	snop;
	(pc) =	sbr.ind lr, $3  }
0x3a: {  	_ = 	snop  }
0x3b: {  	_ = 	snop  }
0x3c: {  	p2 =	seq.s32 s10, $0x1;
	s10 =	sld [smem:$0x3FB6]  }
0x3d: {  	_ =	shalt  }
0x3e: {  	_ =	shalt  }
0x3f: {  	_ =	shalt  }
0x40: {  	_ =	shalt  }
0x41: {  	_ =	shalt  }
0x42: {  	_ =	shalt  }
0x43: {  	_ =	shalt  }
0x44: {  	_ =	shalt  }
0x45: {  	_ =	shalt  }
0x46: {  	_ =	shalt  }
0x47: {  	_ =	shalt  }
0x48: {  	_ =	shalt  }
0x49: {  	_ =	shalt  }
0x4a: {  	_ =	shalt  }
0x4b: {  	_ =	shalt  }
0x4c: {  	_ =	shalt  }
0x4d: {  	_ =	shalt  }
0x4e: {  	_ =	shalt  }
0x4f: {  	_ =	shalt  }
0x50: {  	_ =	shalt  }
0x51: {  	_ =	shalt  }
0x52: {  	_ =	shalt  }
0x53: {  	_ =	shalt  }
0x54: {  	_ =	shalt  }
0x55: {  	_ =	shalt  }
0x56: {  	_ =	shalt  }
0x57: {  	_ =	shalt  }
0x58: {  	_ =	shalt  }
0x59: {  	_ =	shalt  }
0x5a: {  	_ =	shalt  }
0x5b: {  	_ =	shalt  }
0x5c: {  	_ =	shalt  }
0x5d: {  	_ =	shalt  }
0x5e: {  	_ =	shalt  }
0x5f: {  	_ =	shalt  }
0x60: {  	_ =	shalt  }
0x61: {  	_ =	shalt  }
0x62: {  	_ =	shalt  }
0x63: {  	_ =	shalt  }
0x64: {  	_ =	shalt  }
0x65: {  	_ =	shalt  }
0x66: {  	_ =	shalt  }
0x67: {  	_ =	shalt  }
0x68: {  	_ =	shalt  }
0x69: {  	_ =	shalt  }
0x6a: {  	_ =	shalt  }
0x6b: {  	_ =	shalt  }
0x6c: {  	_ =	shalt  }
0x6d: {  	_ =	shalt  }
0x6e: {  	_ =	shalt  }
0x6f: {  	_ =	shalt  }
0x70: {  	_ =	shalt  }
0x71: {  	_ =	shalt  }
0x72: {  	_ =	shalt  }
0x73: {  	_ =	shalt  }
0x74: {  	_ =	shalt  }
0x75: {  	_ =	shalt  }
0x76: {  	_ =	shalt  }
0x77: {  	_ =	shalt  }
0x78: {  	_ =	shalt  }
0x79: {  	_ =	shalt  }
0x7a: {  	_ =	shalt  }
0x7b: {  	_ =	shalt  }
0x7c: {  	_ =	shalt  }
0x7d: {  	_ =	shalt  }
0x7e: {  	_ =	shalt  }
0x7f: {  	_ =	shalt  }
0x80: {  	_ =	shalt  }
0x81: {  	_ =	shalt  }
0x82: {  	_ =	shalt  }
0x83: {  	_ =	shalt  }
0x84: {  	_ =	shalt  }
0x85: {  	_ =	shalt  }
0x86: {  	_ =	shalt  }
0x87: {  	_ =	shalt  }
.Lfunc_end0:
.L_simem_size_0:
called_computation.2_lowered:
.L_overlay_start_0:
0x88: {  	s2 =	sld [smem:$0x3FD9]  }
0x89: {  	s3 =	sld [smem:$0x3FFE];
	_ =	sdelay $0x1  }
0x8a: {  	s1 =	srdreg.scid  }
0x8b: {  	s0 =	sand.u32 $0x1, s1  }
0x8c: {  	s17 =	sshll.u32 s0, $0xA;
	s2 =	sadd.s32 s3, s2  }
0x8d: {  	s2 =	sadd.s32 s2, s17  }
0x8e: {  	[smem:$0x3FC2] =	sst s2  }
0x8f: {  	_ = 	snop  }
0x90: {  	s2 =	sld [smem:$0x3FD0];
	(tm) =	ssettm $0x1  }
0x91: {  	s18 =	sld [smem:$0x3FFB];
	_ =	sdelay $0x3  }
0x92: {  	_ =	strace s18  }
0x93: {  	s3 =	sld [smem:$0x3FFC];
	_ =	sdelay $0x3  }
0x94: {  	_ =	strace s3  }
0x95: {  	s3 =	sld [smem:$0x3FFD];
	_ =	sdelay $0x3  }
0x96: {  	_ =	strace s3  }
0x97: {  	_ =	strace $0x8FFFFFFF  }
0x98: {  	s19 =	sld [smem:$0x3FDB];
	_ =	sdelay $0x1  }
0x99: {  	s4 =	simm.s32 $_scs_section_size  }
0x9a: {  	s5 =	simm.s32 $_size__tile_overlayer_lowered;
	s6 =	simm.s32 $_tile_overlayer_lowered  }
0x9b: {  	s22 =	simm.s32 $0x1BFF;
	s21 =	sshll.u32 s6, $0x1;
	s3 =	sadd.s32 s4, s19  }
0x9c: {  	s7 =	simm.s32 $0x0;
	s20 =	sshll.u32 s5, $0x1;
	s5 =	sadd.s32 s21, s3  }
0x9d: {  	[timem:s7], [sflag:s22] =	dma.local [hbm:s5], s20  }
0x9e: {  	_ =	swait.ge [sflag:s22], s20  }
0x9f: {  	s4 =	ssub.s32 $0x0, s20;
	[sflag:s22] =	ssyncset.done $0x0  }
0xa0: {  	[sflag:s22] =	ssyncadd.s32 s4;
	_ =	sdelay $0x1  }
0xa1: {  	s23 =	simm.s32 $0x1B8B  }
0xa2: {  	_ =	swait.ge [sflag:s23], $0x1  }
0xa3: {  	[sflag:s23] =	ssyncset.done $0x0  }
0xa4: {  	s25 =	simm.s32 $0x1B8E;
	s24 =	sld [smem:$0x3FFE];
	[sflag:s23] =	ssyncadd.s32 $0xFFFFFFFF  }
0xa5: {  	s26 =	simm.s32 $execute0_lowered;
	[smem:$0x3FD2] =	sst s25  }
0xa6: {  	s5 =	sshll.u32 s26, $0x1;
	_ =	strace $0x8000004C;
	[dreg:$0x1] =	wrdreg $0xFFFFFFFF  }
0xa7: {  	s28 =	simm.s32 $_size_execute0_lowered;
	s3 =	sadd.s32 s3, s5;
	[dreg:$0x0] =	wrdreg $0x0  }
0xa8: {  	s5 =	sshll.u32 s28, $0x1;
	[dreg:$0x2] =	wrdreg s3  }
0xa9: {  	[dreg:$0x3] =	wrdreg s5  }
0xaa: {  	[dreg:$0x4] =	wrdreg $0xC0  }
0xab: {  	_ =	task [dreg:s7], $0x5FFFF  }
0xac: {  	[dreg:$0x1] =	wrdreg $0xFFFFFFFF  }
0xad: {  	[dreg:$0x0] =	wrdreg $0x60  }
0xae: {  	[dreg:$0x2] =	wrdreg s2  }
0xaf: {  	[dreg:$0x3] =	wrdreg s24  }
0xb0: {  	[dreg:$0x4] =	wrdreg $0xC6200  }
0xb1: {  	[dreg:$0x5] =	wrdreg $0x9  }
0xb2: {  	_ =	task.clear_ibuf [dreg:s7], $0x6FFFF;
	_ =	strace $0x9000004C  }
0xb3: {  	s29 =	simm.s32 $0x9;
	_ =	strace $0x8000004E  }
0xb4: {  	_ =	swait.ge [sflag:s29], $0x1  }
0xb5: {  	[sflag:s29] =	ssyncadd.s32 $0xFFFFFFFF  }
0xb6: {  	_ =	strace $0x9000004E  }
0xb7: {  	_ =	sfence  }
0xb8: {  	s30 =	sld [smem:$0x0];
	_ =	sdelay $0x2  }
0xb9: {  	s31 =	sshll.u32 s1, $0xD;
	s1 =	sshrl.u32 s1, $0x2  }
0xba: {  	s3 =	sand.u32 $0x4000, s31;
	s1 =	sadd.s32 s1, s30  }
0xbb: {  	s0 =	sor.u32 s3, s0;
	s1 =	sshll.u32 s1, $0x11  }
0xbc: {  	s0 =	sor.u32 s1, s0  }
0xbd: {  	s0 =	sadd.s32 $0x8F2B, s0  }
0xbe: {  	[sflag:s0] =	ssyncadd.remote.s32 $0x1  }
0xbf: {  	_ =	sfence.sel $0xFFFF  }
0xc0: {  	[dreg:$0x0] =	wrdreg $0xFFFFFFFF;
	(pc) =	sbr.abs _section_cstart, $3  }
0xc1: {  	[dreg:$0x1] =	wrdreg $0xFFFFFFFF  }
0xc2: {  	_ =	task.clear_ibuf [dreg:s7], $0x2FFFF;
	_ =	strace $0x9FFFFFFF  }
0xc3: {  	(tm) =	ssettm $0x7FFFFFFF  }
tec
execute0_lowered:
.L_overlay_start_1:
0x0: {  	(tag) =	ssettag $0x1  }
0x1: {  	s0 =	srdreg.scid;
	s1 =	rddreg [dreg:$0x0]  }
0x2: {  	s7 =	stileid.u32;
	s4 =	rddreg [dreg:$0x1]  }
0x3: {  	s3 =	rddreg [dreg:$0x2];
	s6 =	simm.s32 $0x0;
	s17 =	simm.s32 $0x7  }
0x4: {  	s19 =	simm.s32 $0x9E20;
	s20 =	simm.s32 $0x50;
	s23 =	simm.s32 $0x6  }
0x5: {  	s0 =	sand.u32 $0x1, s0;
	s2 =	sshll.u32 s7, $0x1;
	s5 =	smul.u32 $0x13880, s7  }
0x6: {  	[smem:$0x7FF] =	sst s6;
	s7 =	smul.u32 $0x4E200, s7;
	s2 =	sor.u32 s0, s2  }
0x7: {  	s24 =	smul.u32 $0x138800, s0;
	_ =	strace $0x8000004D;
	s0 =	ssub.s32 $0x2, s0  }
0x8: {  	s2 =	smul.u32 $0x2710, s2;
	s25 =	sshrl.u32 s0, $0x1;
	s7 =	sshrl.u32 s7, $0x2  }
0x9: {  	s6 =	sadd.s32 s5, s24;
	s0 =	ssub.s32 s0, s25;
	s28 =	sadd.s32 s7, s3  }
0xa: {  	s7 =	sadd.s32 s5, s3;
	s24 =	simm.s32 $0x4;
	s25 =	simm.s32 $0x5  }
0xb: {  	s2 =	sshrl.u32 s2, $0x3;
	s6 =	sshrl.u32 s6, $0x3;
	s29 =	sadd.s32 $0x2800, s28  }
0xc: {  	s30 =	sadd.s32 $0x5000, s28;
	s31 =	sadd.s32 $0x7800, s28;
	s11 =	sadd.s32 $0xA000, s28  }
0xd: {  	s12 =	sadd.s32 $0xC800, s28;
	s13 =	sadd.s32 $0xF000, s28;
	[dreg:$0x6] =	wrdreg s29  }
0xe: {  	s14 =	sadd.s32 $0x11800, s28;
	s2 =	sadd.s32 s2, s4;
	[dreg:$0x7] =	wrdreg s30  }
0xf: {  	s16 =	smax.u32 s0, $0x1;
	[dreg:$0x8] =	wrdreg s31;
	s26 =	sadd.s32 $0x2800, s2  }
0x10: {  	s4 =	sadd.s32 s6, s4;
	s2 =	sadd.s32 $0xC440, s2;
	[dreg:$0x4] =	wrdreg s26  }
0x11: {  	v0 =	vimm.f32 $0.0e+00;
	s15 =	sadd.s32 $0x16200, s4;
	[dreg:$0x5] =	wrdreg s2;
	s26 =	simm.s32 $0x0  }
.LBB2_1:
0x12: {  	s0 =	simm.s32 $0x0;
	s2 =	rddreg [dreg:$0x4]  }
0x13: {  	[tilespmem:s0], [sflag:$0x7] =	stream.linear.gather [hbm4b:s2+s0], $0x2710, $0x38;
	[tilespmem:$0x1FEA0] =	vst v63  }
0x14: {  	_ =	swait.ge [sflag:s17], $0x2710  }
0x15: {  	[sflag:s17] =	ssyncset.done $0x0  }
0x16: {  	s4 =	simm.s32 $0x2710;
	s31 =	rddreg [dreg:$0x5];
	[sflag:s17] =	ssyncadd.s32 $0xFFFFD8F0  }
0x17: {  	[tilespmem:s4], [sflag:$0x7] =	stream.linear.gather [hbm4b:s31+s0], $0x2710, $0x38;
	[tilespmem:$0x1FEA0] =	vst v63  }
0x18: {  	_ =	swait.ge [sflag:s17], $0x2710  }
0x19: {  	[sflag:s17] =	ssyncset.done $0x0  }
0x1a: {  	s2 =	simm.s32 $0x200;
	s0 =	simm.s32 $0x0;
	[sflag:s17] =	ssyncadd.s32 $0xFFFFD8F0  }
.LBB2_2:
0x1b: {  	p0 =	sne.s32 s2, $0x9E00;
	[tilespmem:s0+$0x9E90] =	vst v0  }
0x1c: {  	[tilespmem:s0+$0x9E20] =	vst v0  }
0x1d: {  	[tilespmem:s0+$0x9E30] =	vst v0  }
.Ltmp0:
0x1e: {  	[tilespmem:s0+$0x9E40] =	vst v0;
	(pc) =	sbr.rel @p0 .LBB2_2-.Ltmp0, $4  }
0x1f: {  	[tilespmem:s0+$0x9E50] =	vst v0  }
0x20: {  	[tilespmem:s0+$0x9E60] =	vst v0  }
0x21: {  	[tilespmem:s0+$0x9E70] =	vst v0  }
0x22: {  	[tilespmem:s0+$0x9E80] =	vst v0;
	s0 =	sshra.s32 s2, $0x2;
	s2 =	sadd.s32 $0x200, s2  }
0x23: {  	[tilespmem:s0+$0x9E90] =	vst v0  }
0x24: {  	[tilespmem:s0+$0x9E20] =	vst v0  }
0x25: {  	[tilespmem:s0+$0x9E30] =	vst v0  }
0x26: {  	[tilespmem:s0+$0x9E40] =	vst v0  }
0x27: {  	[tilespmem:s0+$0x9E50] =	vst v0  }
0x28: {  	[tilespmem:s0+$0x9E60] =	vst v0  }
0x29: {  	[tilespmem:s0+$0x9E70] =	vst v0  }
0x2a: {  	[tilespmem:s0+$0x9E80] =	vst v0  }
0x2b: {  	[spmem:s7] =	stream.linear.scatter [tilespmem:s19], [sflag:$0x6], $0x2800, $0x38;
	[tilespmem:$0x1FEA0] =	vst v63  }
0x2c: {  	s22 =	rddreg [dreg:$0x6]  }
0x2d: {  	[spmem:s22] =	stream.linear.scatter [tilespmem:s19], [sflag:$0x6], $0x2800, $0x38;
	[tilespmem:$0x1FEA0] =	vst v63  }
0x2e: {  	s2 =	rddreg [dreg:$0x7]  }
0x2f: {  	[spmem:s2] =	stream.linear.scatter [tilespmem:s19], [sflag:$0x6], $0x2800, $0x38;
	[tilespmem:$0x1FEA0] =	vst v63  }
0x30: {  	s4 =	rddreg [dreg:$0x8]  }
0x31: {  	[spmem:s4] =	stream.linear.scatter [tilespmem:s19], [sflag:$0x6], $0x2800, $0x38;
	[tilespmem:$0x1FEA0] =	vst v63  }
0x32: {  	_ = 	snop  }
0x33: {  	[spmem:s11] =	stream.linear.scatter [tilespmem:s19], [sflag:$0x6], $0x2800, $0x38;
	[tilespmem:$0x1FEA0] =	vst v63  }
0x34: {  	_ = 	snop  }
0x35: {  	[spmem:s12] =	stream.linear.scatter [tilespmem:s19], [sflag:$0x6], $0x2800, $0x38;
	[tilespmem:$0x1FEA0] =	vst v63  }
0x36: {  	_ = 	snop  }
0x37: {  	[spmem:s13] =	stream.linear.scatter [tilespmem:s19], [sflag:$0x6], $0x2800, $0x38;
	[tilespmem:$0x1FEA0] =	vst v63  }
0x38: {  	_ = 	snop  }
0x39: {  	[spmem:s14] =	stream.linear.scatter [tilespmem:s19], [sflag:$0x6], $0x2080, $0x38;
	[tilespmem:$0x1FEA0] =	vst v63  }
0x3a: {  	s5 =	simm.s32 $0x0;
	s2 =	simm.s32 $0x4E20  }
0x3b: {  	[tilespmem:s2], [sflag:$0x1] =	stream.indirect.gather [hbm4b:s1+s20], $0x80, s5, s20, $0xb8;
	[tilespmem:$0x1FEA0] =	vst v63  }
0x3c: {  	s6 =	simm.s32 $0x7620  }
0x3d: {  	[tilespmem:s6], [sflag:$0x2] =	stream.indirect.gather [hbm4b:s1+s20], $0x80, s20, s20, $0xb8;
	[tilespmem:$0x1FEA0] =	vst v63  }
0x3e: {  	_ =	swait.ge [sflag:s23], $0x2800  }
0x3f: {  	[sflag:s23] =	ssyncset.done $0x0  }
0x40: {  	[sflag:s23] =	ssyncadd.s32 $0xFFFFD800  }
0x41: {  	_ =	swait.ge [sflag:s23], $0x2800  }
0x42: {  	[sflag:s23] =	ssyncset.done $0x0  }
0x43: {  	[sflag:s23] =	ssyncadd.s32 $0xFFFFD800  }
0x44: {  	_ =	swait.ge [sflag:s23], $0x2800  }
0x45: {  	[sflag:s23] =	ssyncset.done $0x0  }
0x46: {  	[sflag:s23] =	ssyncadd.s32 $0xFFFFD800  }
0x47: {  	s29 =	simm.s32 $0xA0;
	s28 =	simm.s32 $0x1;
	_ =	swait.ge [sflag:s23], $0x2800  }
0x48: {  	p0 =	por $0x0, $0x0;
	s0 =	smul.u32 $0xAB, s5;
	[sflag:s23] =	ssyncset.done $0x0  }
0x49: {  	s31 =	simm.s32 $0x2760;
	p2 =	por $0x0, $0x0;
	[sflag:s23] =	ssyncadd.s32 $0xFFFFD800  }
0x4a: {  	s8 =	sadd.s32 $0x156, s0;
	s0 =	sshrl.u32 s0, $0x9;
	_ =	swait.ge [sflag:s23], $0x2800  }
0x4b: {  	s30 =	smul.u32 $0xAB, s28;
	s0 =	sand.u32 $0x7F, s0;
	[sflag:s23] =	ssyncset.done $0x0  }
0x4c: {  	s0 =	smul.u32 $0x3, s0;
	s2 =	sshrl.u32 s8, $0x9;
	[sflag:s23] =	ssyncadd.s32 $0xFFFFD800  }
0x4d: {  	p1 =	por @!p0 $0x1, $0x1;
	s2 =	sand.u32 $0x7F, s2;
	_ =	swait.ge [sflag:s23], $0x2800  }
0x4e: {  	s18 =	ssub.s32 $0x0, s0;
	s2 =	smul.u32 $0x3, s2;
	[sflag:s23] =	ssyncset.done $0x0  }
0x4f: {  	s4 =	simm.s32 $0x2710;
	s21 =	sand.u32 $0xFF, s18;
	[sflag:s23] =	ssyncadd.s32 $0xFFFFD800  }
0x50: {  	s18 =	simm.s32 $0x2;
	s2 =	ssub.s32 $0x0, s2;
	_ =	swait.ge [sflag:s23], $0x2800  }
0x51: {  	s10 =	sadd.s32 $0x1, s21;
	s2 =	sadd.s32 $0x2, s2;
	[sflag:s23] =	ssyncset.done $0x0  }
0x52: {  	s6 =	sadd.s32 $0x156, s30;
	s2 =	sand.u32 $0xFF, s2;
	[sflag:s23] =	ssyncadd.s32 $0xFFFFD800  }
0x53: {  	s6 =	sshrl.u32 s6, $0x9;
	s5 =	smul.u32 @!p0 $0xA000, s2;
	_ =	swait.ge [sflag:s23], $0x2080  }
0x54: {  	s22 =	smul.u32 $0xA000, s21;
	s9 =	sand.u32 $0x7F, s6;
	[sflag:s23] =	ssyncset.done $0x0  }
0x55: {  	s8 =	sshrl.u32 @!p0 s5, $0x2;
	s5 =	smul.u32 $0x3, s9;
	[sflag:s23] =	ssyncadd.s32 $0xFFFFDF80  }
0x56: {  	s22 =	sshrl.u32 s22, $0x2;
	s0 =	sadd.s32 @!p0 $0x1, s2;
	[bflag:$0x0] =	sbarrier.arrive $0xFFFF  }
0x57: {  	p0 =	por p0, p0;
	s5 =	ssub.s32 $0x1, s5;
	_ =	swait.ge [sflag:s10], $0x2800  }
0x58: {  	p3 =	por p1, p0;
	s5 =	sadd.s32 $0x2, s5;
	[sflag:s10] =	ssyncset.done $0x0  }
0x59: {  	[sflag:s10] =	ssyncadd.s32 $0xFFFFD800;
	s10 =	sadd.s32 $0x4E20, s22;
	s22 =	sor.u32 $0x4, s21  }
0x5a: {  	[spmem:s3] =	stream.indirect.scatter.add.f32 [tilespmem:s10], [sflag:s22], $0x80, s4, s20, $0xb8;
	[tilespmem:$0x1FEA0] =	vst v63  }
0x5b: {  	p1 =	por @!p2 $0x0, $0x0;
	s9 =	sadd.s32 @!p3 $0x4, s2;
	s22 =	sand.u32 $0xFF, s5  }
0x5c: {  	s2 =	simm.s32 $0xF0;
	_ =	swait.ge @!p3 [sflag:s9], $0x2800;
	s6 =	smul.u32 @!p2 $0xA000, s22  }
0x5d: {  	s5 =	simm.s32 @!p0 $0x50;
	s4 =	sadd.s32 @!p2 $0x1, s22;
	[sflag:s9] =	ssyncset.done @!p3 $0x0  }
0x5e: {  	[sflag:s9] =	ssyncadd.s32 @!p3 $0xFFFFD800;
	s21 =	sshrl.u32 @!p2 s6, $0x2;
	s6 =	sadd.s32 @!p0 $0x4E20, s8  }
.LBB2_4:
0x5f: {  	[tilespmem:s6], [sflag:s0] =	stream.indirect.gather @!p0 [hbm4b:s1+s5], $0x80, s29, s5, $0xb8;
	[tilespmem:$0x1FEA0] =	vst v63  }
0x60: {  	s5 =	smov.u32 s28  }
0x61: {  	s28 =	smov.u32 s18;
	s6 =	smov.u32 s31;
	p0 =	por p2, p2  }
0x62: {  	s18 =	sadd.s32 $0x1, s18;
	s29 =	smov.u32 s2;
	s8 =	smul.u32 $0xAB, s28  }
0x63: {  	s9 =	sshrl.u32 s30, $0x9;
	s0 =	smov.u32 s4;
	p3 =	sne.s32 s18, $0x7D  }
0x64: {  	s9 =	sand.u32 $0x7F, s9;
	s4 =	sadd.s32 $0x156, s8;
	s30 =	smov.u32 s8  }
0x65: {  	s8 =	smul.u32 $0x3, s9;
	s4 =	sshrl.u32 s4, $0x9  }
0x66: {  	s31 =	sadd.s32 $0x50, s31;
	s2 =	sadd.s32 $0x50, s2;
	s4 =	sand.u32 $0x7F, s4  }
0x67: {  	p4 =	por p1, p0;
	s5 =	ssub.s32 s5, s8;
	s4 =	smul.u32 $0x3, s4  }
0x68: {  	p2 =	sgt.u32 s28, $0x7A;
	s10 =	sadd.s32 @!p4 $0x4, s22;
	s5 =	sand.u32 $0xFF, s5  }
0x69: {  	s8 =	sadd.s32 $0x1, s5;
	s9 =	smul.u32 $0xA000, s5;
	s4 =	ssub.s32 s28, s4  }
0x6a: {  	s5 =	sor.u32 $0x4, s5;
	s4 =	sadd.s32 $0x2, s4;
	_ =	swait.ge [sflag:s8], $0x2800  }
0x6b: {  	s22 =	sand.u32 $0xFF, s4;
	s4 =	sshrl.u32 s9, $0x2;
	[sflag:s8] =	ssyncset.done $0x0  }
.Ltmp1:
0x6c: {  	s4 =	sadd.s32 $0x4E20, s4;
	[sflag:s8] =	ssyncadd.s32 $0xFFFFD800;
	(pc) =	sbr.rel @p3 .LBB2_4-.Ltmp1, $4  }
0x6d: {  	[spmem:s3] =	stream.indirect.scatter.add.f32 [tilespmem:s4], [sflag:s5], $0x80, s6, s20, $0xb8;
	[tilespmem:$0x1FEA0] =	vst v63  }
0x6e: {  	p1 =	seq.s32 @!p2 s28, $0x0;
	s8 =	smul.u32 @!p2 $0xA000, s22;
	_ =	swait.ge @!p4 [sflag:s10], $0x2800  }
0x6f: {  	s4 =	sadd.s32 @!p2 $0x1, s22;
	s5 =	simm.s32 @!p0 $0x50;
	[sflag:s10] =	ssyncset.done @!p4 $0x0  }
0x70: {  	s6 =	sadd.s32 @!p0 $0x4E20, s21;
	s21 =	sshrl.u32 @!p2 s8, $0x2;
	[sflag:s10] =	ssyncadd.s32 @!p4 $0xFFFFD800  }
0x71: {  	s8 =	sshrl.u32 s30, $0x9  }
0x72: {  	s8 =	sand.u32 $0x7F, s8  }
0x73: {  	s8 =	smul.u32 $0x3, s8  }
0x74: {  	[tilespmem:s6], [sflag:s0] =	stream.indirect.gather @!p0 [hbm4b:s1+s5], $0x80, s29, s5, $0xb8;
	[tilespmem:$0x1FEA0] =	vst v63  }
0x75: {  	s18 =	ssub.s32 s28, s8  }
0x76: {  	s0 =	sand.u32 $0xFF, s18  }
0x77: {  	p0 =	por p2, p2;
	s28 =	sadd.s32 $0x1, s0;
	s29 =	smul.u32 $0xA000, s0  }
0x78: {  	p1 =	por p1, p0;
	_ =	swait.ge [sflag:s28], $0x2800  }
0x79: {  	s8 =	sadd.s32 @!p1 $0x4, s22;
	s6 =	sshrl.u32 s29, $0x2;
	[sflag:s28] =	ssyncset.done $0x0  }
0x7a: {  	s0 =	sor.u32 $0x4, s0;
	s6 =	sadd.s32 $0x4E20, s6;
	[sflag:s28] =	ssyncadd.s32 $0xFFFFD800  }
0x7b: {  	[spmem:s3] =	stream.indirect.scatter.add.f32 [tilespmem:s6], [sflag:s0], $0x80, s31, s20, $0xb8;
	[tilespmem:$0x1FEA0] =	vst v63  }
0x7c: {  	_ =	swait.ge @!p1 [sflag:s8], $0x2800  }
0x7d: {  	[sflag:s8] =	ssyncset.done @!p1 $0x0  }
0x7e: {  	s5 =	sadd.s32 @!p0 $0x4E20, s21;
	s0 =	simm.s32 @!p0 $0x50;
	[sflag:s8] =	ssyncadd.s32 @!p1 $0xFFFFD800  }
0x7f: {  	[tilespmem:s5], [sflag:s4] =	stream.indirect.gather @!p0 [hbm4b:s1+s0], $0x80, s2, s0, $0xb8;
	[tilespmem:$0x1FEA0] =	vst v63  }
0x80: {  	_ =	swait.ge [sflag:s24], $0x2800  }
0x81: {  	[sflag:s24] =	ssyncset.done $0x0  }
0x82: {  	[sflag:s24] =	ssyncadd.s32 $0xFFFFD800  }
0x83: {  	_ =	swait.ge [sflag:s25], $0x2800  }
0x84: {  	[sflag:s25] =	ssyncset.done $0x0  }
0x85: {  	[sflag:s25] =	ssyncadd.s32 $0xFFFFD800  }
0x86: {  	s30 =	stileid.u32;
	_ =	swait.ge [sflag:s23], $0x2800  }
0x87: {  	s26 =	sadd.s32 $0x1, s26;
	s31 =	sshrl.u32 s7, $0x3;
	[sflag:s23] =	ssyncset.done $0x0  }
0x88: {  	s0 =	sshll.u32 s30, $0x6;
	p0 =	sne.s32 s26, s16;
	[sflag:s23] =	ssyncadd.s32 $0xFFFFD800  }
.Ltmp2:
0x89: {  	s0 =	sor.u32 $0x1C07, s0;
	[bflag:$0x0] =	sbarrier.arrive $0xFFFF;
	(pc) =	sbr.rel @p0 .LBB2_1-.Ltmp2, $4  }
0x8a: {  	[hbm:s15], [sflag:s0] =	dma.local [spmem:s31], $0x2710  }
0x8b: {  	_ =	swait.ge [sflag:s17], $0x2710  }
0x8c: {  	[sflag:s17] =	ssyncset.done $0x0  }
0x8d: {  	[sflag:s17] =	ssyncadd.s32 $0xFFFFD8F0  }
0x8e: {  	_ =	sfence.sel $0x180000  }
0x8f: {  	[bflag:$0x0] =	sbarrier.arrive $0xFFFF  }
0x90: {  	_ =	strace $0x9000004D  }
0x91: {  	s0 =	stileid.u32;
	[bflag:$0x2] =	sbarrier.arrive $0xFFFF  }
0x92: {  	p0 =	sne.s32 s0, $0x0;
	s0 =	rddreg [dreg:$0x3]  }
0x93: {  	s0 =	sadd.s32 @!p0 $0x100000, s0  }
0x94: {  	[sflag:s0] =	ssyncadd.tile.s32 @!p0 $0x1;
	_ =	shalt  }
.Lfunc_end2:
_tile_overlayer_lowered:
.L_overlay_start_2:
0x95: {  	(tag) =	ssettag $0x2  }
0x96: {  	s0 =	rddreg [dreg:$0x0];
	s2 =	stileid.u32  }
0x97: {  	s1 =	rddreg [dreg:$0x1];
	p0 =	sne.s32 s2, $0x0  }
0x98: {  	s3 =	rddreg [dreg:$0x2];
	[bflag:$0x3] =	sbarrier.arrive $0xFFFF;
	s2 =	simm.s32 @!p0 $0x1C07  }
0x99: {  	[timem:s3], [sflag:s2] =	dma.local @!p0 [hbm:s0], s1  }
0x9a: {  	s0 =	simm.s32 @!p0 $0x7  }
0x9b: {  	_ =	swait.ge @!p0 [sflag:s0], s1  }
0x9c: {  	s1 =	ssub.s32 @!p0 $0x0, s1;
	[sflag:s0] =	ssyncset.done @!p0 $0x0  }
0x9d: {  	[sflag:s0] =	ssyncadd.s32 @!p0 s1  }
0x9e: {  	[bflag:$0x3] =	sbarrier.arrive $0xFFFF  }
0x9f: {  	_ =	shalt  }

// kernel: kernel.8.cloned.1.call-start
scs
__scs_entry_jumppad:
0x0: {  	(pc) =	sbr.rel $0x88, $3  }
0x1: {  	(tag) =	ssettag $0x0;
	lr =	simm.s32 $0x1  }
0x2: {  	[smem:$0x3F9B] =	sst lr;
	_ =	strace $0xD0000000  }
0x3: {  	_ = 	snop  }
0x4: {  	_ = 	snop  }
0x5: {  	_ = 	snop  }
0x6: {  	_ = 	snop  }
0x7: {  	_ = 	snop  }
__scs_overlays_trampoline_lowered:
0x8: {  	[smem:$0x3FAA] =	sst s0  }
0x9: {  	[smem:$0x3FAB] =	sst s1  }
0xa: {  	[smem:$0x3FAC] =	sst s2  }
0xb: {  	[smem:$0x3FAD] =	sst s3  }
0xc: {  	[smem:$0x3FAE] =	sst s4  }
0xd: {  	[smem:$0x3FAF] =	sst s5  }
0xe: {  	[smem:$0x3FB0] =	sst s6  }
0xf: {  	[smem:$0x3FB1] =	sst s7  }
0x10: {  	[smem:$0x3FB2] =	sst s8  }
0x11: {  	[smem:$0x3FB3] =	sst s9;
	s0 =	simm.s32 @!p0 $0x0  }
0x12: {  	s1 =	sld [smem:$0x3F99];
	s0 =	simm.s32 @p0 $0x1  }
0x13: {  	[smem:$0x3FB4] =	sst s0;
	s0 =	simm.s32 @!p1 $0x0  }
0x14: {  	s2 =	sld [smem:$0x3F98];
	s0 =	simm.s32 @p1 $0x1  }
0x15: {  	[smem:$0x3FB5] =	sst s0;
	s0 =	simm.s32 @!p2 $0x0  }
0x16: {  	s3 =	sld [smem:$0x3FDB];
	s0 =	simm.s32 @p2 $0x1  }
0x17: {  	s4 =	simm.s32 $0x1BF5;
	[smem:$0x3FB7] =	sst s0  }
0x18: {  	s0 =	sld [smem:$0x3F9A];
	_ =	swait.ge [sflag:s4], $0x0  }
0x19: {  	s7 =	sld [smem:$0x3F9B]  }
0x1a: {  	s8 =	sadd.s32 $0xFFFFE003, lr  }
0x1b: {  	s9 =	sadd.s32 $0xFFFFFEF7, lr;
	s5 =	simm.s32 $0xFFFFFFFF;
	p2 =	slt.u32 s8, $0xFFFFF086  }
0x1c: {  	p1 =	slt.u32 s9, $0xF7A;
	s5 =	simm.s32 @!p2 $0x0  }
0x1d: {  	s5 =	simm.s32 @p1 $0x1;
	p0 =	seq.s32 s7, s2  }
0x1e: {  	s7 =	smul.u32 @!p0 $0xF7A, s2;
	p2 =	seq.s32 @!p0 s5, $0x0  }
0x1f: {  	s9 =	smul.u32 $0xF7A, s1;
	s8 =	simm.s32 @!p0 $0x1BF5;
	p2 =	por !p2, p0  }
0x20: {  	[sflag:s8] =	ssyncset.s32 @!p0 $0xFFFFF086;
	s6 =	sadd.s32 @!p0 s3, s7;
	s7 =	simm.s32 @!p0 $0x108  }
0x21: {  	s3 =	sadd.s32 s3, s9;
	s6 =	sadd.s32 @!p0 $0x88, s6;
	s7 =	simm.s32 @p2 $0x1082  }
0x22: {  	[simem:s7], [sflag:s8] =	dma.local @!p0 [hbm:s6], $0xF7A  }
0x23: {  	s9 =	sor.u32 $0xD0000000, s2;
	s6 =	simm.s32 $0x108;
	_ =	swait.ge @!p0 [sflag:s8], $0x0  }
0x24: {  	s3 =	sadd.s32 $0x88, s3;
	s6 =	simm.s32 @!p1 $0x1082;
	[sflag:s4] =	ssyncset.s32 $0xFFFFF086  }
0x25: {  	[simem:s6], [sflag:s4] =	dma.local [hbm:s3], $0xF7A  }
0x26: {  	[smem:$0x3F9B] =	sst s1;
	(tag) =	ssettag s2;
	_ =	strace s9  }
0x27: {  	s1 =	sld [smem:$0x3FAB]  }
0x28: {  	s2 =	sld [smem:$0x3FAC]  }
0x29: {  	s4 =	sld [smem:$0x3FAE]  }
0x2a: {  	p0 =	seq.s32 s5, $0x0;
	s5 =	sld [smem:$0x3FAF]  }
0x2b: {  	s6 =	sld [smem:$0x3FB0]  }
0x2c: {  	s7 =	sld [smem:$0x3FB1]  }
0x2d: {  	s3 =	simm.s32 $0x108;
	s8 =	sld [smem:$0x3FB2]  }
0x2e: {  	s3 =	simm.s32 @!p0 $0x1082;
	s9 =	sld [smem:$0x3FB3]  }
0x2f: {  	lr =	sadd.s32 s0, s3;
	s0 =	sld [smem:$0x3FAA]  }
0x30: {  	s3 =	sld [smem:$0x3FAD]  }
0x31: {  	[smem:$0x3FB6] =	sst s10  }
0x32: {  	s10 =	sld [smem:$0x3FB4];
	_ =	sdelay $0x3  }
0x33: {  	p0 =	seq.s32 s10, $0x1;
	s10 =	sld [smem:$0x3FB6];
	_ =	sdelay $0x3  }
0x34: {  	[smem:$0x3FB6] =	sst s10  }
0x35: {  	s10 =	sld [smem:$0x3FB5];
	_ =	sdelay $0x3  }
0x36: {  	p1 =	seq.s32 s10, $0x1;
	s10 =	sld [smem:$0x3FB6];
	_ =	sdelay $0x3  }
0x37: {  	[smem:$0x3FB6] =	sst s10  }
0x38: {  	s10 =	sld [smem:$0x3FB7]  }
0x39: {  	_ = 	snop;
	(pc) =	sbr.ind lr, $3  }
0x3a: {  	_ = 	snop  }
0x3b: {  	_ = 	snop  }
0x3c: {  	p2 =	seq.s32 s10, $0x1;
	s10 =	sld [smem:$0x3FB6]  }
0x3d: {  	_ =	shalt  }
0x3e: {  	_ =	shalt  }
0x3f: {  	_ =	shalt  }
0x40: {  	_ =	shalt  }
0x41: {  	_ =	shalt  }
0x42: {  	_ =	shalt  }
0x43: {  	_ =	shalt  }
0x44: {  	_ =	shalt  }
0x45: {  	_ =	shalt  }
0x46: {  	_ =	shalt  }
0x47: {  	_ =	shalt  }
0x48: {  	_ =	shalt  }
0x49: {  	_ =	shalt  }
0x4a: {  	_ =	shalt  }
0x4b: {  	_ =	shalt  }
0x4c: {  	_ =	shalt  }
0x4d: {  	_ =	shalt  }
0x4e: {  	_ =	shalt  }
0x4f: {  	_ =	shalt  }
0x50: {  	_ =	shalt  }
0x51: {  	_ =	shalt  }
0x52: {  	_ =	shalt  }
0x53: {  	_ =	shalt  }
0x54: {  	_ =	shalt  }
0x55: {  	_ =	shalt  }
0x56: {  	_ =	shalt  }
0x57: {  	_ =	shalt  }
0x58: {  	_ =	shalt  }
0x59: {  	_ =	shalt  }
0x5a: {  	_ =	shalt  }
0x5b: {  	_ =	shalt  }
0x5c: {  	_ =	shalt  }
0x5d: {  	_ =	shalt  }
0x5e: {  	_ =	shalt  }
0x5f: {  	_ =	shalt  }
0x60: {  	_ =	shalt  }
0x61: {  	_ =	shalt  }
0x62: {  	_ =	shalt  }
0x63: {  	_ =	shalt  }
0x64: {  	_ =	shalt  }
0x65: {  	_ =	shalt  }
0x66: {  	_ =	shalt  }
0x67: {  	_ =	shalt  }
0x68: {  	_ =	shalt  }
0x69: {  	_ =	shalt  }
0x6a: {  	_ =	shalt  }
0x6b: {  	_ =	shalt  }
0x6c: {  	_ =	shalt  }
0x6d: {  	_ =	shalt  }
0x6e: {  	_ =	shalt  }
0x6f: {  	_ =	shalt  }
0x70: {  	_ =	shalt  }
0x71: {  	_ =	shalt  }
0x72: {  	_ =	shalt  }
0x73: {  	_ =	shalt  }
0x74: {  	_ =	shalt  }
0x75: {  	_ =	shalt  }
0x76: {  	_ =	shalt  }
0x77: {  	_ =	shalt  }
0x78: {  	_ =	shalt  }
0x79: {  	_ =	shalt  }
0x7a: {  	_ =	shalt  }
0x7b: {  	_ =	shalt  }
0x7c: {  	_ =	shalt  }
0x7d: {  	_ =	shalt  }
0x7e: {  	_ =	shalt  }
0x7f: {  	_ =	shalt  }
0x80: {  	_ =	shalt  }
0x81: {  	_ =	shalt  }
0x82: {  	_ =	shalt  }
0x83: {  	_ =	shalt  }
0x84: {  	_ =	shalt  }
0x85: {  	_ =	shalt  }
0x86: {  	_ =	shalt  }
0x87: {  	_ =	shalt  }
.Lfunc_end0:
.L_simem_size_0:
called_computation_lowered:
.L_overlay_start_0:
0x88: {  	s2 =	sld [smem:$0x3FD9]  }
0x89: {  	s3 =	sld [smem:$0x3FFE];
	_ =	sdelay $0x1  }
0x8a: {  	s1 =	srdreg.scid  }
0x8b: {  	s0 =	sand.u32 $0x1, s1  }
0x8c: {  	s17 =	sshll.u32 s0, $0xA;
	s2 =	sadd.s32 s3, s2  }
0x8d: {  	s2 =	sadd.s32 s2, s17  }
0x8e: {  	[smem:$0x3FC2] =	sst s2  }
0x8f: {  	_ = 	snop  }
0x90: {  	s2 =	sld [smem:$0x3FD0];
	(tm) =	ssettm $0x1  }
0x91: {  	s18 =	sld [smem:$0x3FFB];
	_ =	sdelay $0x3  }
0x92: {  	_ =	strace s18  }
0x93: {  	s3 =	sld [smem:$0x3FFC];
	_ =	sdelay $0x3  }
0x94: {  	_ =	strace s3  }
0x95: {  	s3 =	sld [smem:$0x3FFD];
	_ =	sdelay $0x3  }
0x96: {  	_ =	strace s3  }
0x97: {  	_ =	strace $0x8FFFFFFF  }
0x98: {  	s19 =	sld [smem:$0x3FDB];
	_ =	sdelay $0x1  }
0x99: {  	s4 =	simm.s32 $_scs_section_size  }
0x9a: {  	s5 =	simm.s32 $_size__tile_overlayer_lowered;
	s6 =	simm.s32 $_tile_overlayer_lowered  }
0x9b: {  	s22 =	simm.s32 $0x1BFF;
	s21 =	sshll.u32 s6, $0x1;
	s3 =	sadd.s32 s4, s19  }
0x9c: {  	s7 =	simm.s32 $0x0;
	s20 =	sshll.u32 s5, $0x1;
	s5 =	sadd.s32 s21, s3  }
0x9d: {  	[timem:s7], [sflag:s22] =	dma.local [hbm:s5], s20  }
0x9e: {  	_ =	swait.ge [sflag:s22], s20  }
0x9f: {  	s4 =	ssub.s32 $0x0, s20;
	[sflag:s22] =	ssyncset.done $0x0  }
0xa0: {  	[sflag:s22] =	ssyncadd.s32 s4;
	_ =	sdelay $0x1  }
0xa1: {  	s23 =	simm.s32 $0x1B8B  }
0xa2: {  	_ =	swait.ge [sflag:s23], $0x1  }
0xa3: {  	[sflag:s23] =	ssyncset.done $0x0  }
0xa4: {  	s25 =	simm.s32 $0x1B8E;
	s24 =	sld [smem:$0x3FFE];
	[sflag:s23] =	ssyncadd.s32 $0xFFFFFFFF  }
0xa5: {  	s26 =	simm.s32 $execute0_lowered;
	[smem:$0x3FD2] =	sst s25  }
0xa6: {  	s5 =	sshll.u32 s26, $0x1;
	_ =	strace $0x80000046;
	[dreg:$0x1] =	wrdreg $0xFFFFFFFF  }
0xa7: {  	s28 =	simm.s32 $_size_execute0_lowered;
	s3 =	sadd.s32 s3, s5;
	[dreg:$0x0] =	wrdreg $0x0  }
0xa8: {  	s5 =	sshll.u32 s28, $0x1;
	[dreg:$0x2] =	wrdreg s3  }
0xa9: {  	[dreg:$0x3] =	wrdreg s5  }
0xaa: {  	[dreg:$0x4] =	wrdreg $0xC0  }
0xab: {  	_ =	task [dreg:s7], $0x5FFFF  }
0xac: {  	[dreg:$0x1] =	wrdreg $0xFFFFFFFF  }
0xad: {  	[dreg:$0x0] =	wrdreg $0x60  }
0xae: {  	[dreg:$0x2] =	wrdreg s24  }
0xaf: {  	[dreg:$0x3] =	wrdreg s2  }
0xb0: {  	[dreg:$0x4] =	wrdreg $0x9  }
0xb1: {  	_ =	task.clear_ibuf [dreg:s7], $0x5FFFF;
	_ =	strace $0x90000046  }
0xb2: {  	s29 =	simm.s32 $0x9;
	_ =	strace $0x80000048  }
0xb3: {  	_ =	swait.ge [sflag:s29], $0x1  }
0xb4: {  	[sflag:s29] =	ssyncadd.s32 $0xFFFFFFFF  }
0xb5: {  	_ =	strace $0x90000048  }
0xb6: {  	_ =	sfence  }
0xb7: {  	s30 =	sld [smem:$0x0];
	_ =	sdelay $0x2  }
0xb8: {  	s31 =	sshll.u32 s1, $0xD;
	s1 =	sshrl.u32 s1, $0x2  }
0xb9: {  	s3 =	sand.u32 $0x4000, s31;
	s1 =	sadd.s32 s1, s30  }
0xba: {  	s0 =	sor.u32 s3, s0;
	s1 =	sshll.u32 s1, $0x11  }
0xbb: {  	s0 =	sor.u32 s1, s0  }
0xbc: {  	s0 =	sadd.s32 $0x8F2B, s0  }
0xbd: {  	[sflag:s0] =	ssyncadd.remote.s32 $0x1  }
0xbe: {  	_ =	sfence.sel $0xFFFF  }
0xbf: {  	[dreg:$0x0] =	wrdreg $0xFFFFFFFF;
	(pc) =	sbr.abs _section_cstart, $3  }
0xc0: {  	[dreg:$0x1] =	wrdreg $0xFFFFFFFF  }
0xc1: {  	_ =	task.clear_ibuf [dreg:s7], $0x2FFFF;
	_ =	strace $0x9FFFFFFF  }
0xc2: {  	(tm) =	ssettm $0x7FFFFFFF  }
0xc3: {  	_ =	shalt  }
tec
execute0_lowered:
.L_overlay_start_1:
0x0: {  	(tag) =	ssettag $0x1  }
0x1: {  	s1 =	srdreg.scid;
	s0 =	stileid.u32  }
0x2: {  	s4 =	rddreg [dreg:$0x0];
	s3 =	sand.u32 $0x1, s1;
	s30 =	sshll.u32 s0, $0x1  }
0x3: {  	s5 =	rddreg [dreg:$0x1];
	s2 =	simm.s32 $0x0;
	s1 =	sor.u32 s3, s30  }
0x4: {  	[smem:$0x7FF] =	sst s2;
	s3 =	ssub.s32 $0x2, s3;
	s6 =	smul.u32 $0x2710, s1  }
0x5: {  	s8 =	simm.s32 $0x0;
	s1 =	rddreg [dreg:$0x2];
	s7 =	sshrl.u32 s3, $0x1  }
0x6: {  	_ =	strace $0x80000047;
	s7 =	ssub.s32 s3, s7;
	s6 =	sshrl.u32 s6, $0x3  }
0x7: {  	s31 =	sadd.s32 s4, s6;
	s4 =	sadd.s32 s5, s6;
	s5 =	smax.u32 s7, $0x1  }
0x8: {  	v0 =	vimm.f32 $0.0e+00;
	v1 =	vimm.f32 $1.000000000e+00;
	s6 =	simm.s32 $0x2710;
	s7 =	simm.s32 $0x1;
	s3 =	sadd.s32 $0xC440, s31  }
.LBB2_1:
0x9: {  	s9 =	simm.s32 $0x40;
	s10 =	simm.s32 $0x0  }
.LBB2_2:
0xa: {  	p0 =	sne.s32 s9, $0x9C00;
	[tilespmem:s10+$0x0] =	vst v0;
	s10 =	smov.u32 s9;
	s9 =	sadd.s32 $0x40, s9  }
.Ltmp0:
0xb: {  	(pc) =	sbr.rel @p0 .LBB2_2-.Ltmp0, $2  }
0xc: {  	_ =	sdelay $0x2  }
0xd: {  	s10 =	sshra.s32 s10, $0x2  }
0xe: {  	[tilespmem:s10+$0x0] =	vst v0;
	s9 =	simm.s32 $0x0  }
0xf: {  	[tilespmem:s6], [sflag:$0x1] =	stream.linear.gather [hbm4b:s3+s9], $0x2710, $0x38;
	[tilespmem:$0x4E20] =	vst v63  }
0x10: {  	_ =	swait.ge [sflag:s7], $0x2710  }
0x11: {  	[sflag:s7] =	ssyncset.done $0x0  }
0x12: {  	[sflag:s7] =	ssyncadd.s32 $0xFFFFD8F0  }
.LBB2_4:
0x13: {  	s10 =	sshra.s32 s9, $0x2  }
0x14: {  	v2 =	vld [tilespmem:s10+$0x2710];
	_ =	sdelay $0x7  }
0x15: {  	[tilespmem:v2+s2+$0x0] =	vst.idx.add.f32.msk $0xffff, v1  }
0x16: {  	v2 =	vld [tilespmem:s10+$0x2720];
	_ =	sdelay $0x7  }
0x17: {  	[tilespmem:v2+s2+$0x0] =	vst.idx.add.f32.msk $0xffff, v1  }
0x18: {  	v2 =	vld [tilespmem:s10+$0x2730];
	_ =	sdelay $0x7  }
0x19: {  	[tilespmem:v2+s2+$0x0] =	vst.idx.add.f32.msk $0xffff, v1  }
0x1a: {  	v2 =	vld [tilespmem:s10+$0x2740];
	_ =	sdelay $0x7  }
0x1b: {  	[tilespmem:v2+s2+$0x0] =	vst.idx.add.f32.msk $0xffff, v1  }
0x1c: {  	v2 =	vld [tilespmem:s10+$0x2750];
	_ =	sdelay $0x2  }
0x1d: {  	p0 =	sne.s32 s9, $0x9B00  }
.Ltmp1:
0x1e: {  	_ = 	snop;
	(pc) =	sbr.rel @p0 .LBB2_4-.Ltmp1, $2  }
0x1f: {  	_ =	sdelay $0x2  }
0x20: {  	s9 =	sadd.s32 $0x140, s9;
	[tilespmem:v2+s2+$0x0] =	vst.idx.add.f32.msk $0xffff, v1  }
0x21: {  	s8 =	sadd.s32 $0x1, s8  }
0x22: {  	p0 =	sne.s32 s8, s5  }
.Ltmp2:
0x23: {  	_ = 	snop;
	(pc) =	sbr.rel @p0 .LBB2_1-.Ltmp2, $4  }
0x24: {  	[hbm4b:s4+s2] =	stream.linear.scatter [tilespmem:s2], [sflag:$0x1], $0x2710, $0x38;
	[tilespmem:$0x4E20] =	vst v63  }
0x25: {  	_ =	swait.ge [sflag:s7], $0x2710  }
0x26: {  	[sflag:s7] =	ssyncset.done $0x0  }
0x27: {  	[sflag:s7] =	ssyncadd.s32 $0xFFFFD8F0  }
0x28: {  	_ =	sfence.sel $0x180000  }
0x29: {  	[bflag:$0x0] =	sbarrier.arrive $0xFFFF  }
0x2a: {  	p0 =	sne.s32 s0, $0x0;
	_ =	strace $0x90000047  }
0x2b: {  	s0 =	sadd.s32 @!p0 $0x100000, s1;
	[bflag:$0x2] =	sbarrier.arrive $0xFFFF  }
0x2c: {  	[sflag:s0] =	ssyncadd.tile.s32 @!p0 $0x1;
	_ =	shalt  }
.Lfunc_end2:
_tile_overlayer_lowered:
.L_overlay_start_2:
0x2d: {  	(tag) =	ssettag $0x2  }
0x2e: {  	s0 =	rddreg [dreg:$0x0];
	s2 =	stileid.u32  }
0x2f: {  	s1 =	rddreg [dreg:$0x1];
	p0 =	sne.s32 s2, $0x0  }
0x30: {  	s3 =	rddreg [dreg:$0x2];
	[bflag:$0x3] =	sbarrier.arrive $0xFFFF;
	s2 =	simm.s32 @!p0 $0x1C01  }
0x31: {  	[timem:s3], [sflag:s2] =	dma.local @!p0 [hbm:s0], s1  }
0x32: {  	s0 =	simm.s32 @!p0 $0x1  }
0x33: {  	_ =	swait.ge @!p0 [sflag:s0], s1  }
0x34: {  	s1 =	ssub.s32 @!p0 $0x0, s1;
	[sflag:s0] =	ssyncset.done @!p0 $0x0  }
0x35: {  	[sflag:s0] =	ssyncadd.s32 @!p0 s1  }
0x36: {  	[bflag:$0x3] =	sbarrier.arrive $0xFFFF  }
0x37: {  	_ =	shalt  }

</sc_bundles>
